<compile_context>
chip_gen: v7x
topology: tpu7x:2x2x1
jax: 0.10.2.dev20260603
libtpu: 0.0.44.dev20260713+nightly
codegen_flags: <defaults>
</compile_context>

<pallas_src>
import functools

import jax
import jax.numpy as jnp
from jax import lax
from jax.experimental import pallas as pl
from jax.experimental.pallas import tpu as pltpu
from jax.experimental.pallas import tpu_sc as plsc

N = 10000
NPAD = 10240
E = 160000
EPAD = 163840
D = 256
DH = 128
G = 64
ACC_ROWS = NPAD + 16
RB = 512
NRB = NPAD // RB

_mesh = plsc.VectorSubcoreMesh(core_axis_name="c", subcore_axis_name="s")



@functools.partial(
    pl.kernel,
    mesh=_mesh,
    out_type=jax.ShapeDtypeStruct((2 * NPAD, 16), jnp.float32),
    scratch_types=[
        pltpu.VMEM((40, 128), jnp.int32),
        pltpu.VMEM((128, 16), jnp.float32),
        pltpu.VMEM_SHARED((ACC_ROWS, 16), jnp.float32),
        pltpu.SemaphoreType.DMA,
        pltpu.SemaphoreType.DMA,
    ],
)
def _deg_kernel(dst_hbm, ones_hbm, zeros_hbm, out_hbm, dst_v, ones_v, acc,
                sem, sem2):
    c = lax.axis_index("c")
    s = lax.axis_index("s")
    w = c * 16 + s

    pltpu.sync_copy(dst_hbm.at[pl.ds(w * 40, 40)], dst_v)
    pltpu.sync_copy(ones_hbm, ones_v)
    pltpu.sync_copy(zeros_hbm, acc.at[pl.ds(s * 640, 640)])
    plsc.subcore_barrier()

    def _edges(j, carry):
        pltpu.sync_copy(ones_v, acc.at[dst_v.at[j]], add=True)
        return carry

    lax.fori_loop(0, 40, _edges, 0)
    plsc.subcore_barrier()

    pltpu.sync_copy(acc.at[pl.ds(s * 640, 640)],
                    out_hbm.at[pl.ds(c * NPAD + s * 640, 640)])


@functools.partial(
    pl.kernel,
    mesh=_mesh,
    out_type=jax.ShapeDtypeStruct((2 * NPAD, DH), jnp.float32),
    scratch_types=[
        pltpu.VMEM((8, 80), jnp.int32),
        pltpu.VMEM((8, 80), jnp.int32),
        pltpu.VMEM((80, DH), jnp.float32),
        pltpu.VMEM((80, DH), jnp.float32),
        pltpu.VMEM((80, DH), jnp.float32),
        pltpu.VMEM_SHARED((ACC_ROWS, DH), jnp.float32),
        pltpu.SemaphoreType.DMA,
        pltpu.SemaphoreType.DMA,
        pltpu.SemaphoreType.DMA,
        pltpu.SemaphoreType.DMA,
    ],
)
def _agg_kernel(y_hbm, src_hbm, dst_hbm, z_hbm,
                src_v, dst_v, b0, b1, b2, acc, s0, s1, s2, ss):
    c = lax.axis_index("c")
    s = lax.axis_index("s")

    pltpu.sync_copy(y_hbm.at[pl.ds(c * NPAD + s * 640, 640)],
                    acc.at[pl.ds(s * 640, 640)])
    plsc.subcore_barrier()

    bufs = (b0, b1, b2)
    sems = (s0, s1, s2)

    def _blk(bi, carry):
        pltpu.sync_copy(src_hbm.at[pl.ds(c * 2048 + s * 128 + bi * 8, 8)],
                        src_v)
        pltpu.sync_copy(dst_hbm.at[pl.ds(s * 128 + bi * 8, 8)], dst_v)

        hs = [None, None, None]
        for i in range(3):
            hs[i] = pltpu.async_copy(y_hbm.at[src_v.at[i]], bufs[i], sems[i])
        for i in range(8):
            k = i % 3
            hs[k].wait()
            pltpu.sync_copy(bufs[k], acc.at[dst_v.at[i]], add=True)
            if i + 3 < 8:
                hs[k] = pltpu.async_copy(y_hbm.at[src_v.at[i + 3]], bufs[k],
                                         sems[k])
        return carry

    lax.fori_loop(0, 16, _blk, 0)
    plsc.subcore_barrier()

    pltpu.sync_copy(acc.at[pl.ds(s * 640, 640)],
                    z_hbm.at[pl.ds(c * NPAD + s * 640, 640)])



def _mm1_body(x_ref, w_ref, o_ref):
    o_ref[0] = jnp.dot(x_ref[...], w_ref[...],
                       preferred_element_type=jnp.float32)


def _mm1_call(x_p, W1):
    return pl.pallas_call(
        _mm1_body,
        grid=(NRB, 2),
        in_specs=[
            pl.BlockSpec((RB, D), lambda i, h: (i, 0)),
            pl.BlockSpec((D, DH), lambda i, h: (0, h)),
        ],
        out_specs=pl.BlockSpec((1, RB, DH), lambda i, h: (h, i, 0)),
        out_shape=jax.ShapeDtypeStruct((2, NPAD, DH), jnp.float32),
    )(x_p, W1)


def _scale_body(t_ref, degp_ref, oy_ref, od_ref):
    d = degp_ref[0].sum(axis=-1) + degp_ref[1].sum(axis=-1) + 1.0
    dv = lax.rsqrt(d)
    oy_ref[0] = t_ref[0] * dv[:, None]
    od_ref[...] = dv


def _scale_call(t1, degp):
    return pl.pallas_call(
        _scale_body,
        grid=(NRB, 2),
        in_specs=[
            pl.BlockSpec((1, RB, DH), lambda i, h: (h, i, 0)),
            pl.BlockSpec((2, RB, 16), lambda i, h: (0, i, 0)),
        ],
        out_specs=[
            pl.BlockSpec((1, RB, DH), lambda i, h: (h, i, 0)),
            pl.BlockSpec((RB,), lambda i, h: (i,)),
        ],
        out_shape=[
            jax.ShapeDtypeStruct((2, NPAD, DH), jnp.float32),
            jax.ShapeDtypeStruct((NPAD,), jnp.float32),
        ],
    )(t1, degp.reshape(2, NPAD, 16))


def _mm2_body(z_ref, dinv_ref, b_ref, w_ref, o_ref):
    dv = dinv_ref[...][:, None]
    h1a = jnp.maximum(z_ref[0] * dv + b_ref[0][None, :], 0.0)
    h1b = jnp.maximum(z_ref[1] * dv + b_ref[1][None, :], 0.0)
    w = w_ref[...]
    y = (jnp.dot(h1a, w[0:DH], preferred_element_type=jnp.float32)
         + jnp.dot(h1b, w[DH:D], preferred_element_type=jnp.float32))
    o_ref[0] = y * dv


def _mm2_call(z, dinv, b, W2):
    return pl.pallas_call(
        _mm2_body,
        grid=(NRB, 2),
        in_specs=[
            pl.BlockSpec((2, RB, DH), lambda i, h: (0, i, 0)),
            pl.BlockSpec((RB,), lambda i, h: (i,)),
            pl.BlockSpec((2, DH), lambda i, h: (0, 0)),
            pl.BlockSpec((D, DH), lambda i, h: (0, h)),
        ],
        out_specs=pl.BlockSpec((1, RB, DH), lambda i, h: (h, i, 0)),
        out_shape=jax.ShapeDtypeStruct((2, NPAD, DH), jnp.float32),
    )(z, dinv, b.reshape(2, DH), W2)


def _head_body(z_ref, dinv_ref, b_ref, batch_ref, wfc_ref, bfc_ref,
               o_ref, pa_ref, pb_ref):
    i = pl.program_id(0)
    dv = dinv_ref[...][:, None]
    h2a = jnp.maximum(z_ref[0] * dv + b_ref[0][None, :], 0.0)
    h2b = jnp.maximum(z_ref[1] * dv + b_ref[1][None, :], 0.0)
    bvec = batch_ref[0, 0]
    p = (bvec[None, :]
         == lax.broadcasted_iota(jnp.int32, (G, RB), 0)).astype(jnp.float32)
    pa = jnp.dot(p, h2a, preferred_element_type=jnp.float32)
    pb = jnp.dot(p, h2b, preferred_element_type=jnp.float32)

    @pl.when(i == 0)
    def _():
        pa_ref[...] = pa
        pb_ref[...] = pb

    @pl.when(i > 0)
    def _():
        pa_ref[...] += pa
        pb_ref[...] += pb

    @pl.when(i == NRB - 1)
    def _():
        w = wfc_ref[...]
        o_ref[...] = (
            jnp.dot(pa_ref[...], w[0:DH], preferred_element_type=jnp.float32)
            + jnp.dot(pb_ref[...], w[DH:D], preferred_element_type=jnp.float32)
            + bfc_ref[...][None, :])


def _head_call(z, dinv, b, batch3, Wfc, bfc):
    return pl.pallas_call(
        _head_body,
        grid=(NRB,),
        in_specs=[
            pl.BlockSpec((2, RB, DH), lambda i: (0, i, 0)),
            pl.BlockSpec((RB,), lambda i: (i,)),
            pl.BlockSpec((2, DH), lambda i: (0, 0)),
            pl.BlockSpec((1, 1, RB), lambda i: (i, 0, 0)),
            pl.BlockSpec((D, DH), lambda i: (0, 0)),
            pl.BlockSpec((DH,), lambda i: (0,)),
        ],
        out_specs=pl.BlockSpec((G, DH), lambda i: (0, 0)),
        out_shape=jax.ShapeDtypeStruct((G, DH), jnp.float32),
        scratch_shapes=[
            pltpu.VMEM((G, DH), jnp.float32),
            pltpu.VMEM((G, DH), jnp.float32),
        ],
    )(z, dinv, b.reshape(2, DH), batch3, Wfc, bfc)



def kernel(x, edge_index, batch, W1, b1, W2, b2, Wfc, bfc):
    src = edge_index[0]
    dst = edge_index[1]
    pad_e = EPAD - E
    src_p = jnp.concatenate([src, jnp.zeros((pad_e,), jnp.int32)])
    dst_p = jnp.concatenate([dst, jnp.full((pad_e,), NPAD, jnp.int32)])
    dst2d = dst_p.reshape(EPAD // 128, 128)
    dst2d80 = dst_p.reshape(EPAD // 80, 80)
    src3d80 = jnp.concatenate([src_p, src_p + NPAD]).reshape(2 * EPAD // 80, 80)

    x_p = jnp.pad(x, ((0, NPAD - N), (0, 0)))
    batch3 = jnp.concatenate(
        [batch, jnp.full((NPAD - N,), G, jnp.int32)]).reshape(NRB, 1, RB)

    ones_rows = jnp.zeros((128, 16), jnp.float32).at[:, 0].set(1.0)
    zeros_rows = jnp.zeros((640, 16), jnp.float32)
    degp = _deg_kernel(dst2d, ones_rows, zeros_rows)
    t1 = _mm1_call(x_p, W1)
    y1, dinv = _scale_call(t1, degp)
    z1 = _agg_kernel(y1.reshape(2 * NPAD, DH), src3d80, dst2d80)
    y2 = _mm2_call(z1.reshape(2, NPAD, DH), dinv, b1, W2)
    z2 = _agg_kernel(y2.reshape(2 * NPAD, DH), src3d80, dst2d80)
    return _head_call(z2.reshape(2, NPAD, DH), dinv, b2, batch3, Wfc, bfc)

# --- scband reference (transcript-rebuilt; emitter-appended) ---
"""Pipeline reference for scband-gnn-6880537608209 (READ-ONLY COPY).

The authoritative reference and input builder live on the scoring server;
editing this copy changes nothing except your own understanding.
"""

import jax, jax.numpy as jnp
import numpy as np

N = 10000
E = 160000
D_IN = 256
D_H = 256
D_OUT = 128
G = 64  # number of graphs in the batch


def _gcn_conv(x, edge_index, W, b):
    n = x.shape[0]
    src = edge_index[0]
    dst = edge_index[1]
    # add self-loops (PyG GCNConv default)
    loop = jnp.arange(n, dtype=src.dtype)
    src = jnp.concatenate([src, loop])
    dst = jnp.concatenate([dst, loop])
    # symmetric normalization deg^{-1/2}[src] * deg^{-1/2}[dst]
    deg = jnp.zeros((n,), dtype=x.dtype).at[dst].add(1.0)
    dinv = jnp.where(deg > 0, jax.lax.rsqrt(deg), 0.0)
    norm = dinv[src] * dinv[dst]
    xw = x @ W
    msg = xw[src] * norm[:, None]
    out = jnp.zeros((n, W.shape[1]), dtype=x.dtype).at[dst].add(msg)
    return out + b


def setup_inputs(seed: int = 0) -> dict:
    key = jax.random.key(seed)
    ks = jax.random.split(key, 9)
    x = jax.random.normal(ks[0], (N, D_IN), dtype=jnp.float32)
    edge_index = jax.random.randint(ks[1], (2, E), 0, N, dtype=jnp.int32)
    batch = jnp.sort(jax.random.randint(ks[2], (N,), 0, G, dtype=jnp.int32))
    s1 = 1.0 / np.sqrt(D_IN)
    s2 = 1.0 / np.sqrt(D_H)
    W1 = jax.random.normal(ks[3], (D_IN, D_H), dtype=jnp.float32) * s1
    b1 = jnp.zeros((D_H,), dtype=jnp.float32)
    W2 = jax.random.normal(ks[4], (D_H, D_H), dtype=jnp.float32) * s2
    b2 = jnp.zeros((D_H,), dtype=jnp.float32)
    Wfc = jax.random.normal(ks[5], (D_H, D_OUT), dtype=jnp.float32) * s2
    bfc = jnp.zeros((D_OUT,), dtype=jnp.float32)
    return {"x": x, "edge_index": edge_index, "batch": batch,
            "W1": W1, "b1": b1, "W2": W2, "b2": b2, "Wfc": Wfc, "bfc": bfc}


def reference(x, edge_index, batch, W1, b1, W2, b2, Wfc, bfc):
    h = jax.nn.relu(_gcn_conv(x, edge_index, W1, b1))
    h = jax.nn.relu(_gcn_conv(h, edge_index, W2, b2))
    pooled = jax.ops.segment_sum(h, batch, num_segments=G)
    return pooled @ Wfc + bfc

if __name__ == "__main__":
    import jax
    _d = setup_inputs()
    print(jax.jit(kernel)(*tuple(_d.values())))

</pallas_src>

<mosaic_0001>
#map = affine_map<(d0, d1) -> (0, 0)>
module attributes {stable_mosaic.version = 14 : i64} {
  func.func @_agg_kernel(%arg0: i32, %arg1: i32, %arg2: memref<20480x128xf32, #tpu.memory_space<hbm>>, %arg3: memref<4096x80xi32, #tpu.memory_space<hbm>>, %arg4: memref<2048x80xi32, #tpu.memory_space<hbm>>, %arg5: memref<20480x128xf32, #tpu.memory_space<hbm>>, %arg6: memref<8x80xi32, #tpu.memory_space<vmem>>, %arg7: memref<8x80xi32, #tpu.memory_space<vmem>>, %arg8: memref<80x128xf32, #tpu.memory_space<vmem>>, %arg9: memref<80x128xf32, #tpu.memory_space<vmem>>, %arg10: memref<80x128xf32, #tpu.memory_space<vmem>>, %arg11: memref<10256x128xf32, #tpu.memory_space<vmem_shared>>, %arg12: memref<!tpu.dma_semaphore, #tpu.memory_space<semaphore_mem>>, %arg13: memref<!tpu.dma_semaphore, #tpu.memory_space<semaphore_mem>>, %arg14: memref<!tpu.dma_semaphore, #tpu.memory_space<semaphore_mem>>, %arg15: memref<!tpu.dma_semaphore, #tpu.memory_space<semaphore_mem>>) attributes {dimension_semantics = [#tpu.dimension_semantics<core_parallel>, #tpu.dimension_semantics<subcore_parallel>], iteration_bounds = array<i64: 2, 16>, scalar_prefetch = 0 : i64, scratch_operands = 10 : i64, tpu.core_type = #tpu.core_type<sc_vector_subcore>, window_params = [{transform_indices = #map}, {transform_indices = #map}, {transform_indices = #map}, {transform_indices = #map}]} {
    %mul3A = arith.constant 10240 : i32
    %mul3A_0 = arith.muli %arg0, %mul3A : i32
    %mul3A_1 = arith.constant 640 : i32
    %mul3A_2 = arith.muli %arg1, %mul3A_1 : i32
    %add3A = arith.addi %mul3A_0, %mul3A_2 : i32
    %mul3A_3 = arith.constant 640 : i32
    %mul3A_4 = arith.muli %arg1, %mul3A_3 : i32
    "tpu.region"() ({
      %run_scoped3A = tpu.sem_alloc : memref<!tpu.dma_semaphore, #tpu.memory_space<semaphore_mem>>
      %dma_start3A = arith.constant 0 : i32
      %dma_start3A_18 = tpu.memref_slice %arg11[%mul3A_4, %dma_start3A] : memref<10256x128xf32, #tpu.memory_space<vmem_shared>> -> memref<640x128xf32, #tpu.memory_space<vmem_shared>>
      %dma_start3A_19 = arith.constant 0 : i32
      %dma_start3A_20 = tpu.memref_slice %arg2[%add3A, %dma_start3A_19] : memref<20480x128xf32, #tpu.memory_space<hbm>> -> memref<640x128xf32, #tpu.memory_space<hbm>>
      tpu.enqueue_dma source(%dma_start3A_20 : memref<640x128xf32, #tpu.memory_space<hbm>>) target(%dma_start3A_18 : memref<640x128xf32, #tpu.memory_space<vmem_shared>>) target_semaphore(%run_scoped3A : memref<!tpu.dma_semaphore, #tpu.memory_space<semaphore_mem>>)
      %dma_wait3A = arith.constant 0 : i32
      %dma_wait3A_21 = tpu.memref_slice %arg11[%mul3A_4, %dma_wait3A] : memref<10256x128xf32, #tpu.memory_space<vmem_shared>> -> memref<640x128xf32, #tpu.memory_space<vmem_shared>>
      %dma_wait3A_22 = arith.constant 0 : i32
      %dma_wait3A_23 = tpu.memref_slice %arg2[%add3A, %dma_wait3A_22] : memref<20480x128xf32, #tpu.memory_space<hbm>> -> memref<640x128xf32, #tpu.memory_space<hbm>>
      tpu.wait_dma2 semaphore(%run_scoped3A : memref<!tpu.dma_semaphore, #tpu.memory_space<semaphore_mem>>) src(%dma_wait3A_23 : memref<640x128xf32, #tpu.memory_space<hbm>>) dst(%dma_wait3A_21 : memref<640x128xf32, #tpu.memory_space<vmem_shared>>)
      tpu.yield
    }) : () -> ()
    %barrier3A = arith.constant 0 : index
    tpu.barrier barrier_id(%barrier3A)
    %scan3A = arith.constant 0 : i32
    %scan3A_5 = arith.constant 0 : i32
    %scan3A_6 = arith.constant 16 : i32
    %scan3A_7 = arith.addi %scan3A_5, %scan3A_6 : i32
    %scan3A_8 = arith.constant 1 : i32
    scf.for %scan3A_18 = %scan3A_5 to %scan3A_7 step %scan3A_8  : i32 {
      %mul3A_19 = arith.constant 2048 : i32
      %mul3A_20 = arith.muli %arg0, %mul3A_19 : i32
      %mul3A_21 = arith.constant 128 : i32
      %mul3A_22 = arith.muli %arg1, %mul3A_21 : i32
      %add3A_23 = arith.addi %mul3A_20, %mul3A_22 : i32
      %mul3A_24 = arith.constant 8 : i32
      %mul3A_25 = arith.muli %scan3A_18, %mul3A_24 : i32
      %add3A_26 = arith.addi %add3A_23, %mul3A_25 : i32
      "tpu.region"() ({
        %run_scoped3A_149 = tpu.sem_alloc : memref<!tpu.dma_semaphore, #tpu.memory_space<semaphore_mem>>
        %dma_start3A_150 = arith.constant 0 : i32
        %dma_start3A_151 = tpu.memref_slice %arg3[%add3A_26, %dma_start3A_150] : memref<4096x80xi32, #tpu.memory_space<hbm>> -> memref<8x80xi32, #tpu.memory_space<hbm>>
        %dma_start3A_152 = arith.constant 0 : i32
        %dma_start3A_153 = tpu.memref_slice %arg3[%add3A_26, %dma_start3A_152] : memref<4096x80xi32, #tpu.memory_space<hbm>> -> memref<8x80xi32, #tpu.memory_space<hbm>>
        tpu.enqueue_dma source(%dma_start3A_153 : memref<8x80xi32, #tpu.memory_space<hbm>>) target(%arg6 : memref<8x80xi32, #tpu.memory_space<vmem>>) target_semaphore(%run_scoped3A_149 : memref<!tpu.dma_semaphore, #tpu.memory_space<semaphore_mem>>)
        %dma_wait3A_154 = arith.constant 0 : i32
        %dma_wait3A_155 = tpu.memref_slice %arg3[%add3A_26, %dma_wait3A_154] : memref<4096x80xi32, #tpu.memory_space<hbm>> -> memref<8x80xi32, #tpu.memory_space<hbm>>
        %dma_wait3A_156 = arith.constant 0 : i32
        %dma_wait3A_157 = tpu.memref_slice %arg3[%add3A_26, %dma_wait3A_156] : memref<4096x80xi32, #tpu.memory_space<hbm>> -> memref<8x80xi32, #tpu.memory_space<hbm>>
        tpu.wait_dma2 semaphore(%run_scoped3A_149 : memref<!tpu.dma_semaphore, #tpu.memory_space<semaphore_mem>>) src(%dma_wait3A_157 : memref<8x80xi32, #tpu.memory_space<hbm>>) dst(%arg6 : memref<8x80xi32, #tpu.memory_space<vmem>>)
        tpu.yield
      }) : () -> ()
      %mul3A_27 = arith.constant 128 : i32
      %mul3A_28 = arith.muli %arg1, %mul3A_27 : i32
      %mul3A_29 = arith.constant 8 : i32
      %mul3A_30 = arith.muli %scan3A_18, %mul3A_29 : i32
      %add3A_31 = arith.addi %mul3A_28, %mul3A_30 : i32
      "tpu.region"() ({
        %run_scoped3A_149 = tpu.sem_alloc : memref<!tpu.dma_semaphore, #tpu.memory_space<semaphore_mem>>
        %dma_start3A_150 = arith.constant 0 : i32
        %dma_start3A_151 = tpu.memref_slice %arg4[%add3A_31, %dma_start3A_150] : memref<2048x80xi32, #tpu.memory_space<hbm>> -> memref<8x80xi32, #tpu.memory_space<hbm>>
        %dma_start3A_152 = arith.constant 0 : i32
        %dma_start3A_153 = tpu.memref_slice %arg4[%add3A_31, %dma_start3A_152] : memref<2048x80xi32, #tpu.memory_space<hbm>> -> memref<8x80xi32, #tpu.memory_space<hbm>>
        tpu.enqueue_dma source(%dma_start3A_153 : memref<8x80xi32, #tpu.memory_space<hbm>>) target(%arg7 : memref<8x80xi32, #tpu.memory_space<vmem>>) target_semaphore(%run_scoped3A_149 : memref<!tpu.dma_semaphore, #tpu.memory_space<semaphore_mem>>)
        %dma_wait3A_154 = arith.constant 0 : i32
        %dma_wait3A_155 = tpu.memref_slice %arg4[%add3A_31, %dma_wait3A_154] : memref<2048x80xi32, #tpu.memory_space<hbm>> -> memref<8x80xi32, #tpu.memory_space<hbm>>
        %dma_wait3A_156 = arith.constant 0 : i32
        %dma_wait3A_157 = tpu.memref_slice %arg4[%add3A_31, %dma_wait3A_156] : memref<2048x80xi32, #tpu.memory_space<hbm>> -> memref<8x80xi32, #tpu.memory_space<hbm>>
        tpu.wait_dma2 semaphore(%run_scoped3A_149 : memref<!tpu.dma_semaphore, #tpu.memory_space<semaphore_mem>>) src(%dma_wait3A_157 : memref<8x80xi32, #tpu.memory_space<hbm>>) dst(%arg7 : memref<8x80xi32, #tpu.memory_space<vmem>>)
        tpu.yield
      }) : () -> ()
      %dma_start3A = arith.constant 0 : i32
      %dma_start3A_32 = arith.constant 0 : i32
      %dma_start3A_33 = tpu.memref_slice %arg6[%dma_start3A, %dma_start3A_32] : memref<8x80xi32, #tpu.memory_space<vmem>> -> memref<1x80xi32, #tpu.memory_space<vmem>>
      %dma_start3A_34 = tpu.memref_squeeze %dma_start3A_33 : memref<1x80xi32, #tpu.memory_space<vmem>> -> memref<80xi32, #tpu.memory_space<vmem>>
      %dma_start3A_35 = arith.constant 0 : i32
      %dma_start3A_36 = arith.constant 0 : i32
      %dma_start3A_37 = tpu.memref_slice %arg2[%dma_start3A_35, %dma_start3A_36] : memref<20480x128xf32, #tpu.memory_space<hbm>> -> memref<20480x128xf32, #tpu.memory_space<hbm>>
      tpu.enqueue_indirect_dma source(%dma_start3A_37 : memref<20480x128xf32, #tpu.memory_space<hbm>>) target(%arg8 : memref<80x128xf32, #tpu.memory_space<vmem>>) offsets(%dma_start3A_34 : memref<80xi32, #tpu.memory_space<vmem>>) semaphore(%arg12 : memref<!tpu.dma_semaphore, #tpu.memory_space<semaphore_mem>>)
      %dma_start3A_38 = arith.constant 1 : i32
      %dma_start3A_39 = arith.constant 0 : i32
      %dma_start3A_40 = tpu.memref_slice %arg6[%dma_start3A_38, %dma_start3A_39] : memref<8x80xi32, #tpu.memory_space<vmem>> -> memref<1x80xi32, #tpu.memory_space<vmem>>
      %dma_start3A_41 = tpu.memref_squeeze %dma_start3A_40 : memref<1x80xi32, #tpu.memory_space<vmem>> -> memref<80xi32, #tpu.memory_space<vmem>>
      %dma_start3A_42 = arith.constant 0 : i32
      %dma_start3A_43 = arith.constant 0 : i32
      %dma_start3A_44 = tpu.memref_slice %arg2[%dma_start3A_42, %dma_start3A_43] : memref<20480x128xf32, #tpu.memory_space<hbm>> -> memref<20480x128xf32, #tpu.memory_space<hbm>>
      tpu.enqueue_indirect_dma source(%dma_start3A_44 : memref<20480x128xf32, #tpu.memory_space<hbm>>) target(%arg9 : memref<80x128xf32, #tpu.memory_space<vmem>>) offsets(%dma_start3A_41 : memref<80xi32, #tpu.memory_space<vmem>>) semaphore(%arg13 : memref<!tpu.dma_semaphore, #tpu.memory_space<semaphore_mem>>)
      %dma_start3A_45 = arith.constant 2 : i32
      %dma_start3A_46 = arith.constant 0 : i32
      %dma_start3A_47 = tpu.memref_slice %arg6[%dma_start3A_45, %dma_start3A_46] : memref<8x80xi32, #tpu.memory_space<vmem>> -> memref<1x80xi32, #tpu.memory_space<vmem>>
      %dma_start3A_48 = tpu.memref_squeeze %dma_start3A_47 : memref<1x80xi32, #tpu.memory_space<vmem>> -> memref<80xi32, #tpu.memory_space<vmem>>
      %dma_start3A_49 = arith.constant 0 : i32
      %dma_start3A_50 = arith.constant 0 : i32
      %dma_start3A_51 = tpu.memref_slice %arg2[%dma_start3A_49, %dma_start3A_50] : memref<20480x128xf32, #tpu.memory_space<hbm>> -> memref<20480x128xf32, #tpu.memory_space<hbm>>
      tpu.enqueue_indirect_dma source(%dma_start3A_51 : memref<20480x128xf32, #tpu.memory_space<hbm>>) target(%arg10 : memref<80x128xf32, #tpu.memory_space<vmem>>) offsets(%dma_start3A_48 : memref<80xi32, #tpu.memory_space<vmem>>) semaphore(%arg14 : memref<!tpu.dma_semaphore, #tpu.memory_space<semaphore_mem>>)
      %dma_wait3A = arith.constant 0 : i32
      %dma_wait3A_52 = arith.constant 0 : i32
      %dma_wait3A_53 = tpu.memref_slice %arg6[%dma_wait3A, %dma_wait3A_52] : memref<8x80xi32, #tpu.memory_space<vmem>> -> memref<1x80xi32, #tpu.memory_space<vmem>>
      %dma_wait3A_54 = tpu.memref_squeeze %dma_wait3A_53 : memref<1x80xi32, #tpu.memory_space<vmem>> -> memref<80xi32, #tpu.memory_space<vmem>>
      %dma_wait3A_55 = arith.constant 0 : i32
      %dma_wait3A_56 = arith.constant 0 : i32
      %dma_wait3A_57 = tpu.memref_slice %arg2[%dma_wait3A_55, %dma_wait3A_56] : memref<20480x128xf32, #tpu.memory_space<hbm>> -> memref<20480x128xf32, #tpu.memory_space<hbm>>
      tpu.wait_indirect_dma semaphore(%arg12 : memref<!tpu.dma_semaphore, #tpu.memory_space<semaphore_mem>>) src(%dma_wait3A_57 : memref<20480x128xf32, #tpu.memory_space<hbm>>) dst(%arg8 : memref<80x128xf32, #tpu.memory_space<vmem>>)
      %run_scoped3A = arith.constant 0 : i32
      "tpu.region"() ({
        %run_scoped3A_149 = tpu.sem_alloc : memref<!tpu.dma_semaphore, #tpu.memory_space<semaphore_mem>>
        %dma_start3A_150 = arith.constant 0 : i32
        %dma_start3A_151 = tpu.memref_slice %arg7[%run_scoped3A, %dma_start3A_150] : memref<8x80xi32, #tpu.memory_space<vmem>> -> memref<1x80xi32, #tpu.memory_space<vmem>>
        %dma_start3A_152 = tpu.memref_squeeze %dma_start3A_151 : memref<1x80xi32, #tpu.memory_space<vmem>> -> memref<80xi32, #tpu.memory_space<vmem>>
        %dma_start3A_153 = arith.constant 0 : i32
        %dma_start3A_154 = arith.constant 0 : i32
        %dma_start3A_155 = tpu.memref_slice %arg11[%dma_start3A_153, %dma_start3A_154] : memref<10256x128xf32, #tpu.memory_space<vmem_shared>> -> memref<10256x128xf32, #tpu.memory_space<vmem_shared>>
        tpu.enqueue_indirect_dma source(%arg8 : memref<80x128xf32, #tpu.memory_space<vmem>>) target(%dma_start3A_155 : memref<10256x128xf32, #tpu.memory_space<vmem_shared>>) offsets(%dma_start3A_152 : memref<80xi32, #tpu.memory_space<vmem>>) semaphore(%run_scoped3A_149 : memref<!tpu.dma_semaphore, #tpu.memory_space<semaphore_mem>>) {add = true}
        %dma_wait3A_156 = arith.constant 0 : i32
        %dma_wait3A_157 = tpu.memref_slice %arg7[%run_scoped3A, %dma_wait3A_156] : memref<8x80xi32, #tpu.memory_space<vmem>> -> memref<1x80xi32, #tpu.memory_space<vmem>>
        %dma_wait3A_158 = tpu.memref_squeeze %dma_wait3A_157 : memref<1x80xi32, #tpu.memory_space<vmem>> -> memref<80xi32, #tpu.memory_space<vmem>>
        %dma_wait3A_159 = arith.constant 0 : i32
        %dma_wait3A_160 = arith.constant 0 : i32
        %dma_wait3A_161 = tpu.memref_slice %arg11[%dma_wait3A_159, %dma_wait3A_160] : memref<10256x128xf32, #tpu.memory_space<vmem_shared>> -> memref<10256x128xf32, #tpu.memory_space<vmem_shared>>
        tpu.wait_indirect_dma semaphore(%run_scoped3A_149 : memref<!tpu.dma_semaphore, #tpu.memory_space<semaphore_mem>>) src(%arg8 : memref<80x128xf32, #tpu.memory_space<vmem>>) dst(%dma_wait3A_161 : memref<10256x128xf32, #tpu.memory_space<vmem_shared>>)
        tpu.yield
      }) : () -> ()
      %dma_start3A_58 = arith.constant 3 : i32
      %dma_start3A_59 = arith.constant 0 : i32
      %dma_start3A_60 = tpu.memref_slice %arg6[%dma_start3A_58, %dma_start3A_59] : memref<8x80xi32, #tpu.memory_space<vmem>> -> memref<1x80xi32, #tpu.memory_space<vmem>>
      %dma_start3A_61 = tpu.memref_squeeze %dma_start3A_60 : memref<1x80xi32, #tpu.memory_space<vmem>> -> memref<80xi32, #tpu.memory_space<vmem>>
      %dma_start3A_62 = arith.constant 0 : i32
      %dma_start3A_63 = arith.constant 0 : i32
      %dma_start3A_64 = tpu.memref_slice %arg2[%dma_start3A_62, %dma_start3A_63] : memref<20480x128xf32, #tpu.memory_space<hbm>> -> memref<20480x128xf32, #tpu.memory_space<hbm>>
      tpu.enqueue_indirect_dma source(%dma_start3A_64 : memref<20480x128xf32, #tpu.memory_space<hbm>>) target(%arg8 : memref<80x128xf32, #tpu.memory_space<vmem>>) offsets(%dma_start3A_61 : memref<80xi32, #tpu.memory_space<vmem>>) semaphore(%arg12 : memref<!tpu.dma_semaphore, #tpu.memory_space<semaphore_mem>>)
      %dma_wait3A_65 = arith.constant 1 : i32
      %dma_wait3A_66 = arith.constant 0 : i32
      %dma_wait3A_67 = tpu.memref_slice %arg6[%dma_wait3A_65, %dma_wait3A_66] : memref<8x80xi32, #tpu.memory_space<vmem>> -> memref<1x80xi32, #tpu.memory_space<vmem>>
      %dma_wait3A_68 = tpu.memref_squeeze %dma_wait3A_67 : memref<1x80xi32, #tpu.memory_space<vmem>> -> memref<80xi32, #tpu.memory_space<vmem>>
      %dma_wait3A_69 = arith.constant 0 : i32
      %dma_wait3A_70 = arith.constant 0 : i32
      %dma_wait3A_71 = tpu.memref_slice %arg2[%dma_wait3A_69, %dma_wait3A_70] : memref<20480x128xf32, #tpu.memory_space<hbm>> -> memref<20480x128xf32, #tpu.memory_space<hbm>>
      tpu.wait_indirect_dma semaphore(%arg13 : memref<!tpu.dma_semaphore, #tpu.memory_space<semaphore_mem>>) src(%dma_wait3A_71 : memref<20480x128xf32, #tpu.memory_space<hbm>>) dst(%arg9 : memref<80x128xf32, #tpu.memory_space<vmem>>)
      %run_scoped3A_72 = arith.constant 1 : i32
      "tpu.region"() ({
        %run_scoped3A_149 = tpu.sem_alloc : memref<!tpu.dma_semaphore, #tpu.memory_space<semaphore_mem>>
        %dma_start3A_150 = arith.constant 0 : i32
        %dma_start3A_151 = tpu.memref_slice %arg7[%run_scoped3A_72, %dma_start3A_150] : memref<8x80xi32, #tpu.memory_space<vmem>> -> memref<1x80xi32, #tpu.memory_space<vmem>>
        %dma_start3A_152 = tpu.memref_squeeze %dma_start3A_151 : memref<1x80xi32, #tpu.memory_space<vmem>> -> memref<80xi32, #tpu.memory_space<vmem>>
        %dma_start3A_153 = arith.constant 0 : i32
        %dma_start3A_154 = arith.constant 0 : i32
        %dma_start3A_155 = tpu.memref_slice %arg11[%dma_start3A_153, %dma_start3A_154] : memref<10256x128xf32, #tpu.memory_space<vmem_shared>> -> memref<10256x128xf32, #tpu.memory_space<vmem_shared>>
        tpu.enqueue_indirect_dma source(%arg9 : memref<80x128xf32, #tpu.memory_space<vmem>>) target(%dma_start3A_155 : memref<10256x128xf32, #tpu.memory_space<vmem_shared>>) offsets(%dma_start3A_152 : memref<80xi32, #tpu.memory_space<vmem>>) semaphore(%run_scoped3A_149 : memref<!tpu.dma_semaphore, #tpu.memory_space<semaphore_mem>>) {add = true}
        %dma_wait3A_156 = arith.constant 0 : i32
        %dma_wait3A_157 = tpu.memref_slice %arg7[%run_scoped3A_72, %dma_wait3A_156] : memref<8x80xi32, #tpu.memory_space<vmem>> -> memref<1x80xi32, #tpu.memory_space<vmem>>
        %dma_wait3A_158 = tpu.memref_squeeze %dma_wait3A_157 : memref<1x80xi32, #tpu.memory_space<vmem>> -> memref<80xi32, #tpu.memory_space<vmem>>
        %dma_wait3A_159 = arith.constant 0 : i32
        %dma_wait3A_160 = arith.constant 0 : i32
        %dma_wait3A_161 = tpu.memref_slice %arg11[%dma_wait3A_159, %dma_wait3A_160] : memref<10256x128xf32, #tpu.memory_space<vmem_shared>> -> memref<10256x128xf32, #tpu.memory_space<vmem_shared>>
        tpu.wait_indirect_dma semaphore(%run_scoped3A_149 : memref<!tpu.dma_semaphore, #tpu.memory_space<semaphore_mem>>) src(%arg9 : memref<80x128xf32, #tpu.memory_space<vmem>>) dst(%dma_wait3A_161 : memref<10256x128xf32, #tpu.memory_space<vmem_shared>>)
        tpu.yield
      }) : () -> ()
      %dma_start3A_73 = arith.constant 4 : i32
      %dma_start3A_74 = arith.constant 0 : i32
      %dma_start3A_75 = tpu.memref_slice %arg6[%dma_start3A_73, %dma_start3A_74] : memref<8x80xi32, #tpu.memory_space<vmem>> -> memref<1x80xi32, #tpu.memory_space<vmem>>
      %dma_start3A_76 = tpu.memref_squeeze %dma_start3A_75 : memref<1x80xi32, #tpu.memory_space<vmem>> -> memref<80xi32, #tpu.memory_space<vmem>>
      %dma_start3A_77 = arith.constant 0 : i32
      %dma_start3A_78 = arith.constant 0 : i32
      %dma_start3A_79 = tpu.memref_slice %arg2[%dma_start3A_77, %dma_start3A_78] : memref<20480x128xf32, #tpu.memory_space<hbm>> -> memref<20480x128xf32, #tpu.memory_space<hbm>>
      tpu.enqueue_indirect_dma source(%dma_start3A_79 : memref<20480x128xf32, #tpu.memory_space<hbm>>) target(%arg9 : memref<80x128xf32, #tpu.memory_space<vmem>>) offsets(%dma_start3A_76 : memref<80xi32, #tpu.memory_space<vmem>>) semaphore(%arg13 : memref<!tpu.dma_semaphore, #tpu.memory_space<semaphore_mem>>)
      %dma_wait3A_80 = arith.constant 2 : i32
      %dma_wait3A_81 = arith.constant 0 : i32
      %dma_wait3A_82 = tpu.memref_slice %arg6[%dma_wait3A_80, %dma_wait3A_81] : memref<8x80xi32, #tpu.memory_space<vmem>> -> memref<1x80xi32, #tpu.memory_space<vmem>>
      %dma_wait3A_83 = tpu.memref_squeeze %dma_wait3A_82 : memref<1x80xi32, #tpu.memory_space<vmem>> -> memref<80xi32, #tpu.memory_space<vmem>>
      %dma_wait3A_84 = arith.constant 0 : i32
      %dma_wait3A_85 = arith.constant 0 : i32
      %dma_wait3A_86 = tpu.memref_slice %arg2[%dma_wait3A_84, %dma_wait3A_85] : memref<20480x128xf32, #tpu.memory_space<hbm>> -> memref<20480x128xf32, #tpu.memory_space<hbm>>
      tpu.wait_indirect_dma semaphore(%arg14 : memref<!tpu.dma_semaphore, #tpu.memory_space<semaphore_mem>>) src(%dma_wait3A_86 : memref<20480x128xf32, #tpu.memory_space<hbm>>) dst(%arg10 : memref<80x128xf32, #tpu.memory_space<vmem>>)
      %run_scoped3A_87 = arith.constant 2 : i32
      "tpu.region"() ({
        %run_scoped3A_149 = tpu.sem_alloc : memref<!tpu.dma_semaphore, #tpu.memory_space<semaphore_mem>>
        %dma_start3A_150 = arith.constant 0 : i32
        %dma_start3A_151 = tpu.memref_slice %arg7[%run_scoped3A_87, %dma_start3A_150] : memref<8x80xi32, #tpu.memory_space<vmem>> -> memref<1x80xi32, #tpu.memory_space<vmem>>
        %dma_start3A_152 = tpu.memref_squeeze %dma_start3A_151 : memref<1x80xi32, #tpu.memory_space<vmem>> -> memref<80xi32, #tpu.memory_space<vmem>>
        %dma_start3A_153 = arith.constant 0 : i32
        %dma_start3A_154 = arith.constant 0 : i32
        %dma_start3A_155 = tpu.memref_slice %arg11[%dma_start3A_153, %dma_start3A_154] : memref<10256x128xf32, #tpu.memory_space<vmem_shared>> -> memref<10256x128xf32, #tpu.memory_space<vmem_shared>>
        tpu.enqueue_indirect_dma source(%arg10 : memref<80x128xf32, #tpu.memory_space<vmem>>) target(%dma_start3A_155 : memref<10256x128xf32, #tpu.memory_space<vmem_shared>>) offsets(%dma_start3A_152 : memref<80xi32, #tpu.memory_space<vmem>>) semaphore(%run_scoped3A_149 : memref<!tpu.dma_semaphore, #tpu.memory_space<semaphore_mem>>) {add = true}
        %dma_wait3A_156 = arith.constant 0 : i32
        %dma_wait3A_157 = tpu.memref_slice %arg7[%run_scoped3A_87, %dma_wait3A_156] : memref<8x80xi32, #tpu.memory_space<vmem>> -> memref<1x80xi32, #tpu.memory_space<vmem>>
        %dma_wait3A_158 = tpu.memref_squeeze %dma_wait3A_157 : memref<1x80xi32, #tpu.memory_space<vmem>> -> memref<80xi32, #tpu.memory_space<vmem>>
        %dma_wait3A_159 = arith.constant 0 : i32
        %dma_wait3A_160 = arith.constant 0 : i32
        %dma_wait3A_161 = tpu.memref_slice %arg11[%dma_wait3A_159, %dma_wait3A_160] : memref<10256x128xf32, #tpu.memory_space<vmem_shared>> -> memref<10256x128xf32, #tpu.memory_space<vmem_shared>>
        tpu.wait_indirect_dma semaphore(%run_scoped3A_149 : memref<!tpu.dma_semaphore, #tpu.memory_space<semaphore_mem>>) src(%arg10 : memref<80x128xf32, #tpu.memory_space<vmem>>) dst(%dma_wait3A_161 : memref<10256x128xf32, #tpu.memory_space<vmem_shared>>)
        tpu.yield
      }) : () -> ()
      %dma_start3A_88 = arith.constant 5 : i32
      %dma_start3A_89 = arith.constant 0 : i32
      %dma_start3A_90 = tpu.memref_slice %arg6[%dma_start3A_88, %dma_start3A_89] : memref<8x80xi32, #tpu.memory_space<vmem>> -> memref<1x80xi32, #tpu.memory_space<vmem>>
      %dma_start3A_91 = tpu.memref_squeeze %dma_start3A_90 : memref<1x80xi32, #tpu.memory_space<vmem>> -> memref<80xi32, #tpu.memory_space<vmem>>
      %dma_start3A_92 = arith.constant 0 : i32
      %dma_start3A_93 = arith.constant 0 : i32
      %dma_start3A_94 = tpu.memref_slice %arg2[%dma_start3A_92, %dma_start3A_93] : memref<20480x128xf32, #tpu.memory_space<hbm>> -> memref<20480x128xf32, #tpu.memory_space<hbm>>
      tpu.enqueue_indirect_dma source(%dma_start3A_94 : memref<20480x128xf32, #tpu.memory_space<hbm>>) target(%arg10 : memref<80x128xf32, #tpu.memory_space<vmem>>) offsets(%dma_start3A_91 : memref<80xi32, #tpu.memory_space<vmem>>) semaphore(%arg14 : memref<!tpu.dma_semaphore, #tpu.memory_space<semaphore_mem>>)
      %dma_wait3A_95 = arith.constant 3 : i32
      %dma_wait3A_96 = arith.constant 0 : i32
      %dma_wait3A_97 = tpu.memref_slice %arg6[%dma_wait3A_95, %dma_wait3A_96] : memref<8x80xi32, #tpu.memory_space<vmem>> -> memref<1x80xi32, #tpu.memory_space<vmem>>
      %dma_wait3A_98 = tpu.memref_squeeze %dma_wait3A_97 : memref<1x80xi32, #tpu.memory_space<vmem>> -> memref<80xi32, #tpu.memory_space<vmem>>
      %dma_wait3A_99 = arith.constant 0 : i32
      %dma_wait3A_100 = arith.constant 0 : i32
      %dma_wait3A_101 = tpu.memref_slice %arg2[%dma_wait3A_99, %dma_wait3A_100] : memref<20480x128xf32, #tpu.memory_space<hbm>> -> memref<20480x128xf32, #tpu.memory_space<hbm>>
      tpu.wait_indirect_dma semaphore(%arg12 : memref<!tpu.dma_semaphore, #tpu.memory_space<semaphore_mem>>) src(%dma_wait3A_101 : memref<20480x128xf32, #tpu.memory_space<hbm>>) dst(%arg8 : memref<80x128xf32, #tpu.memory_space<vmem>>)
      %run_scoped3A_102 = arith.constant 3 : i32
      "tpu.region"() ({
        %run_scoped3A_149 = tpu.sem_alloc : memref<!tpu.dma_semaphore, #tpu.memory_space<semaphore_mem>>
        %dma_start3A_150 = arith.constant 0 : i32
        %dma_start3A_151 = tpu.memref_slice %arg7[%run_scoped3A_102, %dma_start3A_150] : memref<8x80xi32, #tpu.memory_space<vmem>> -> memref<1x80xi32, #tpu.memory_space<vmem>>
        %dma_start3A_152 = tpu.memref_squeeze %dma_start3A_151 : memref<1x80xi32, #tpu.memory_space<vmem>> -> memref<80xi32, #tpu.memory_space<vmem>>
        %dma_start3A_153 = arith.constant 0 : i32
        %dma_start3A_154 = arith.constant 0 : i32
        %dma_start3A_155 = tpu.memref_slice %arg11[%dma_start3A_153, %dma_start3A_154] : memref<10256x128xf32, #tpu.memory_space<vmem_shared>> -> memref<10256x128xf32, #tpu.memory_space<vmem_shared>>
        tpu.enqueue_indirect_dma source(%arg8 : memref<80x128xf32, #tpu.memory_space<vmem>>) target(%dma_start3A_155 : memref<10256x128xf32, #tpu.memory_space<vmem_shared>>) offsets(%dma_start3A_152 : memref<80xi32, #tpu.memory_space<vmem>>) semaphore(%run_scoped3A_149 : memref<!tpu.dma_semaphore, #tpu.memory_space<semaphore_mem>>) {add = true}
        %dma_wait3A_156 = arith.constant 0 : i32
        %dma_wait3A_157 = tpu.memref_slice %arg7[%run_scoped3A_102, %dma_wait3A_156] : memref<8x80xi32, #tpu.memory_space<vmem>> -> memref<1x80xi32, #tpu.memory_space<vmem>>
        %dma_wait3A_158 = tpu.memref_squeeze %dma_wait3A_157 : memref<1x80xi32, #tpu.memory_space<vmem>> -> memref<80xi32, #tpu.memory_space<vmem>>
        %dma_wait3A_159 = arith.constant 0 : i32
        %dma_wait3A_160 = arith.constant 0 : i32
        %dma_wait3A_161 = tpu.memref_slice %arg11[%dma_wait3A_159, %dma_wait3A_160] : memref<10256x128xf32, #tpu.memory_space<vmem_shared>> -> memref<10256x128xf32, #tpu.memory_space<vmem_shared>>
        tpu.wait_indirect_dma semaphore(%run_scoped3A_149 : memref<!tpu.dma_semaphore, #tpu.memory_space<semaphore_mem>>) src(%arg8 : memref<80x128xf32, #tpu.memory_space<vmem>>) dst(%dma_wait3A_161 : memref<10256x128xf32, #tpu.memory_space<vmem_shared>>)
        tpu.yield
      }) : () -> ()
      %dma_start3A_103 = arith.constant 6 : i32
      %dma_start3A_104 = arith.constant 0 : i32
      %dma_start3A_105 = tpu.memref_slice %arg6[%dma_start3A_103, %dma_start3A_104] : memref<8x80xi32, #tpu.memory_space<vmem>> -> memref<1x80xi32, #tpu.memory_space<vmem>>
      %dma_start3A_106 = tpu.memref_squeeze %dma_start3A_105 : memref<1x80xi32, #tpu.memory_space<vmem>> -> memref<80xi32, #tpu.memory_space<vmem>>
      %dma_start3A_107 = arith.constant 0 : i32
      %dma_start3A_108 = arith.constant 0 : i32
      %dma_start3A_109 = tpu.memref_slice %arg2[%dma_start3A_107, %dma_start3A_108] : memref<20480x128xf32, #tpu.memory_space<hbm>> -> memref<20480x128xf32, #tpu.memory_space<hbm>>
      tpu.enqueue_indirect_dma source(%dma_start3A_109 : memref<20480x128xf32, #tpu.memory_space<hbm>>) target(%arg8 : memref<80x128xf32, #tpu.memory_space<vmem>>) offsets(%dma_start3A_106 : memref<80xi32, #tpu.memory_space<vmem>>) semaphore(%arg12 : memref<!tpu.dma_semaphore, #tpu.memory_space<semaphore_mem>>)
      %dma_wait3A_110 = arith.constant 4 : i32
      %dma_wait3A_111 = arith.constant 0 : i32
      %dma_wait3A_112 = tpu.memref_slice %arg6[%dma_wait3A_110, %dma_wait3A_111] : memref<8x80xi32, #tpu.memory_space<vmem>> -> memref<1x80xi32, #tpu.memory_space<vmem>>
      %dma_wait3A_113 = tpu.memref_squeeze %dma_wait3A_112 : memref<1x80xi32, #tpu.memory_space<vmem>> -> memref<80xi32, #tpu.memory_space<vmem>>
      %dma_wait3A_114 = arith.constant 0 : i32
      %dma_wait3A_115 = arith.constant 0 : i32
      %dma_wait3A_116 = tpu.memref_slice %arg2[%dma_wait3A_114, %dma_wait3A_115] : memref<20480x128xf32, #tpu.memory_space<hbm>> -> memref<20480x128xf32, #tpu.memory_space<hbm>>
      tpu.wait_indirect_dma semaphore(%arg13 : memref<!tpu.dma_semaphore, #tpu.memory_space<semaphore_mem>>) src(%dma_wait3A_116 : memref<20480x128xf32, #tpu.memory_space<hbm>>) dst(%arg9 : memref<80x128xf32, #tpu.memory_space<vmem>>)
      %run_scoped3A_117 = arith.constant 4 : i32
      "tpu.region"() ({
        %run_scoped3A_149 = tpu.sem_alloc : memref<!tpu.dma_semaphore, #tpu.memory_space<semaphore_mem>>
        %dma_start3A_150 = arith.constant 0 : i32
        %dma_start3A_151 = tpu.memref_slice %arg7[%run_scoped3A_117, %dma_start3A_150] : memref<8x80xi32, #tpu.memory_space<vmem>> -> memref<1x80xi32, #tpu.memory_space<vmem>>
        %dma_start3A_152 = tpu.memref_squeeze %dma_start3A_151 : memref<1x80xi32, #tpu.memory_space<vmem>> -> memref<80xi32, #tpu.memory_space<vmem>>
        %dma_start3A_153 = arith.constant 0 : i32
        %dma_start3A_154 = arith.constant 0 : i32
        %dma_start3A_155 = tpu.memref_slice %arg11[%dma_start3A_153, %dma_start3A_154] : memref<10256x128xf32, #tpu.memory_space<vmem_shared>> -> memref<10256x128xf32, #tpu.memory_space<vmem_shared>>
        tpu.enqueue_indirect_dma source(%arg9 : memref<80x128xf32, #tpu.memory_space<vmem>>) target(%dma_start3A_155 : memref<10256x128xf32, #tpu.memory_space<vmem_shared>>) offsets(%dma_start3A_152 : memref<80xi32, #tpu.memory_space<vmem>>) semaphore(%run_scoped3A_149 : memref<!tpu.dma_semaphore, #tpu.memory_space<semaphore_mem>>) {add = true}
        %dma_wait3A_156 = arith.constant 0 : i32
        %dma_wait3A_157 = tpu.memref_slice %arg7[%run_scoped3A_117, %dma_wait3A_156] : memref<8x80xi32, #tpu.memory_space<vmem>> -> memref<1x80xi32, #tpu.memory_space<vmem>>
        %dma_wait3A_158 = tpu.memref_squeeze %dma_wait3A_157 : memref<1x80xi32, #tpu.memory_space<vmem>> -> memref<80xi32, #tpu.memory_space<vmem>>
        %dma_wait3A_159 = arith.constant 0 : i32
        %dma_wait3A_160 = arith.constant 0 : i32
        %dma_wait3A_161 = tpu.memref_slice %arg11[%dma_wait3A_159, %dma_wait3A_160] : memref<10256x128xf32, #tpu.memory_space<vmem_shared>> -> memref<10256x128xf32, #tpu.memory_space<vmem_shared>>
        tpu.wait_indirect_dma semaphore(%run_scoped3A_149 : memref<!tpu.dma_semaphore, #tpu.memory_space<semaphore_mem>>) src(%arg9 : memref<80x128xf32, #tpu.memory_space<vmem>>) dst(%dma_wait3A_161 : memref<10256x128xf32, #tpu.memory_space<vmem_shared>>)
        tpu.yield
      }) : () -> ()
      %dma_start3A_118 = arith.constant 7 : i32
      %dma_start3A_119 = arith.constant 0 : i32
      %dma_start3A_120 = tpu.memref_slice %arg6[%dma_start3A_118, %dma_start3A_119] : memref<8x80xi32, #tpu.memory_space<vmem>> -> memref<1x80xi32, #tpu.memory_space<vmem>>
      %dma_start3A_121 = tpu.memref_squeeze %dma_start3A_120 : memref<1x80xi32, #tpu.memory_space<vmem>> -> memref<80xi32, #tpu.memory_space<vmem>>
      %dma_start3A_122 = arith.constant 0 : i32
      %dma_start3A_123 = arith.constant 0 : i32
      %dma_start3A_124 = tpu.memref_slice %arg2[%dma_start3A_122, %dma_start3A_123] : memref<20480x128xf32, #tpu.memory_space<hbm>> -> memref<20480x128xf32, #tpu.memory_space<hbm>>
      tpu.enqueue_indirect_dma source(%dma_start3A_124 : memref<20480x128xf32, #tpu.memory_space<hbm>>) target(%arg9 : memref<80x128xf32, #tpu.memory_space<vmem>>) offsets(%dma_start3A_121 : memref<80xi32, #tpu.memory_space<vmem>>) semaphore(%arg13 : memref<!tpu.dma_semaphore, #tpu.memory_space<semaphore_mem>>)
      %dma_wait3A_125 = arith.constant 5 : i32
      %dma_wait3A_126 = arith.constant 0 : i32
      %dma_wait3A_127 = tpu.memref_slice %arg6[%dma_wait3A_125, %dma_wait3A_126] : memref<8x80xi32, #tpu.memory_space<vmem>> -> memref<1x80xi32, #tpu.memory_space<vmem>>
      %dma_wait3A_128 = tpu.memref_squeeze %dma_wait3A_127 : memref<1x80xi32, #tpu.memory_space<vmem>> -> memref<80xi32, #tpu.memory_space<vmem>>
      %dma_wait3A_129 = arith.constant 0 : i32
      %dma_wait3A_130 = arith.constant 0 : i32
      %dma_wait3A_131 = tpu.memref_slice %arg2[%dma_wait3A_129, %dma_wait3A_130] : memref<20480x128xf32, #tpu.memory_space<hbm>> -> memref<20480x128xf32, #tpu.memory_space<hbm>>
      tpu.wait_indirect_dma semaphore(%arg14 : memref<!tpu.dma_semaphore, #tpu.memory_space<semaphore_mem>>) src(%dma_wait3A_131 : memref<20480x128xf32, #tpu.memory_space<hbm>>) dst(%arg10 : memref<80x128xf32, #tpu.memory_space<vmem>>)
      %run_scoped3A_132 = arith.constant 5 : i32
      "tpu.region"() ({
        %run_scoped3A_149 = tpu.sem_alloc : memref<!tpu.dma_semaphore, #tpu.memory_space<semaphore_mem>>
        %dma_start3A_150 = arith.constant 0 : i32
        %dma_start3A_151 = tpu.memref_slice %arg7[%run_scoped3A_132, %dma_start3A_150] : memref<8x80xi32, #tpu.memory_space<vmem>> -> memref<1x80xi32, #tpu.memory_space<vmem>>
        %dma_start3A_152 = tpu.memref_squeeze %dma_start3A_151 : memref<1x80xi32, #tpu.memory_space<vmem>> -> memref<80xi32, #tpu.memory_space<vmem>>
        %dma_start3A_153 = arith.constant 0 : i32
        %dma_start3A_154 = arith.constant 0 : i32
        %dma_start3A_155 = tpu.memref_slice %arg11[%dma_start3A_153, %dma_start3A_154] : memref<10256x128xf32, #tpu.memory_space<vmem_shared>> -> memref<10256x128xf32, #tpu.memory_space<vmem_shared>>
        tpu.enqueue_indirect_dma source(%arg10 : memref<80x128xf32, #tpu.memory_space<vmem>>) target(%dma_start3A_155 : memref<10256x128xf32, #tpu.memory_space<vmem_shared>>) offsets(%dma_start3A_152 : memref<80xi32, #tpu.memory_space<vmem>>) semaphore(%run_scoped3A_149 : memref<!tpu.dma_semaphore, #tpu.memory_space<semaphore_mem>>) {add = true}
        %dma_wait3A_156 = arith.constant 0 : i32
        %dma_wait3A_157 = tpu.memref_slice %arg7[%run_scoped3A_132, %dma_wait3A_156] : memref<8x80xi32, #tpu.memory_space<vmem>> -> memref<1x80xi32, #tpu.memory_space<vmem>>
        %dma_wait3A_158 = tpu.memref_squeeze %dma_wait3A_157 : memref<1x80xi32, #tpu.memory_space<vmem>> -> memref<80xi32, #tpu.memory_space<vmem>>
        %dma_wait3A_159 = arith.constant 0 : i32
        %dma_wait3A_160 = arith.constant 0 : i32
        %dma_wait3A_161 = tpu.memref_slice %arg11[%dma_wait3A_159, %dma_wait3A_160] : memref<10256x128xf32, #tpu.memory_space<vmem_shared>> -> memref<10256x128xf32, #tpu.memory_space<vmem_shared>>
        tpu.wait_indirect_dma semaphore(%run_scoped3A_149 : memref<!tpu.dma_semaphore, #tpu.memory_space<semaphore_mem>>) src(%arg10 : memref<80x128xf32, #tpu.memory_space<vmem>>) dst(%dma_wait3A_161 : memref<10256x128xf32, #tpu.memory_space<vmem_shared>>)
        tpu.yield
      }) : () -> ()
      %dma_wait3A_133 = arith.constant 6 : i32
      %dma_wait3A_134 = arith.constant 0 : i32
      %dma_wait3A_135 = tpu.memref_slice %arg6[%dma_wait3A_133, %dma_wait3A_134] : memref<8x80xi32, #tpu.memory_space<vmem>> -> memref<1x80xi32, #tpu.memory_space<vmem>>
      %dma_wait3A_136 = tpu.memref_squeeze %dma_wait3A_135 : memref<1x80xi32, #tpu.memory_space<vmem>> -> memref<80xi32, #tpu.memory_space<vmem>>
      %dma_wait3A_137 = arith.constant 0 : i32
      %dma_wait3A_138 = arith.constant 0 : i32
      %dma_wait3A_139 = tpu.memref_slice %arg2[%dma_wait3A_137, %dma_wait3A_138] : memref<20480x128xf32, #tpu.memory_space<hbm>> -> memref<20480x128xf32, #tpu.memory_space<hbm>>
      tpu.wait_indirect_dma semaphore(%arg12 : memref<!tpu.dma_semaphore, #tpu.memory_space<semaphore_mem>>) src(%dma_wait3A_139 : memref<20480x128xf32, #tpu.memory_space<hbm>>) dst(%arg8 : memref<80x128xf32, #tpu.memory_space<vmem>>)
      %run_scoped3A_140 = arith.constant 6 : i32
      "tpu.region"() ({
        %run_scoped3A_149 = tpu.sem_alloc : memref<!tpu.dma_semaphore, #tpu.memory_space<semaphore_mem>>
        %dma_start3A_150 = arith.constant 0 : i32
        %dma_start3A_151 = tpu.memref_slice %arg7[%run_scoped3A_140, %dma_start3A_150] : memref<8x80xi32, #tpu.memory_space<vmem>> -> memref<1x80xi32, #tpu.memory_space<vmem>>
        %dma_start3A_152 = tpu.memref_squeeze %dma_start3A_151 : memref<1x80xi32, #tpu.memory_space<vmem>> -> memref<80xi32, #tpu.memory_space<vmem>>
        %dma_start3A_153 = arith.constant 0 : i32
        %dma_start3A_154 = arith.constant 0 : i32
        %dma_start3A_155 = tpu.memref_slice %arg11[%dma_start3A_153, %dma_start3A_154] : memref<10256x128xf32, #tpu.memory_space<vmem_shared>> -> memref<10256x128xf32, #tpu.memory_space<vmem_shared>>
        tpu.enqueue_indirect_dma source(%arg8 : memref<80x128xf32, #tpu.memory_space<vmem>>) target(%dma_start3A_155 : memref<10256x128xf32, #tpu.memory_space<vmem_shared>>) offsets(%dma_start3A_152 : memref<80xi32, #tpu.memory_space<vmem>>) semaphore(%run_scoped3A_149 : memref<!tpu.dma_semaphore, #tpu.memory_space<semaphore_mem>>) {add = true}
        %dma_wait3A_156 = arith.constant 0 : i32
        %dma_wait3A_157 = tpu.memref_slice %arg7[%run_scoped3A_140, %dma_wait3A_156] : memref<8x80xi32, #tpu.memory_space<vmem>> -> memref<1x80xi32, #tpu.memory_space<vmem>>
        %dma_wait3A_158 = tpu.memref_squeeze %dma_wait3A_157 : memref<1x80xi32, #tpu.memory_space<vmem>> -> memref<80xi32, #tpu.memory_space<vmem>>
        %dma_wait3A_159 = arith.constant 0 : i32
        %dma_wait3A_160 = arith.constant 0 : i32
        %dma_wait3A_161 = tpu.memref_slice %arg11[%dma_wait3A_159, %dma_wait3A_160] : memref<10256x128xf32, #tpu.memory_space<vmem_shared>> -> memref<10256x128xf32, #tpu.memory_space<vmem_shared>>
        tpu.wait_indirect_dma semaphore(%run_scoped3A_149 : memref<!tpu.dma_semaphore, #tpu.memory_space<semaphore_mem>>) src(%arg8 : memref<80x128xf32, #tpu.memory_space<vmem>>) dst(%dma_wait3A_161 : memref<10256x128xf32, #tpu.memory_space<vmem_shared>>)
        tpu.yield
      }) : () -> ()
      %dma_wait3A_141 = arith.constant 7 : i32
      %dma_wait3A_142 = arith.constant 0 : i32
      %dma_wait3A_143 = tpu.memref_slice %arg6[%dma_wait3A_141, %dma_wait3A_142] : memref<8x80xi32, #tpu.memory_space<vmem>> -> memref<1x80xi32, #tpu.memory_space<vmem>>
      %dma_wait3A_144 = tpu.memref_squeeze %dma_wait3A_143 : memref<1x80xi32, #tpu.memory_space<vmem>> -> memref<80xi32, #tpu.memory_space<vmem>>
      %dma_wait3A_145 = arith.constant 0 : i32
      %dma_wait3A_146 = arith.constant 0 : i32
      %dma_wait3A_147 = tpu.memref_slice %arg2[%dma_wait3A_145, %dma_wait3A_146] : memref<20480x128xf32, #tpu.memory_space<hbm>> -> memref<20480x128xf32, #tpu.memory_space<hbm>>
      tpu.wait_indirect_dma semaphore(%arg13 : memref<!tpu.dma_semaphore, #tpu.memory_space<semaphore_mem>>) src(%dma_wait3A_147 : memref<20480x128xf32, #tpu.memory_space<hbm>>) dst(%arg9 : memref<80x128xf32, #tpu.memory_space<vmem>>)
      %run_scoped3A_148 = arith.constant 7 : i32
      "tpu.region"() ({
        %run_scoped3A_149 = tpu.sem_alloc : memref<!tpu.dma_semaphore, #tpu.memory_space<semaphore_mem>>
        %dma_start3A_150 = arith.constant 0 : i32
        %dma_start3A_151 = tpu.memref_slice %arg7[%run_scoped3A_148, %dma_start3A_150] : memref<8x80xi32, #tpu.memory_space<vmem>> -> memref<1x80xi32, #tpu.memory_space<vmem>>
        %dma_start3A_152 = tpu.memref_squeeze %dma_start3A_151 : memref<1x80xi32, #tpu.memory_space<vmem>> -> memref<80xi32, #tpu.memory_space<vmem>>
        %dma_start3A_153 = arith.constant 0 : i32
        %dma_start3A_154 = arith.constant 0 : i32
        %dma_start3A_155 = tpu.memref_slice %arg11[%dma_start3A_153, %dma_start3A_154] : memref<10256x128xf32, #tpu.memory_space<vmem_shared>> -> memref<10256x128xf32, #tpu.memory_space<vmem_shared>>
        tpu.enqueue_indirect_dma source(%arg9 : memref<80x128xf32, #tpu.memory_space<vmem>>) target(%dma_start3A_155 : memref<10256x128xf32, #tpu.memory_space<vmem_shared>>) offsets(%dma_start3A_152 : memref<80xi32, #tpu.memory_space<vmem>>) semaphore(%run_scoped3A_149 : memref<!tpu.dma_semaphore, #tpu.memory_space<semaphore_mem>>) {add = true}
        %dma_wait3A_156 = arith.constant 0 : i32
        %dma_wait3A_157 = tpu.memref_slice %arg7[%run_scoped3A_148, %dma_wait3A_156] : memref<8x80xi32, #tpu.memory_space<vmem>> -> memref<1x80xi32, #tpu.memory_space<vmem>>
        %dma_wait3A_158 = tpu.memref_squeeze %dma_wait3A_157 : memref<1x80xi32, #tpu.memory_space<vmem>> -> memref<80xi32, #tpu.memory_space<vmem>>
        %dma_wait3A_159 = arith.constant 0 : i32
        %dma_wait3A_160 = arith.constant 0 : i32
        %dma_wait3A_161 = tpu.memref_slice %arg11[%dma_wait3A_159, %dma_wait3A_160] : memref<10256x128xf32, #tpu.memory_space<vmem_shared>> -> memref<10256x128xf32, #tpu.memory_space<vmem_shared>>
        tpu.wait_indirect_dma semaphore(%run_scoped3A_149 : memref<!tpu.dma_semaphore, #tpu.memory_space<semaphore_mem>>) src(%arg9 : memref<80x128xf32, #tpu.memory_space<vmem>>) dst(%dma_wait3A_161 : memref<10256x128xf32, #tpu.memory_space<vmem_shared>>)
        tpu.yield
      }) : () -> ()
    }
    %scan3A_9 = arith.constant 16 : i32
    %barrier3A_10 = arith.constant 0 : index
    tpu.barrier barrier_id(%barrier3A_10)
    %mul3A_11 = arith.constant 640 : i32
    %mul3A_12 = arith.muli %arg1, %mul3A_11 : i32
    %mul3A_13 = arith.constant 10240 : i32
    %mul3A_14 = arith.muli %arg0, %mul3A_13 : i32
    %mul3A_15 = arith.constant 640 : i32
    %mul3A_16 = arith.muli %arg1, %mul3A_15 : i32
    %add3A_17 = arith.addi %mul3A_14, %mul3A_16 : i32
    "tpu.region"() ({
      %run_scoped3A = tpu.sem_alloc : memref<!tpu.dma_semaphore, #tpu.memory_space<semaphore_mem>>
      %dma_start3A = arith.constant 0 : i32
      %dma_start3A_18 = tpu.memref_slice %arg5[%add3A_17, %dma_start3A] : memref<20480x128xf32, #tpu.memory_space<hbm>> -> memref<640x128xf32, #tpu.memory_space<hbm>>
      %dma_start3A_19 = arith.constant 0 : i32
      %dma_start3A_20 = tpu.memref_slice %arg11[%mul3A_12, %dma_start3A_19] : memref<10256x128xf32, #tpu.memory_space<vmem_shared>> -> memref<640x128xf32, #tpu.memory_space<vmem_shared>>
      tpu.enqueue_dma source(%dma_start3A_20 : memref<640x128xf32, #tpu.memory_space<vmem_shared>>) target(%dma_start3A_18 : memref<640x128xf32, #tpu.memory_space<hbm>>) target_semaphore(%run_scoped3A : memref<!tpu.dma_semaphore, #tpu.memory_space<semaphore_mem>>)
      %dma_wait3A = arith.constant 0 : i32
      %dma_wait3A_21 = tpu.memref_slice %arg5[%add3A_17, %dma_wait3A] : memref<20480x128xf32, #tpu.memory_space<hbm>> -> memref<640x128xf32, #tpu.memory_space<hbm>>
      %dma_wait3A_22 = arith.constant 0 : i32
      %dma_wait3A_23 = tpu.memref_slice %arg11[%mul3A_12, %dma_wait3A_22] : memref<10256x128xf32, #tpu.memory_space<vmem_shared>> -> memref<640x128xf32, #tpu.memory_space<vmem_shared>>
      tpu.wait_dma2 semaphore(%run_scoped3A : memref<!tpu.dma_semaphore, #tpu.memory_space<semaphore_mem>>) src(%dma_wait3A_23 : memref<640x128xf32, #tpu.memory_space<vmem_shared>>) dst(%dma_wait3A_21 : memref<640x128xf32, #tpu.memory_space<hbm>>)
      tpu.yield
    }) : () -> ()
    return
  }
}

#map = affine_map<(d0, d1) -> (0, 0)>
module attributes {stable_mosaic.version = 14 : i64} {
  func.func @_agg_kernel(%arg0: i32, %arg1: i32, %arg2: memref<20480x128xf32, #tpu.memory_space<hbm>>, %arg3: memref<4096x80xi32, #tpu.memory_space<hbm>>, %arg4: memref<2048x80xi32, #tpu.memory_space<hbm>>, %arg5: memref<20480x128xf32, #tpu.memory_space<hbm>>, %arg6: memref<8x80xi32, #tpu.memory_space<vmem>>, %arg7: memref<8x80xi32, #tpu.memory_space<vmem>>, %arg8: memref<80x128xf32, #tpu.memory_space<vmem>>, %arg9: memref<80x128xf32, #tpu.memory_space<vmem>>, %arg10: memref<80x128xf32, #tpu.memory_space<vmem>>, %arg11: memref<10256x128xf32, #tpu.memory_space<vmem_shared>>, %arg12: memref<!tpu.dma_semaphore, #tpu.memory_space<semaphore_mem>>, %arg13: memref<!tpu.dma_semaphore, #tpu.memory_space<semaphore_mem>>, %arg14: memref<!tpu.dma_semaphore, #tpu.memory_space<semaphore_mem>>, %arg15: memref<!tpu.dma_semaphore, #tpu.memory_space<semaphore_mem>>) attributes {dimension_semantics = [#tpu.dimension_semantics<core_parallel>, #tpu.dimension_semantics<subcore_parallel>], iteration_bounds = array<i64: 2, 16>, scalar_prefetch = 0 : i64, scratch_operands = 10 : i64, tpu.core_type = #tpu.core_type<sc_vector_subcore>, window_params = [{transform_indices = #map}, {transform_indices = #map}, {transform_indices = #map}, {transform_indices = #map}]} {
    %mul3A = arith.constant 10240 : i32
    %mul3A_0 = arith.muli %arg0, %mul3A : i32
    %mul3A_1 = arith.constant 640 : i32
    %mul3A_2 = arith.muli %arg1, %mul3A_1 : i32
    %add3A = arith.addi %mul3A_0, %mul3A_2 : i32
    %mul3A_3 = arith.constant 640 : i32
    %mul3A_4 = arith.muli %arg1, %mul3A_3 : i32
    "tpu.region"() ({
      %run_scoped3A = tpu.sem_alloc : memref<!tpu.dma_semaphore, #tpu.memory_space<semaphore_mem>>
      %dma_start3A = arith.constant 0 : i32
      %dma_start3A_18 = tpu.memref_slice %arg11[%mul3A_4, %dma_start3A] : memref<10256x128xf32, #tpu.memory_space<vmem_shared>> -> memref<640x128xf32, #tpu.memory_space<vmem_shared>>
      %dma_start3A_19 = arith.constant 0 : i32
      %dma_start3A_20 = tpu.memref_slice %arg2[%add3A, %dma_start3A_19] : memref<20480x128xf32, #tpu.memory_space<hbm>> -> memref<640x128xf32, #tpu.memory_space<hbm>>
      tpu.enqueue_dma source(%dma_start3A_20 : memref<640x128xf32, #tpu.memory_space<hbm>>) target(%dma_start3A_18 : memref<640x128xf32, #tpu.memory_space<vmem_shared>>) target_semaphore(%run_scoped3A : memref<!tpu.dma_semaphore, #tpu.memory_space<semaphore_mem>>)
      %dma_wait3A = arith.constant 0 : i32
      %dma_wait3A_21 = tpu.memref_slice %arg11[%mul3A_4, %dma_wait3A] : memref<10256x128xf32, #tpu.memory_space<vmem_shared>> -> memref<640x128xf32, #tpu.memory_space<vmem_shared>>
      %dma_wait3A_22 = arith.constant 0 : i32
      %dma_wait3A_23 = tpu.memref_slice %arg2[%add3A, %dma_wait3A_22] : memref<20480x128xf32, #tpu.memory_space<hbm>> -> memref<640x128xf32, #tpu.memory_space<hbm>>
      tpu.wait_dma2 semaphore(%run_scoped3A : memref<!tpu.dma_semaphore, #tpu.memory_space<semaphore_mem>>) src(%dma_wait3A_23 : memref<640x128xf32, #tpu.memory_space<hbm>>) dst(%dma_wait3A_21 : memref<640x128xf32, #tpu.memory_space<vmem_shared>>)
      tpu.yield
    }) : () -> ()
    %barrier3A = arith.constant 0 : index
    tpu.barrier barrier_id(%barrier3A)
    %scan3A = arith.constant 0 : i32
    %scan3A_5 = arith.constant 0 : i32
    %scan3A_6 = arith.constant 16 : i32
    %scan3A_7 = arith.addi %scan3A_5, %scan3A_6 : i32
    %scan3A_8 = arith.constant 1 : i32
    scf.for %scan3A_18 = %scan3A_5 to %scan3A_7 step %scan3A_8  : i32 {
      %mul3A_19 = arith.constant 2048 : i32
      %mul3A_20 = arith.muli %arg0, %mul3A_19 : i32
      %mul3A_21 = arith.constant 128 : i32
      %mul3A_22 = arith.muli %arg1, %mul3A_21 : i32
      %add3A_23 = arith.addi %mul3A_20, %mul3A_22 : i32
      %mul3A_24 = arith.constant 8 : i32
      %mul3A_25 = arith.muli %scan3A_18, %mul3A_24 : i32
      %add3A_26 = arith.addi %add3A_23, %mul3A_25 : i32
      "tpu.region"() ({
        %run_scoped3A_149 = tpu.sem_alloc : memref<!tpu.dma_semaphore, #tpu.memory_space<semaphore_mem>>
        %dma_start3A_150 = arith.constant 0 : i32
        %dma_start3A_151 = tpu.memref_slice %arg3[%add3A_26, %dma_start3A_150] : memref<4096x80xi32, #tpu.memory_space<hbm>> -> memref<8x80xi32, #tpu.memory_space<hbm>>
        %dma_start3A_152 = arith.constant 0 : i32
        %dma_start3A_153 = tpu.memref_slice %arg3[%add3A_26, %dma_start3A_152] : memref<4096x80xi32, #tpu.memory_space<hbm>> -> memref<8x80xi32, #tpu.memory_space<hbm>>
        tpu.enqueue_dma source(%dma_start3A_153 : memref<8x80xi32, #tpu.memory_space<hbm>>) target(%arg6 : memref<8x80xi32, #tpu.memory_space<vmem>>) target_semaphore(%run_scoped3A_149 : memref<!tpu.dma_semaphore, #tpu.memory_space<semaphore_mem>>)
        %dma_wait3A_154 = arith.constant 0 : i32
        %dma_wait3A_155 = tpu.memref_slice %arg3[%add3A_26, %dma_wait3A_154] : memref<4096x80xi32, #tpu.memory_space<hbm>> -> memref<8x80xi32, #tpu.memory_space<hbm>>
        %dma_wait3A_156 = arith.constant 0 : i32
        %dma_wait3A_157 = tpu.memref_slice %arg3[%add3A_26, %dma_wait3A_156] : memref<4096x80xi32, #tpu.memory_space<hbm>> -> memref<8x80xi32, #tpu.memory_space<hbm>>
        tpu.wait_dma2 semaphore(%run_scoped3A_149 : memref<!tpu.dma_semaphore, #tpu.memory_space<semaphore_mem>>) src(%dma_wait3A_157 : memref<8x80xi32, #tpu.memory_space<hbm>>) dst(%arg6 : memref<8x80xi32, #tpu.memory_space<vmem>>)
        tpu.yield
      }) : () -> ()
      %mul3A_27 = arith.constant 128 : i32
      %mul3A_28 = arith.muli %arg1, %mul3A_27 : i32
      %mul3A_29 = arith.constant 8 : i32
      %mul3A_30 = arith.muli %scan3A_18, %mul3A_29 : i32
      %add3A_31 = arith.addi %mul3A_28, %mul3A_30 : i32
      "tpu.region"() ({
        %run_scoped3A_149 = tpu.sem_alloc : memref<!tpu.dma_semaphore, #tpu.memory_space<semaphore_mem>>
        %dma_start3A_150 = arith.constant 0 : i32
        %dma_start3A_151 = tpu.memref_slice %arg4[%add3A_31, %dma_start3A_150] : memref<2048x80xi32, #tpu.memory_space<hbm>> -> memref<8x80xi32, #tpu.memory_space<hbm>>
        %dma_start3A_152 = arith.constant 0 : i32
        %dma_start3A_153 = tpu.memref_slice %arg4[%add3A_31, %dma_start3A_152] : memref<2048x80xi32, #tpu.memory_space<hbm>> -> memref<8x80xi32, #tpu.memory_space<hbm>>
        tpu.enqueue_dma source(%dma_start3A_153 : memref<8x80xi32, #tpu.memory_space<hbm>>) target(%arg7 : memref<8x80xi32, #tpu.memory_space<vmem>>) target_semaphore(%run_scoped3A_149 : memref<!tpu.dma_semaphore, #tpu.memory_space<semaphore_mem>>)
        %dma_wait3A_154 = arith.constant 0 : i32
        %dma_wait3A_155 = tpu.memref_slice %arg4[%add3A_31, %dma_wait3A_154] : memref<2048x80xi32, #tpu.memory_space<hbm>> -> memref<8x80xi32, #tpu.memory_space<hbm>>
        %dma_wait3A_156 = arith.constant 0 : i32
        %dma_wait3A_157 = tpu.memref_slice %arg4[%add3A_31, %dma_wait3A_156] : memref<2048x80xi32, #tpu.memory_space<hbm>> -> memref<8x80xi32, #tpu.memory_space<hbm>>
        tpu.wait_dma2 semaphore(%run_scoped3A_149 : memref<!tpu.dma_semaphore, #tpu.memory_space<semaphore_mem>>) src(%dma_wait3A_157 : memref<8x80xi32, #tpu.memory_space<hbm>>) dst(%arg7 : memref<8x80xi32, #tpu.memory_space<vmem>>)
        tpu.yield
      }) : () -> ()
      %dma_start3A = arith.constant 0 : i32
      %dma_start3A_32 = arith.constant 0 : i32
      %dma_start3A_33 = tpu.memref_slice %arg6[%dma_start3A, %dma_start3A_32] : memref<8x80xi32, #tpu.memory_space<vmem>> -> memref<1x80xi32, #tpu.memory_space<vmem>>
      %dma_start3A_34 = tpu.memref_squeeze %dma_start3A_33 : memref<1x80xi32, #tpu.memory_space<vmem>> -> memref<80xi32, #tpu.memory_space<vmem>>
      %dma_start3A_35 = arith.constant 0 : i32
      %dma_start3A_36 = arith.constant 0 : i32
      %dma_start3A_37 = tpu.memref_slice %arg2[%dma_start3A_35, %dma_start3A_36] : memref<20480x128xf32, #tpu.memory_space<hbm>> -> memref<20480x128xf32, #tpu.memory_space<hbm>>
      tpu.enqueue_indirect_dma source(%dma_start3A_37 : memref<20480x128xf32, #tpu.memory_space<hbm>>) target(%arg8 : memref<80x128xf32, #tpu.memory_space<vmem>>) offsets(%dma_start3A_34 : memref<80xi32, #tpu.memory_space<vmem>>) semaphore(%arg12 : memref<!tpu.dma_semaphore, #tpu.memory_space<semaphore_mem>>)
      %dma_start3A_38 = arith.constant 1 : i32
      %dma_start3A_39 = arith.constant 0 : i32
      %dma_start3A_40 = tpu.memref_slice %arg6[%dma_start3A_38, %dma_start3A_39] : memref<8x80xi32, #tpu.memory_space<vmem>> -> memref<1x80xi32, #tpu.memory_space<vmem>>
      %dma_start3A_41 = tpu.memref_squeeze %dma_start3A_40 : memref<1x80xi32, #tpu.memory_space<vmem>> -> memref<80xi32, #tpu.memory_space<vmem>>
      %dma_start3A_42 = arith.constant 0 : i32
      %dma_start3A_43 = arith.constant 0 : i32
      %dma_start3A_44 = tpu.memref_slice %arg2[%dma_start3A_42, %dma_start3A_43] : memref<20480x128xf32, #tpu.memory_space<hbm>> -> memref<20480x128xf32, #tpu.memory_space<hbm>>
      tpu.enqueue_indirect_dma source(%dma_start3A_44 : memref<20480x128xf32, #tpu.memory_space<hbm>>) target(%arg9 : memref<80x128xf32, #tpu.memory_space<vmem>>) offsets(%dma_start3A_41 : memref<80xi32, #tpu.memory_space<vmem>>) semaphore(%arg13 : memref<!tpu.dma_semaphore, #tpu.memory_space<semaphore_mem>>)
      %dma_start3A_45 = arith.constant 2 : i32
      %dma_start3A_46 = arith.constant 0 : i32
      %dma_start3A_47 = tpu.memref_slice %arg6[%dma_start3A_45, %dma_start3A_46] : memref<8x80xi32, #tpu.memory_space<vmem>> -> memref<1x80xi32, #tpu.memory_space<vmem>>
      %dma_start3A_48 = tpu.memref_squeeze %dma_start3A_47 : memref<1x80xi32, #tpu.memory_space<vmem>> -> memref<80xi32, #tpu.memory_space<vmem>>
      %dma_start3A_49 = arith.constant 0 : i32
      %dma_start3A_50 = arith.constant 0 : i32
      %dma_start3A_51 = tpu.memref_slice %arg2[%dma_start3A_49, %dma_start3A_50] : memref<20480x128xf32, #tpu.memory_space<hbm>> -> memref<20480x128xf32, #tpu.memory_space<hbm>>
      tpu.enqueue_indirect_dma source(%dma_start3A_51 : memref<20480x128xf32, #tpu.memory_space<hbm>>) target(%arg10 : memref<80x128xf32, #tpu.memory_space<vmem>>) offsets(%dma_start3A_48 : memref<80xi32, #tpu.memory_space<vmem>>) semaphore(%arg14 : memref<!tpu.dma_semaphore, #tpu.memory_space<semaphore_mem>>)
      %dma_wait3A = arith.constant 0 : i32
      %dma_wait3A_52 = arith.constant 0 : i32
      %dma_wait3A_53 = tpu.memref_slice %arg6[%dma_wait3A, %dma_wait3A_52] : memref<8x80xi32, #tpu.memory_space<vmem>> -> memref<1x80xi32, #tpu.memory_space<vmem>>
      %dma_wait3A_54 = tpu.memref_squeeze %dma_wait3A_53 : memref<1x80xi32, #tpu.memory_space<vmem>> -> memref<80xi32, #tpu.memory_space<vmem>>
      %dma_wait3A_55 = arith.constant 0 : i32
      %dma_wait3A_56 = arith.constant 0 : i32
      %dma_wait3A_57 = tpu.memref_slice %arg2[%dma_wait3A_55, %dma_wait3A_56] : memref<20480x128xf32, #tpu.memory_space<hbm>> -> memref<20480x128xf32, #tpu.memory_space<hbm>>
      tpu.wait_indirect_dma semaphore(%arg12 : memref<!tpu.dma_semaphore, #tpu.memory_space<semaphore_mem>>) src(%dma_wait3A_57 : memref<20480x128xf32, #tpu.memory_space<hbm>>) dst(%arg8 : memref<80x128xf32, #tpu.memory_space<vmem>>)
      %run_scoped3A = arith.constant 0 : i32
      "tpu.region"() ({
        %run_scoped3A_149 = tpu.sem_alloc : memref<!tpu.dma_semaphore, #tpu.memory_space<semaphore_mem>>
        %dma_start3A_150 = arith.constant 0 : i32
        %dma_start3A_151 = tpu.memref_slice %arg7[%run_scoped3A, %dma_start3A_150] : memref<8x80xi32, #tpu.memory_space<vmem>> -> memref<1x80xi32, #tpu.memory_space<vmem>>
        %dma_start3A_152 = tpu.memref_squeeze %dma_start3A_151 : memref<1x80xi32, #tpu.memory_space<vmem>> -> memref<80xi32, #tpu.memory_space<vmem>>
        %dma_start3A_153 = arith.constant 0 : i32
        %dma_start3A_154 = arith.constant 0 : i32
        %dma_start3A_155 = tpu.memref_slice %arg11[%dma_start3A_153, %dma_start3A_154] : memref<10256x128xf32, #tpu.memory_space<vmem_shared>> -> memref<10256x128xf32, #tpu.memory_space<vmem_shared>>
        tpu.enqueue_indirect_dma source(%arg8 : memref<80x128xf32, #tpu.memory_space<vmem>>) target(%dma_start3A_155 : memref<10256x128xf32, #tpu.memory_space<vmem_shared>>) offsets(%dma_start3A_152 : memref<80xi32, #tpu.memory_space<vmem>>) semaphore(%run_scoped3A_149 : memref<!tpu.dma_semaphore, #tpu.memory_space<semaphore_mem>>) {add = true}
        %dma_wait3A_156 = arith.constant 0 : i32
        %dma_wait3A_157 = tpu.memref_slice %arg7[%run_scoped3A, %dma_wait3A_156] : memref<8x80xi32, #tpu.memory_space<vmem>> -> memref<1x80xi32, #tpu.memory_space<vmem>>
        %dma_wait3A_158 = tpu.memref_squeeze %dma_wait3A_157 : memref<1x80xi32, #tpu.memory_space<vmem>> -> memref<80xi32, #tpu.memory_space<vmem>>
        %dma_wait3A_159 = arith.constant 0 : i32
        %dma_wait3A_160 = arith.constant 0 : i32
        %dma_wait3A_161 = tpu.memref_slice %arg11[%dma_wait3A_159, %dma_wait3A_160] : memref<10256x128xf32, #tpu.memory_space<vmem_shared>> -> memref<10256x128xf32, #tpu.memory_space<vmem_shared>>
        tpu.wait_indirect_dma semaphore(%run_scoped3A_149 : memref<!tpu.dma_semaphore, #tpu.memory_space<semaphore_mem>>) src(%arg8 : memref<80x128xf32, #tpu.memory_space<vmem>>) dst(%dma_wait3A_161 : memref<10256x128xf32, #tpu.memory_space<vmem_shared>>)
        tpu.yield
      }) : () -> ()
      %dma_start3A_58 = arith.constant 3 : i32
      %dma_start3A_59 = arith.constant 0 : i32
      %dma_start3A_60 = tpu.memref_slice %arg6[%dma_start3A_58, %dma_start3A_59] : memref<8x80xi32, #tpu.memory_space<vmem>> -> memref<1x80xi32, #tpu.memory_space<vmem>>
      %dma_start3A_61 = tpu.memref_squeeze %dma_start3A_60 : memref<1x80xi32, #tpu.memory_space<vmem>> -> memref<80xi32, #tpu.memory_space<vmem>>
      %dma_start3A_62 = arith.constant 0 : i32
      %dma_start3A_63 = arith.constant 0 : i32
      %dma_start3A_64 = tpu.memref_slice %arg2[%dma_start3A_62, %dma_start3A_63] : memref<20480x128xf32, #tpu.memory_space<hbm>> -> memref<20480x128xf32, #tpu.memory_space<hbm>>
      tpu.enqueue_indirect_dma source(%dma_start3A_64 : memref<20480x128xf32, #tpu.memory_space<hbm>>) target(%arg8 : memref<80x128xf32, #tpu.memory_space<vmem>>) offsets(%dma_start3A_61 : memref<80xi32, #tpu.memory_space<vmem>>) semaphore(%arg12 : memref<!tpu.dma_semaphore, #tpu.memory_space<semaphore_mem>>)
      %dma_wait3A_65 = arith.constant 1 : i32
      %dma_wait3A_66 = arith.constant 0 : i32
      %dma_wait3A_67 = tpu.memref_slice %arg6[%dma_wait3A_65, %dma_wait3A_66] : memref<8x80xi32, #tpu.memory_space<vmem>> -> memref<1x80xi32, #tpu.memory_space<vmem>>
      %dma_wait3A_68 = tpu.memref_squeeze %dma_wait3A_67 : memref<1x80xi32, #tpu.memory_space<vmem>> -> memref<80xi32, #tpu.memory_space<vmem>>
      %dma_wait3A_69 = arith.constant 0 : i32
      %dma_wait3A_70 = arith.constant 0 : i32
      %dma_wait3A_71 = tpu.memref_slice %arg2[%dma_wait3A_69, %dma_wait3A_70] : memref<20480x128xf32, #tpu.memory_space<hbm>> -> memref<20480x128xf32, #tpu.memory_space<hbm>>
      tpu.wait_indirect_dma semaphore(%arg13 : memref<!tpu.dma_semaphore, #tpu.memory_space<semaphore_mem>>) src(%dma_wait3A_71 : memref<20480x128xf32, #tpu.memory_space<hbm>>) dst(%arg9 : memref<80x128xf32, #tpu.memory_space<vmem>>)
      %run_scoped3A_72 = arith.constant 1 : i32
      "tpu.region"() ({
        %run_scoped3A_149 = tpu.sem_alloc : memref<!tpu.dma_semaphore, #tpu.memory_space<semaphore_mem>>
        %dma_start3A_150 = arith.constant 0 : i32
        %dma_start3A_151 = tpu.memref_slice %arg7[%run_scoped3A_72, %dma_start3A_150] : memref<8x80xi32, #tpu.memory_space<vmem>> -> memref<1x80xi32, #tpu.memory_space<vmem>>
        %dma_start3A_152 = tpu.memref_squeeze %dma_start3A_151 : memref<1x80xi32, #tpu.memory_space<vmem>> -> memref<80xi32, #tpu.memory_space<vmem>>
        %dma_start3A_153 = arith.constant 0 : i32
        %dma_start3A_154 = arith.constant 0 : i32
        %dma_start3A_155 = tpu.memref_slice %arg11[%dma_start3A_153, %dma_start3A_154] : memref<10256x128xf32, #tpu.memory_space<vmem_shared>> -> memref<10256x128xf32, #tpu.memory_space<vmem_shared>>
        tpu.enqueue_indirect_dma source(%arg9 : memref<80x128xf32, #tpu.memory_space<vmem>>) target(%dma_start3A_155 : memref<10256x128xf32, #tpu.memory_space<vmem_shared>>) offsets(%dma_start3A_152 : memref<80xi32, #tpu.memory_space<vmem>>) semaphore(%run_scoped3A_149 : memref<!tpu.dma_semaphore, #tpu.memory_space<semaphore_mem>>) {add = true}
        %dma_wait3A_156 = arith.constant 0 : i32
        %dma_wait3A_157 = tpu.memref_slice %arg7[%run_scoped3A_72, %dma_wait3A_156] : memref<8x80xi32, #tpu.memory_space<vmem>> -> memref<1x80xi32, #tpu.memory_space<vmem>>
        %dma_wait3A_158 = tpu.memref_squeeze %dma_wait3A_157 : memref<1x80xi32, #tpu.memory_space<vmem>> -> memref<80xi32, #tpu.memory_space<vmem>>
        %dma_wait3A_159 = arith.constant 0 : i32
        %dma_wait3A_160 = arith.constant 0 : i32
        %dma_wait3A_161 = tpu.memref_slice %arg11[%dma_wait3A_159, %dma_wait3A_160] : memref<10256x128xf32, #tpu.memory_space<vmem_shared>> -> memref<10256x128xf32, #tpu.memory_space<vmem_shared>>
        tpu.wait_indirect_dma semaphore(%run_scoped3A_149 : memref<!tpu.dma_semaphore, #tpu.memory_space<semaphore_mem>>) src(%arg9 : memref<80x128xf32, #tpu.memory_space<vmem>>) dst(%dma_wait3A_161 : memref<10256x128xf32, #tpu.memory_space<vmem_shared>>)
        tpu.yield
      }) : () -> ()
      %dma_start3A_73 = arith.constant 4 : i32
      %dma_start3A_74 = arith.constant 0 : i32
      %dma_start3A_75 = tpu.memref_slice %arg6[%dma_start3A_73, %dma_start3A_74] : memref<8x80xi32, #tpu.memory_space<vmem>> -> memref<1x80xi32, #tpu.memory_space<vmem>>
      %dma_start3A_76 = tpu.memref_squeeze %dma_start3A_75 : memref<1x80xi32, #tpu.memory_space<vmem>> -> memref<80xi32, #tpu.memory_space<vmem>>
      %dma_start3A_77 = arith.constant 0 : i32
      %dma_start3A_78 = arith.constant 0 : i32
      %dma_start3A_79 = tpu.memref_slice %arg2[%dma_start3A_77, %dma_start3A_78] : memref<20480x128xf32, #tpu.memory_space<hbm>> -> memref<20480x128xf32, #tpu.memory_space<hbm>>
      tpu.enqueue_indirect_dma source(%dma_start3A_79 : memref<20480x128xf32, #tpu.memory_space<hbm>>) target(%arg9 : memref<80x128xf32, #tpu.memory_space<vmem>>) offsets(%dma_start3A_76 : memref<80xi32, #tpu.memory_space<vmem>>) semaphore(%arg13 : memref<!tpu.dma_semaphore, #tpu.memory_space<semaphore_mem>>)
      %dma_wait3A_80 = arith.constant 2 : i32
      %dma_wait3A_81 = arith.constant 0 : i32
      %dma_wait3A_82 = tpu.memref_slice %arg6[%dma_wait3A_80, %dma_wait3A_81] : memref<8x80xi32, #tpu.memory_space<vmem>> -> memref<1x80xi32, #tpu.memory_space<vmem>>
      %dma_wait3A_83 = tpu.memref_squeeze %dma_wait3A_82 : memref<1x80xi32, #tpu.memory_space<vmem>> -> memref<80xi32, #tpu.memory_space<vmem>>
      %dma_wait3A_84 = arith.constant 0 : i32
      %dma_wait3A_85 = arith.constant 0 : i32
      %dma_wait3A_86 = tpu.memref_slice %arg2[%dma_wait3A_84, %dma_wait3A_85] : memref<20480x128xf32, #tpu.memory_space<hbm>> -> memref<20480x128xf32, #tpu.memory_space<hbm>>
      tpu.wait_indirect_dma semaphore(%arg14 : memref<!tpu.dma_semaphore, #tpu.memory_space<semaphore_mem>>) src(%dma_wait3A_86 : memref<20480x128xf32, #tpu.memory_space<hbm>>) dst(%arg10 : memref<80x128xf32, #tpu.memory_space<vmem>>)
      %run_scoped3A_87 = arith.constant 2 : i32
      "tpu.region"() ({
        %run_scoped3A_149 = tpu.sem_alloc : memref<!tpu.dma_semaphore, #tpu.memory_space<semaphore_mem>>
        %dma_start3A_150 = arith.constant 0 : i32
        %dma_start3A_151 = tpu.memref_slice %arg7[%run_scoped3A_87, %dma_start3A_150] : memref<8x80xi32, #tpu.memory_space<vmem>> -> memref<1x80xi32, #tpu.memory_space<vmem>>
        %dma_start3A_152 = tpu.memref_squeeze %dma_start3A_151 : memref<1x80xi32, #tpu.memory_space<vmem>> -> memref<80xi32, #tpu.memory_space<vmem>>
        %dma_start3A_153 = arith.constant 0 : i32
        %dma_start3A_154 = arith.constant 0 : i32
        %dma_start3A_155 = tpu.memref_slice %arg11[%dma_start3A_153, %dma_start3A_154] : memref<10256x128xf32, #tpu.memory_space<vmem_shared>> -> memref<10256x128xf32, #tpu.memory_space<vmem_shared>>
        tpu.enqueue_indirect_dma source(%arg10 : memref<80x128xf32, #tpu.memory_space<vmem>>) target(%dma_start3A_155 : memref<10256x128xf32, #tpu.memory_space<vmem_shared>>) offsets(%dma_start3A_152 : memref<80xi32, #tpu.memory_space<vmem>>) semaphore(%run_scoped3A_149 : memref<!tpu.dma_semaphore, #tpu.memory_space<semaphore_mem>>) {add = true}
        %dma_wait3A_156 = arith.constant 0 : i32
        %dma_wait3A_157 = tpu.memref_slice %arg7[%run_scoped3A_87, %dma_wait3A_156] : memref<8x80xi32, #tpu.memory_space<vmem>> -> memref<1x80xi32, #tpu.memory_space<vmem>>
        %dma_wait3A_158 = tpu.memref_squeeze %dma_wait3A_157 : memref<1x80xi32, #tpu.memory_space<vmem>> -> memref<80xi32, #tpu.memory_space<vmem>>
        %dma_wait3A_159 = arith.constant 0 : i32
        %dma_wait3A_160 = arith.constant 0 : i32
        %dma_wait3A_161 = tpu.memref_slice %arg11[%dma_wait3A_159, %dma_wait3A_160] : memref<10256x128xf32, #tpu.memory_space<vmem_shared>> -> memref<10256x128xf32, #tpu.memory_space<vmem_shared>>
        tpu.wait_indirect_dma semaphore(%run_scoped3A_149 : memref<!tpu.dma_semaphore, #tpu.memory_space<semaphore_mem>>) src(%arg10 : memref<80x128xf32, #tpu.memory_space<vmem>>) dst(%dma_wait3A_161 : memref<10256x128xf32, #tpu.memory_space<vmem_shared>>)
        tpu.yield
      }) : () -> ()
      %dma_start3A_88 = arith.constant 5 : i32
      %dma_start3A_89 = arith.constant 0 : i32
      %dma_start3A_90 = tpu.memref_slice %arg6[%dma_start3A_88, %dma_start3A_89] : memref<8x80xi32, #tpu.memory_space<vmem>> -> memref<1x80xi32, #tpu.memory_space<vmem>>
      %dma_start3A_91 = tpu.memref_squeeze %dma_start3A_90 : memref<1x80xi32, #tpu.memory_space<vmem>> -> memref<80xi32, #tpu.memory_space<vmem>>
      %dma_start3A_92 = arith.constant 0 : i32
      %dma_start3A_93 = arith.constant 0 : i32
      %dma_start3A_94 = tpu.memref_slice %arg2[%dma_start3A_92, %dma_start3A_93] : memref<20480x128xf32, #tpu.memory_space<hbm>> -> memref<20480x128xf32, #tpu.memory_space<hbm>>
      tpu.enqueue_indirect_dma source(%dma_start3A_94 : memref<20480x128xf32, #tpu.memory_space<hbm>>) target(%arg10 : memref<80x128xf32, #tpu.memory_space<vmem>>) offsets(%dma_start3A_91 : memref<80xi32, #tpu.memory_space<vmem>>) semaphore(%arg14 : memref<!tpu.dma_semaphore, #tpu.memory_space<semaphore_mem>>)
      %dma_wait3A_95 = arith.constant 3 : i32
      %dma_wait3A_96 = arith.constant 0 : i32
      %dma_wait3A_97 = tpu.memref_slice %arg6[%dma_wait3A_95, %dma_wait3A_96] : memref<8x80xi32, #tpu.memory_space<vmem>> -> memref<1x80xi32, #tpu.memory_space<vmem>>
      %dma_wait3A_98 = tpu.memref_squeeze %dma_wait3A_97 : memref<1x80xi32, #tpu.memory_space<vmem>> -> memref<80xi32, #tpu.memory_space<vmem>>
      %dma_wait3A_99 = arith.constant 0 : i32
      %dma_wait3A_100 = arith.constant 0 : i32
      %dma_wait3A_101 = tpu.memref_slice %arg2[%dma_wait3A_99, %dma_wait3A_100] : memref<20480x128xf32, #tpu.memory_space<hbm>> -> memref<20480x128xf32, #tpu.memory_space<hbm>>
      tpu.wait_indirect_dma semaphore(%arg12 : memref<!tpu.dma_semaphore, #tpu.memory_space<semaphore_mem>>) src(%dma_wait3A_101 : memref<20480x128xf32, #tpu.memory_space<hbm>>) dst(%arg8 : memref<80x128xf32, #tpu.memory_space<vmem>>)
      %run_scoped3A_102 = arith.constant 3 : i32
      "tpu.region"() ({
        %run_scoped3A_149 = tpu.sem_alloc : memref<!tpu.dma_semaphore, #tpu.memory_space<semaphore_mem>>
        %dma_start3A_150 = arith.constant 0 : i32
        %dma_start3A_151 = tpu.memref_slice %arg7[%run_scoped3A_102, %dma_start3A_150] : memref<8x80xi32, #tpu.memory_space<vmem>> -> memref<1x80xi32, #tpu.memory_space<vmem>>
        %dma_start3A_152 = tpu.memref_squeeze %dma_start3A_151 : memref<1x80xi32, #tpu.memory_space<vmem>> -> memref<80xi32, #tpu.memory_space<vmem>>
        %dma_start3A_153 = arith.constant 0 : i32
        %dma_start3A_154 = arith.constant 0 : i32
        %dma_start3A_155 = tpu.memref_slice %arg11[%dma_start3A_153, %dma_start3A_154] : memref<10256x128xf32, #tpu.memory_space<vmem_shared>> -> memref<10256x128xf32, #tpu.memory_space<vmem_shared>>
        tpu.enqueue_indirect_dma source(%arg8 : memref<80x128xf32, #tpu.memory_space<vmem>>) target(%dma_start3A_155 : memref<10256x128xf32, #tpu.memory_space<vmem_shared>>) offsets(%dma_start3A_152 : memref<80xi32, #tpu.memory_space<vmem>>) semaphore(%run_scoped3A_149 : memref<!tpu.dma_semaphore, #tpu.memory_space<semaphore_mem>>) {add = true}
        %dma_wait3A_156 = arith.constant 0 : i32
        %dma_wait3A_157 = tpu.memref_slice %arg7[%run_scoped3A_102, %dma_wait3A_156] : memref<8x80xi32, #tpu.memory_space<vmem>> -> memref<1x80xi32, #tpu.memory_space<vmem>>
        %dma_wait3A_158 = tpu.memref_squeeze %dma_wait3A_157 : memref<1x80xi32, #tpu.memory_space<vmem>> -> memref<80xi32, #tpu.memory_space<vmem>>
        %dma_wait3A_159 = arith.constant 0 : i32
        %dma_wait3A_160 = arith.constant 0 : i32
        %dma_wait3A_161 = tpu.memref_slice %arg11[%dma_wait3A_159, %dma_wait3A_160] : memref<10256x128xf32, #tpu.memory_space<vmem_shared>> -> memref<10256x128xf32, #tpu.memory_space<vmem_shared>>
        tpu.wait_indirect_dma semaphore(%run_scoped3A_149 : memref<!tpu.dma_semaphore, #tpu.memory_space<semaphore_mem>>) src(%arg8 : memref<80x128xf32, #tpu.memory_space<vmem>>) dst(%dma_wait3A_161 : memref<10256x128xf32, #tpu.memory_space<vmem_shared>>)
        tpu.yield
      }) : () -> ()
      %dma_start3A_103 = arith.constant 6 : i32
      %dma_start3A_104 = arith.constant 0 : i32
      %dma_start3A_105 = tpu.memref_slice %arg6[%dma_start3A_103, %dma_start3A_104] : memref<8x80xi32, #tpu.memory_space<vmem>> -> memref<1x80xi32, #tpu.memory_space<vmem>>
      %dma_start3A_106 = tpu.memref_squeeze %dma_start3A_105 : memref<1x80xi32, #tpu.memory_space<vmem>> -> memref<80xi32, #tpu.memory_space<vmem>>
      %dma_start3A_107 = arith.constant 0 : i32
      %dma_start3A_108 = arith.constant 0 : i32
      %dma_start3A_109 = tpu.memref_slice %arg2[%dma_start3A_107, %dma_start3A_108] : memref<20480x128xf32, #tpu.memory_space<hbm>> -> memref<20480x128xf32, #tpu.memory_space<hbm>>
      tpu.enqueue_indirect_dma source(%dma_start3A_109 : memref<20480x128xf32, #tpu.memory_space<hbm>>) target(%arg8 : memref<80x128xf32, #tpu.memory_space<vmem>>) offsets(%dma_start3A_106 : memref<80xi32, #tpu.memory_space<vmem>>) semaphore(%arg12 : memref<!tpu.dma_semaphore, #tpu.memory_space<semaphore_mem>>)
      %dma_wait3A_110 = arith.constant 4 : i32
      %dma_wait3A_111 = arith.constant 0 : i32
      %dma_wait3A_112 = tpu.memref_slice %arg6[%dma_wait3A_110, %dma_wait3A_111] : memref<8x80xi32, #tpu.memory_space<vmem>> -> memref<1x80xi32, #tpu.memory_space<vmem>>
      %dma_wait3A_113 = tpu.memref_squeeze %dma_wait3A_112 : memref<1x80xi32, #tpu.memory_space<vmem>> -> memref<80xi32, #tpu.memory_space<vmem>>
      %dma_wait3A_114 = arith.constant 0 : i32
      %dma_wait3A_115 = arith.constant 0 : i32
      %dma_wait3A_116 = tpu.memref_slice %arg2[%dma_wait3A_114, %dma_wait3A_115] : memref<20480x128xf32, #tpu.memory_space<hbm>> -> memref<20480x128xf32, #tpu.memory_space<hbm>>
      tpu.wait_indirect_dma semaphore(%arg13 : memref<!tpu.dma_semaphore, #tpu.memory_space<semaphore_mem>>) src(%dma_wait3A_116 : memref<20480x128xf32, #tpu.memory_space<hbm>>) dst(%arg9 : memref<80x128xf32, #tpu.memory_space<vmem>>)
      %run_scoped3A_117 = arith.constant 4 : i32
      "tpu.region"() ({
        %run_scoped3A_149 = tpu.sem_alloc : memref<!tpu.dma_semaphore, #tpu.memory_space<semaphore_mem>>
        %dma_start3A_150 = arith.constant 0 : i32
        %dma_start3A_151 = tpu.memref_slice %arg7[%run_scoped3A_117, %dma_start3A_150] : memref<8x80xi32, #tpu.memory_space<vmem>> -> memref<1x80xi32, #tpu.memory_space<vmem>>
        %dma_start3A_152 = tpu.memref_squeeze %dma_start3A_151 : memref<1x80xi32, #tpu.memory_space<vmem>> -> memref<80xi32, #tpu.memory_space<vmem>>
        %dma_start3A_153 = arith.constant 0 : i32
        %dma_start3A_154 = arith.constant 0 : i32
        %dma_start3A_155 = tpu.memref_slice %arg11[%dma_start3A_153, %dma_start3A_154] : memref<10256x128xf32, #tpu.memory_space<vmem_shared>> -> memref<10256x128xf32, #tpu.memory_space<vmem_shared>>
        tpu.enqueue_indirect_dma source(%arg9 : memref<80x128xf32, #tpu.memory_space<vmem>>) target(%dma_start3A_155 : memref<10256x128xf32, #tpu.memory_space<vmem_shared>>) offsets(%dma_start3A_152 : memref<80xi32, #tpu.memory_space<vmem>>) semaphore(%run_scoped3A_149 : memref<!tpu.dma_semaphore, #tpu.memory_space<semaphore_mem>>) {add = true}
        %dma_wait3A_156 = arith.constant 0 : i32
        %dma_wait3A_157 = tpu.memref_slice %arg7[%run_scoped3A_117, %dma_wait3A_156] : memref<8x80xi32, #tpu.memory_space<vmem>> -> memref<1x80xi32, #tpu.memory_space<vmem>>
        %dma_wait3A_158 = tpu.memref_squeeze %dma_wait3A_157 : memref<1x80xi32, #tpu.memory_space<vmem>> -> memref<80xi32, #tpu.memory_space<vmem>>
        %dma_wait3A_159 = arith.constant 0 : i32
        %dma_wait3A_160 = arith.constant 0 : i32
        %dma_wait3A_161 = tpu.memref_slice %arg11[%dma_wait3A_159, %dma_wait3A_160] : memref<10256x128xf32, #tpu.memory_space<vmem_shared>> -> memref<10256x128xf32, #tpu.memory_space<vmem_shared>>
        tpu.wait_indirect_dma semaphore(%run_scoped3A_149 : memref<!tpu.dma_semaphore, #tpu.memory_space<semaphore_mem>>) src(%arg9 : memref<80x128xf32, #tpu.memory_space<vmem>>) dst(%dma_wait3A_161 : memref<10256x128xf32, #tpu.memory_space<vmem_shared>>)
        tpu.yield
      }) : () -> ()
      %dma_start3A_118 = arith.constant 7 : i32
      %dma_start3A_119 = arith.constant 0 : i32
      %dma_start3A_120 = tpu.memref_slice %arg6[%dma_start3A_118, %dma_start3A_119] : memref<8x80xi32, #tpu.memory_space<vmem>> -> memref<1x80xi32, #tpu.memory_space<vmem>>
      %dma_start3A_121 = tpu.memref_squeeze %dma_start3A_120 : memref<1x80xi32, #tpu.memory_space<vmem>> -> memref<80xi32, #tpu.memory_space<vmem>>
      %dma_start3A_122 = arith.constant 0 : i32
      %dma_start3A_123 = arith.constant 0 : i32
      %dma_start3A_124 = tpu.memref_slice %arg2[%dma_start3A_122, %dma_start3A_123] : memref<20480x128xf32, #tpu.memory_space<hbm>> -> memref<20480x128xf32, #tpu.memory_space<hbm>>
      tpu.enqueue_indirect_dma source(%dma_start3A_124 : memref<20480x128xf32, #tpu.memory_space<hbm>>) target(%arg9 : memref<80x128xf32, #tpu.memory_space<vmem>>) offsets(%dma_start3A_121 : memref<80xi32, #tpu.memory_space<vmem>>) semaphore(%arg13 : memref<!tpu.dma_semaphore, #tpu.memory_space<semaphore_mem>>)
      %dma_wait3A_125 = arith.constant 5 : i32
      %dma_wait3A_126 = arith.constant 0 : i32
      %dma_wait3A_127 = tpu.memref_slice %arg6[%dma_wait3A_125, %dma_wait3A_126] : memref<8x80xi32, #tpu.memory_space<vmem>> -> memref<1x80xi32, #tpu.memory_space<vmem>>
      %dma_wait3A_128 = tpu.memref_squeeze %dma_wait3A_127 : memref<1x80xi32, #tpu.memory_space<vmem>> -> memref<80xi32, #tpu.memory_space<vmem>>
      %dma_wait3A_129 = arith.constant 0 : i32
      %dma_wait3A_130 = arith.constant 0 : i32
      %dma_wait3A_131 = tpu.memref_slice %arg2[%dma_wait3A_129, %dma_wait3A_130] : memref<20480x128xf32, #tpu.memory_space<hbm>> -> memref<20480x128xf32, #tpu.memory_space<hbm>>
      tpu.wait_indirect_dma semaphore(%arg14 : memref<!tpu.dma_semaphore, #tpu.memory_space<semaphore_mem>>) src(%dma_wait3A_131 : memref<20480x128xf32, #tpu.memory_space<hbm>>) dst(%arg10 : memref<80x128xf32, #tpu.memory_space<vmem>>)
      %run_scoped3A_132 = arith.constant 5 : i32
      "tpu.region"() ({
        %run_scoped3A_149 = tpu.sem_alloc : memref<!tpu.dma_semaphore, #tpu.memory_space<semaphore_mem>>
        %dma_start3A_150 = arith.constant 0 : i32
        %dma_start3A_151 = tpu.memref_slice %arg7[%run_scoped3A_132, %dma_start3A_150] : memref<8x80xi32, #tpu.memory_space<vmem>> -> memref<1x80xi32, #tpu.memory_space<vmem>>
        %dma_start3A_152 = tpu.memref_squeeze %dma_start3A_151 : memref<1x80xi32, #tpu.memory_space<vmem>> -> memref<80xi32, #tpu.memory_space<vmem>>
        %dma_start3A_153 = arith.constant 0 : i32
        %dma_start3A_154 = arith.constant 0 : i32
        %dma_start3A_155 = tpu.memref_slice %arg11[%dma_start3A_153, %dma_start3A_154] : memref<10256x128xf32, #tpu.memory_space<vmem_shared>> -> memref<10256x128xf32, #tpu.memory_space<vmem_shared>>
        tpu.enqueue_indirect_dma source(%arg10 : memref<80x128xf32, #tpu.memory_space<vmem>>) target(%dma_start3A_155 : memref<10256x128xf32, #tpu.memory_space<vmem_shared>>) offsets(%dma_start3A_152 : memref<80xi32, #tpu.memory_space<vmem>>) semaphore(%run_scoped3A_149 : memref<!tpu.dma_semaphore, #tpu.memory_space<semaphore_mem>>) {add = true}
        %dma_wait3A_156 = arith.constant 0 : i32
        %dma_wait3A_157 = tpu.memref_slice %arg7[%run_scoped3A_132, %dma_wait3A_156] : memref<8x80xi32, #tpu.memory_space<vmem>> -> memref<1x80xi32, #tpu.memory_space<vmem>>
        %dma_wait3A_158 = tpu.memref_squeeze %dma_wait3A_157 : memref<1x80xi32, #tpu.memory_space<vmem>> -> memref<80xi32, #tpu.memory_space<vmem>>
        %dma_wait3A_159 = arith.constant 0 : i32
        %dma_wait3A_160 = arith.constant 0 : i32
        %dma_wait3A_161 = tpu.memref_slice %arg11[%dma_wait3A_159, %dma_wait3A_160] : memref<10256x128xf32, #tpu.memory_space<vmem_shared>> -> memref<10256x128xf32, #tpu.memory_space<vmem_shared>>
        tpu.wait_indirect_dma semaphore(%run_scoped3A_149 : memref<!tpu.dma_semaphore, #tpu.memory_space<semaphore_mem>>) src(%arg10 : memref<80x128xf32, #tpu.memory_space<vmem>>) dst(%dma_wait3A_161 : memref<10256x128xf32, #tpu.memory_space<vmem_shared>>)
        tpu.yield
      }) : () -> ()
      %dma_wait3A_133 = arith.constant 6 : i32
      %dma_wait3A_134 = arith.constant 0 : i32
      %dma_wait3A_135 = tpu.memref_slice %arg6[%dma_wait3A_133, %dma_wait3A_134] : memref<8x80xi32, #tpu.memory_space<vmem>> -> memref<1x80xi32, #tpu.memory_space<vmem>>
      %dma_wait3A_136 = tpu.memref_squeeze %dma_wait3A_135 : memref<1x80xi32, #tpu.memory_space<vmem>> -> memref<80xi32, #tpu.memory_space<vmem>>
      %dma_wait3A_137 = arith.constant 0 : i32
      %dma_wait3A_138 = arith.constant 0 : i32
      %dma_wait3A_139 = tpu.memref_slice %arg2[%dma_wait3A_137, %dma_wait3A_138] : memref<20480x128xf32, #tpu.memory_space<hbm>> -> memref<20480x128xf32, #tpu.memory_space<hbm>>
      tpu.wait_indirect_dma semaphore(%arg12 : memref<!tpu.dma_semaphore, #tpu.memory_space<semaphore_mem>>) src(%dma_wait3A_139 : memref<20480x128xf32, #tpu.memory_space<hbm>>) dst(%arg8 : memref<80x128xf32, #tpu.memory_space<vmem>>)
      %run_scoped3A_140 = arith.constant 6 : i32
      "tpu.region"() ({
        %run_scoped3A_149 = tpu.sem_alloc : memref<!tpu.dma_semaphore, #tpu.memory_space<semaphore_mem>>
        %dma_start3A_150 = arith.constant 0 : i32
        %dma_start3A_151 = tpu.memref_slice %arg7[%run_scoped3A_140, %dma_start3A_150] : memref<8x80xi32, #tpu.memory_space<vmem>> -> memref<1x80xi32, #tpu.memory_space<vmem>>
        %dma_start3A_152 = tpu.memref_squeeze %dma_start3A_151 : memref<1x80xi32, #tpu.memory_space<vmem>> -> memref<80xi32, #tpu.memory_space<vmem>>
        %dma_start3A_153 = arith.constant 0 : i32
        %dma_start3A_154 = arith.constant 0 : i32
        %dma_start3A_155 = tpu.memref_slice %arg11[%dma_start3A_153, %dma_start3A_154] : memref<10256x128xf32, #tpu.memory_space<vmem_shared>> -> memref<10256x128xf32, #tpu.memory_space<vmem_shared>>
        tpu.enqueue_indirect_dma source(%arg8 : memref<80x128xf32, #tpu.memory_space<vmem>>) target(%dma_start3A_155 : memref<10256x128xf32, #tpu.memory_space<vmem_shared>>) offsets(%dma_start3A_152 : memref<80xi32, #tpu.memory_space<vmem>>) semaphore(%run_scoped3A_149 : memref<!tpu.dma_semaphore, #tpu.memory_space<semaphore_mem>>) {add = true}
        %dma_wait3A_156 = arith.constant 0 : i32
        %dma_wait3A_157 = tpu.memref_slice %arg7[%run_scoped3A_140, %dma_wait3A_156] : memref<8x80xi32, #tpu.memory_space<vmem>> -> memref<1x80xi32, #tpu.memory_space<vmem>>
        %dma_wait3A_158 = tpu.memref_squeeze %dma_wait3A_157 : memref<1x80xi32, #tpu.memory_space<vmem>> -> memref<80xi32, #tpu.memory_space<vmem>>
        %dma_wait3A_159 = arith.constant 0 : i32
        %dma_wait3A_160 = arith.constant 0 : i32
        %dma_wait3A_161 = tpu.memref_slice %arg11[%dma_wait3A_159, %dma_wait3A_160] : memref<10256x128xf32, #tpu.memory_space<vmem_shared>> -> memref<10256x128xf32, #tpu.memory_space<vmem_shared>>
        tpu.wait_indirect_dma semaphore(%run_scoped3A_149 : memref<!tpu.dma_semaphore, #tpu.memory_space<semaphore_mem>>) src(%arg8 : memref<80x128xf32, #tpu.memory_space<vmem>>) dst(%dma_wait3A_161 : memref<10256x128xf32, #tpu.memory_space<vmem_shared>>)
        tpu.yield
      }) : () -> ()
      %dma_wait3A_141 = arith.constant 7 : i32
      %dma_wait3A_142 = arith.constant 0 : i32
      %dma_wait3A_143 = tpu.memref_slice %arg6[%dma_wait3A_141, %dma_wait3A_142] : memref<8x80xi32, #tpu.memory_space<vmem>> -> memref<1x80xi32, #tpu.memory_space<vmem>>
      %dma_wait3A_144 = tpu.memref_squeeze %dma_wait3A_143 : memref<1x80xi32, #tpu.memory_space<vmem>> -> memref<80xi32, #tpu.memory_space<vmem>>
      %dma_wait3A_145 = arith.constant 0 : i32
      %dma_wait3A_146 = arith.constant 0 : i32
      %dma_wait3A_147 = tpu.memref_slice %arg2[%dma_wait3A_145, %dma_wait3A_146] : memref<20480x128xf32, #tpu.memory_space<hbm>> -> memref<20480x128xf32, #tpu.memory_space<hbm>>
      tpu.wait_indirect_dma semaphore(%arg13 : memref<!tpu.dma_semaphore, #tpu.memory_space<semaphore_mem>>) src(%dma_wait3A_147 : memref<20480x128xf32, #tpu.memory_space<hbm>>) dst(%arg9 : memref<80x128xf32, #tpu.memory_space<vmem>>)
      %run_scoped3A_148 = arith.constant 7 : i32
      "tpu.region"() ({
        %run_scoped3A_149 = tpu.sem_alloc : memref<!tpu.dma_semaphore, #tpu.memory_space<semaphore_mem>>
        %dma_start3A_150 = arith.constant 0 : i32
        %dma_start3A_151 = tpu.memref_slice %arg7[%run_scoped3A_148, %dma_start3A_150] : memref<8x80xi32, #tpu.memory_space<vmem>> -> memref<1x80xi32, #tpu.memory_space<vmem>>
        %dma_start3A_152 = tpu.memref_squeeze %dma_start3A_151 : memref<1x80xi32, #tpu.memory_space<vmem>> -> memref<80xi32, #tpu.memory_space<vmem>>
        %dma_start3A_153 = arith.constant 0 : i32
        %dma_start3A_154 = arith.constant 0 : i32
        %dma_start3A_155 = tpu.memref_slice %arg11[%dma_start3A_153, %dma_start3A_154] : memref<10256x128xf32, #tpu.memory_space<vmem_shared>> -> memref<10256x128xf32, #tpu.memory_space<vmem_shared>>
        tpu.enqueue_indirect_dma source(%arg9 : memref<80x128xf32, #tpu.memory_space<vmem>>) target(%dma_start3A_155 : memref<10256x128xf32, #tpu.memory_space<vmem_shared>>) offsets(%dma_start3A_152 : memref<80xi32, #tpu.memory_space<vmem>>) semaphore(%run_scoped3A_149 : memref<!tpu.dma_semaphore, #tpu.memory_space<semaphore_mem>>) {add = true}
        %dma_wait3A_156 = arith.constant 0 : i32
        %dma_wait3A_157 = tpu.memref_slice %arg7[%run_scoped3A_148, %dma_wait3A_156] : memref<8x80xi32, #tpu.memory_space<vmem>> -> memref<1x80xi32, #tpu.memory_space<vmem>>
        %dma_wait3A_158 = tpu.memref_squeeze %dma_wait3A_157 : memref<1x80xi32, #tpu.memory_space<vmem>> -> memref<80xi32, #tpu.memory_space<vmem>>
        %dma_wait3A_159 = arith.constant 0 : i32
        %dma_wait3A_160 = arith.constant 0 : i32
        %dma_wait3A_161 = tpu.memref_slice %arg11[%dma_wait3A_159, %dma_wait3A_160] : memref<10256x128xf32, #tpu.memory_space<vmem_shared>> -> memref<10256x128xf32, #tpu.memory_space<vmem_shared>>
        tpu.wait_indirect_dma semaphore(%run_scoped3A_149 : memref<!tpu.dma_semaphore, #tpu.memory_space<semaphore_mem>>) src(%arg9 : memref<80x128xf32, #tpu.memory_space<vmem>>) dst(%dma_wait3A_161 : memref<10256x128xf32, #tpu.memory_space<vmem_shared>>)
        tpu.yield
      }) : () -> ()
    }
    %scan3A_9 = arith.constant 16 : i32
    %barrier3A_10 = arith.constant 0 : index
    tpu.barrier barrier_id(%barrier3A_10)
    %mul3A_11 = arith.constant 640 : i32
    %mul3A_12 = arith.muli %arg1, %mul3A_11 : i32
    %mul3A_13 = arith.constant 10240 : i32
    %mul3A_14 = arith.muli %arg0, %mul3A_13 : i32
    %mul3A_15 = arith.constant 640 : i32
    %mul3A_16 = arith.muli %arg1, %mul3A_15 : i32
    %add3A_17 = arith.addi %mul3A_14, %mul3A_16 : i32
    "tpu.region"() ({
      %run_scoped3A = tpu.sem_alloc : memref<!tpu.dma_semaphore, #tpu.memory_space<semaphore_mem>>
      %dma_start3A = arith.constant 0 : i32
      %dma_start3A_18 = tpu.memref_slice %arg5[%add3A_17, %dma_start3A] : memref<20480x128xf32, #tpu.memory_space<hbm>> -> memref<640x128xf32, #tpu.memory_space<hbm>>
      %dma_start3A_19 = arith.constant 0 : i32
      %dma_start3A_20 = tpu.memref_slice %arg11[%mul3A_12, %dma_start3A_19] : memref<10256x128xf32, #tpu.memory_space<vmem_shared>> -> memref<640x128xf32, #tpu.memory_space<vmem_shared>>
      tpu.enqueue_dma source(%dma_start3A_20 : memref<640x128xf32, #tpu.memory_space<vmem_shared>>) target(%dma_start3A_18 : memref<640x128xf32, #tpu.memory_space<hbm>>) target_semaphore(%run_scoped3A : memref<!tpu.dma_semaphore, #tpu.memory_space<semaphore_mem>>)
      %dma_wait3A = arith.constant 0 : i32
      %dma_wait3A_21 = tpu.memref_slice %arg5[%add3A_17, %dma_wait3A] : memref<20480x128xf32, #tpu.memory_space<hbm>> -> memref<640x128xf32, #tpu.memory_space<hbm>>
      %dma_wait3A_22 = arith.constant 0 : i32
      %dma_wait3A_23 = tpu.memref_slice %arg11[%mul3A_12, %dma_wait3A_22] : memref<10256x128xf32, #tpu.memory_space<vmem_shared>> -> memref<640x128xf32, #tpu.memory_space<vmem_shared>>
      tpu.wait_dma2 semaphore(%run_scoped3A : memref<!tpu.dma_semaphore, #tpu.memory_space<semaphore_mem>>) src(%dma_wait3A_23 : memref<640x128xf32, #tpu.memory_space<vmem_shared>>) dst(%dma_wait3A_21 : memref<640x128xf32, #tpu.memory_space<hbm>>)
      tpu.yield
    }) : () -> ()
    return
  }
}

#map = affine_map<(d0, d1) -> (0, 0)>
module attributes {stable_mosaic.version = 14 : i64} {
  func.func @_deg_kernel(%arg0: i32, %arg1: i32, %arg2: memref<1280x128xi32, #tpu.memory_space<hbm>>, %arg3: memref<128x16xf32, #tpu.memory_space<hbm>>, %arg4: memref<640x16xf32, #tpu.memory_space<hbm>>, %arg5: memref<20480x16xf32, #tpu.memory_space<hbm>>, %arg6: memref<40x128xi32, #tpu.memory_space<vmem>>, %arg7: memref<128x16xf32, #tpu.memory_space<vmem>>, %arg8: memref<10256x16xf32, #tpu.memory_space<vmem_shared>>, %arg9: memref<!tpu.dma_semaphore, #tpu.memory_space<semaphore_mem>>, %arg10: memref<!tpu.dma_semaphore, #tpu.memory_space<semaphore_mem>>) attributes {dimension_semantics = [#tpu.dimension_semantics<core_parallel>, #tpu.dimension_semantics<subcore_parallel>], iteration_bounds = array<i64: 2, 16>, scalar_prefetch = 0 : i64, scratch_operands = 5 : i64, tpu.core_type = #tpu.core_type<sc_vector_subcore>, window_params = [{transform_indices = #map}, {transform_indices = #map}, {transform_indices = #map}, {transform_indices = #map}]} {
    %mul3A = arith.constant 16 : i32
    %mul3A_0 = arith.muli %arg0, %mul3A : i32
    %add3A = arith.addi %mul3A_0, %arg1 : i32
    %mul3A_1 = arith.constant 40 : i32
    %mul3A_2 = arith.muli %add3A, %mul3A_1 : i32
    "tpu.region"() ({
      %run_scoped3A = tpu.sem_alloc : memref<!tpu.dma_semaphore, #tpu.memory_space<semaphore_mem>>
      %dma_start3A = arith.constant 0 : i32
      %dma_start3A_18 = tpu.memref_slice %arg2[%mul3A_2, %dma_start3A] : memref<1280x128xi32, #tpu.memory_space<hbm>> -> memref<40x128xi32, #tpu.memory_space<hbm>>
      %dma_start3A_19 = arith.constant 0 : i32
      %dma_start3A_20 = tpu.memref_slice %arg2[%mul3A_2, %dma_start3A_19] : memref<1280x128xi32, #tpu.memory_space<hbm>> -> memref<40x128xi32, #tpu.memory_space<hbm>>
      tpu.enqueue_dma source(%dma_start3A_20 : memref<40x128xi32, #tpu.memory_space<hbm>>) target(%arg6 : memref<40x128xi32, #tpu.memory_space<vmem>>) target_semaphore(%run_scoped3A : memref<!tpu.dma_semaphore, #tpu.memory_space<semaphore_mem>>)
      %dma_wait3A = arith.constant 0 : i32
      %dma_wait3A_21 = tpu.memref_slice %arg2[%mul3A_2, %dma_wait3A] : memref<1280x128xi32, #tpu.memory_space<hbm>> -> memref<40x128xi32, #tpu.memory_space<hbm>>
      %dma_wait3A_22 = arith.constant 0 : i32
      %dma_wait3A_23 = tpu.memref_slice %arg2[%mul3A_2, %dma_wait3A_22] : memref<1280x128xi32, #tpu.memory_space<hbm>> -> memref<40x128xi32, #tpu.memory_space<hbm>>
      tpu.wait_dma2 semaphore(%run_scoped3A : memref<!tpu.dma_semaphore, #tpu.memory_space<semaphore_mem>>) src(%dma_wait3A_23 : memref<40x128xi32, #tpu.memory_space<hbm>>) dst(%arg6 : memref<40x128xi32, #tpu.memory_space<vmem>>)
      tpu.yield
    }) : () -> ()
    "tpu.region"() ({
      %run_scoped3A = tpu.sem_alloc : memref<!tpu.dma_semaphore, #tpu.memory_space<semaphore_mem>>
      tpu.enqueue_dma source(%arg3 : memref<128x16xf32, #tpu.memory_space<hbm>>) target(%arg7 : memref<128x16xf32, #tpu.memory_space<vmem>>) target_semaphore(%run_scoped3A : memref<!tpu.dma_semaphore, #tpu.memory_space<semaphore_mem>>)
      tpu.wait_dma2 semaphore(%run_scoped3A : memref<!tpu.dma_semaphore, #tpu.memory_space<semaphore_mem>>) src(%arg3 : memref<128x16xf32, #tpu.memory_space<hbm>>) dst(%arg7 : memref<128x16xf32, #tpu.memory_space<vmem>>)
      tpu.yield
    }) : () -> ()
    %mul3A_3 = arith.constant 640 : i32
    %mul3A_4 = arith.muli %arg1, %mul3A_3 : i32
    "tpu.region"() ({
      %run_scoped3A = tpu.sem_alloc : memref<!tpu.dma_semaphore, #tpu.memory_space<semaphore_mem>>
      %dma_start3A = arith.constant 0 : i32
      %dma_start3A_18 = tpu.memref_slice %arg8[%mul3A_4, %dma_start3A] : memref<10256x16xf32, #tpu.memory_space<vmem_shared>> -> memref<640x16xf32, #tpu.memory_space<vmem_shared>>
      tpu.enqueue_dma source(%arg4 : memref<640x16xf32, #tpu.memory_space<hbm>>) target(%dma_start3A_18 : memref<640x16xf32, #tpu.memory_space<vmem_shared>>) target_semaphore(%run_scoped3A : memref<!tpu.dma_semaphore, #tpu.memory_space<semaphore_mem>>)
      %dma_wait3A = arith.constant 0 : i32
      %dma_wait3A_19 = tpu.memref_slice %arg8[%mul3A_4, %dma_wait3A] : memref<10256x16xf32, #tpu.memory_space<vmem_shared>> -> memref<640x16xf32, #tpu.memory_space<vmem_shared>>
      tpu.wait_dma2 semaphore(%run_scoped3A : memref<!tpu.dma_semaphore, #tpu.memory_space<semaphore_mem>>) src(%arg4 : memref<640x16xf32, #tpu.memory_space<hbm>>) dst(%dma_wait3A_19 : memref<640x16xf32, #tpu.memory_space<vmem_shared>>)
      tpu.yield
    }) : () -> ()
    %barrier3A = arith.constant 0 : index
    tpu.barrier barrier_id(%barrier3A)
    %scan3A = arith.constant 0 : i32
    %scan3A_5 = arith.constant 0 : i32
    %scan3A_6 = arith.constant 40 : i32
    %scan3A_7 = arith.addi %scan3A_5, %scan3A_6 : i32
    %scan3A_8 = arith.constant 1 : i32
    scf.for %scan3A_18 = %scan3A_5 to %scan3A_7 step %scan3A_8  : i32 {
      "tpu.region"() ({
        %run_scoped3A = tpu.sem_alloc : memref<!tpu.dma_semaphore, #tpu.memory_space<semaphore_mem>>
        %dma_start3A = arith.constant 0 : i32
        %dma_start3A_19 = tpu.memref_slice %arg6[%scan3A_18, %dma_start3A] : memref<40x128xi32, #tpu.memory_space<vmem>> -> memref<1x128xi32, #tpu.memory_space<vmem>>
        %dma_start3A_20 = tpu.memref_squeeze %dma_start3A_19 : memref<1x128xi32, #tpu.memory_space<vmem>> -> memref<128xi32, #tpu.memory_space<vmem>>
        %dma_start3A_21 = arith.constant 0 : i32
        %dma_start3A_22 = arith.constant 0 : i32
        %dma_start3A_23 = tpu.memref_slice %arg8[%dma_start3A_21, %dma_start3A_22] : memref<10256x16xf32, #tpu.memory_space<vmem_shared>> -> memref<10256x16xf32, #tpu.memory_space<vmem_shared>>
        tpu.enqueue_indirect_dma source(%arg7 : memref<128x16xf32, #tpu.memory_space<vmem>>) target(%dma_start3A_23 : memref<10256x16xf32, #tpu.memory_space<vmem_shared>>) offsets(%dma_start3A_20 : memref<128xi32, #tpu.memory_space<vmem>>) semaphore(%run_scoped3A : memref<!tpu.dma_semaphore, #tpu.memory_space<semaphore_mem>>) {add = true}
        %dma_wait3A = arith.constant 0 : i32
        %dma_wait3A_24 = tpu.memref_slice %arg6[%scan3A_18, %dma_wait3A] : memref<40x128xi32, #tpu.memory_space<vmem>> -> memref<1x128xi32, #tpu.memory_space<vmem>>
        %dma_wait3A_25 = tpu.memref_squeeze %dma_wait3A_24 : memref<1x128xi32, #tpu.memory_space<vmem>> -> memref<128xi32, #tpu.memory_space<vmem>>
        %dma_wait3A_26 = arith.constant 0 : i32
        %dma_wait3A_27 = arith.constant 0 : i32
        %dma_wait3A_28 = tpu.memref_slice %arg8[%dma_wait3A_26, %dma_wait3A_27] : memref<10256x16xf32, #tpu.memory_space<vmem_shared>> -> memref<10256x16xf32, #tpu.memory_space<vmem_shared>>
        tpu.wait_indirect_dma semaphore(%run_scoped3A : memref<!tpu.dma_semaphore, #tpu.memory_space<semaphore_mem>>) src(%arg7 : memref<128x16xf32, #tpu.memory_space<vmem>>) dst(%dma_wait3A_28 : memref<10256x16xf32, #tpu.memory_space<vmem_shared>>)
        tpu.yield
      }) : () -> ()
    }
    %scan3A_9 = arith.constant 40 : i32
    %barrier3A_10 = arith.constant 0 : index
    tpu.barrier barrier_id(%barrier3A_10)
    %mul3A_11 = arith.constant 640 : i32
    %mul3A_12 = arith.muli %arg1, %mul3A_11 : i32
    %mul3A_13 = arith.constant 10240 : i32
    %mul3A_14 = arith.muli %arg0, %mul3A_13 : i32
    %mul3A_15 = arith.constant 640 : i32
    %mul3A_16 = arith.muli %arg1, %mul3A_15 : i32
    %add3A_17 = arith.addi %mul3A_14, %mul3A_16 : i32
    "tpu.region"() ({
      %run_scoped3A = tpu.sem_alloc : memref<!tpu.dma_semaphore, #tpu.memory_space<semaphore_mem>>
      %dma_start3A = arith.constant 0 : i32
      %dma_start3A_18 = tpu.memref_slice %arg5[%add3A_17, %dma_start3A] : memref<20480x16xf32, #tpu.memory_space<hbm>> -> memref<640x16xf32, #tpu.memory_space<hbm>>
      %dma_start3A_19 = arith.constant 0 : i32
      %dma_start3A_20 = tpu.memref_slice %arg8[%mul3A_12, %dma_start3A_19] : memref<10256x16xf32, #tpu.memory_space<vmem_shared>> -> memref<640x16xf32, #tpu.memory_space<vmem_shared>>
      tpu.enqueue_dma source(%dma_start3A_20 : memref<640x16xf32, #tpu.memory_space<vmem_shared>>) target(%dma_start3A_18 : memref<640x16xf32, #tpu.memory_space<hbm>>) target_semaphore(%run_scoped3A : memref<!tpu.dma_semaphore, #tpu.memory_space<semaphore_mem>>)
      %dma_wait3A = arith.constant 0 : i32
      %dma_wait3A_21 = tpu.memref_slice %arg5[%add3A_17, %dma_wait3A] : memref<20480x16xf32, #tpu.memory_space<hbm>> -> memref<640x16xf32, #tpu.memory_space<hbm>>
      %dma_wait3A_22 = arith.constant 0 : i32
      %dma_wait3A_23 = tpu.memref_slice %arg8[%mul3A_12, %dma_wait3A_22] : memref<10256x16xf32, #tpu.memory_space<vmem_shared>> -> memref<640x16xf32, #tpu.memory_space<vmem_shared>>
      tpu.wait_dma2 semaphore(%run_scoped3A : memref<!tpu.dma_semaphore, #tpu.memory_space<semaphore_mem>>) src(%dma_wait3A_23 : memref<640x16xf32, #tpu.memory_space<vmem_shared>>) dst(%dma_wait3A_21 : memref<640x16xf32, #tpu.memory_space<hbm>>)
      tpu.yield
    }) : () -> ()
    return
  }
}

module attributes {stable_mosaic.version = 14 : i64} {
  func.func @_mm1_body(%arg0: i32, %arg1: i32, %arg2: memref<512x256xf32, #tpu.memory_space<vmem>>, %arg3: memref<256x128xf32, #tpu.memory_space<vmem>>, %arg4: memref<1x512x128xf32, #tpu.memory_space<vmem>>) attributes {dimension_semantics = [#tpu.dimension_semantics<arbitrary>, #tpu.dimension_semantics<arbitrary>], iteration_bounds = array<i64: 20, 2>, scalar_prefetch = 0 : i64, scratch_operands = 0 : i64, tpu.core_type = #tpu.core_type<tc>, window_params = [{transform_indices = @transform_0, window_bounds = array<i64: 512, 256>}, {transform_indices = @transform_1, window_bounds = array<i64: 256, 128>}, {transform_indices = @transform_2, window_bounds = array<i64: 1, 512, 128>}]} {
    %get3A = arith.constant 0 : index
    %get3A_0 = arith.constant 0 : index
    %get3A_1 = vector.load %arg2[%get3A, %get3A_0] : memref<512x256xf32, #tpu.memory_space<vmem>>, vector<512x256xf32>
    %get3A_2 = arith.constant 0 : index
    %get3A_3 = arith.constant 0 : index
    %get3A_4 = vector.load %arg3[%get3A_2, %get3A_3] : memref<256x128xf32, #tpu.memory_space<vmem>>, vector<256x128xf32>
    %dot_general3A = arith.constant dense<0.000000e+00> : vector<512x128xf32>
    %dot_general3A_5 = tpu.matmul %get3A_1, %get3A_4, %dot_general3A {dimension_numbers = #tpu.dot_dimension_numbers<[1], [0], [0], [1], [0, 0, 1, 1], [], []>, transpose_lhs_hint = false} : vector<512x256xf32>, vector<256x128xf32>, vector<512x128xf32> -> vector<512x128xf32>
    %swap3A = arith.constant 0 : index
    %swap3A_6 = arith.constant 0 : index
    %swap3A_7 = arith.constant 0 : index
    %swap3A_8 = vector.load %arg4[%swap3A, %swap3A_6, %swap3A_7] : memref<1x512x128xf32, #tpu.memory_space<vmem>>, vector<1x512x128xf32>
    %swap3A_9 = vector.shape_cast %swap3A_8 : vector<1x512x128xf32> to vector<512x128xf32>
    %swap3A_10 = vector.shape_cast %dot_general3A_5 : vector<512x128xf32> to vector<1x512x128xf32>
    tpu.vector_store %arg4[%swap3A, %swap3A_6, %swap3A_7], %swap3A_10 {strides = array<i32>} : memref<1x512x128xf32, #tpu.memory_space<vmem>>, vector<1x512x128xf32>,
    return
  }
  func.func @transform_0(%arg0: i32, %arg1: i32) -> (i32, i32) {
    %c0_i32 = arith.constant 0 : i32
    %c0_i32_0 = arith.constant 0 : i32
    return %arg0, %c0_i32 : i32, i32
  }
  func.func @transform_1(%arg0: i32, %arg1: i32) -> (i32, i32) {
    %c0_i32 = arith.constant 0 : i32
    %c0_i32_0 = arith.constant 0 : i32
    return %c0_i32, %arg1 : i32, i32
  }
  func.func @transform_2(%arg0: i32, %arg1: i32) -> (i32, i32, i32) {
    %c0_i32 = arith.constant 0 : i32
    %c0_i32_0 = arith.constant 0 : i32
    return %arg1, %arg0, %c0_i32 : i32, i32, i32
  }
}

module attributes {stable_mosaic.version = 14 : i64} {
  func.func @_scale_body(%arg0: i32, %arg1: i32, %arg2: memref<1x512x128xf32, #tpu.memory_space<vmem>>, %arg3: memref<2x512x16xf32, #tpu.memory_space<vmem>>, %arg4: memref<1x512x128xf32, #tpu.memory_space<vmem>>, %arg5: memref<512xf32, #tpu.memory_space<vmem>>) attributes {dimension_semantics = [#tpu.dimension_semantics<arbitrary>, #tpu.dimension_semantics<arbitrary>], iteration_bounds = array<i64: 20, 2>, scalar_prefetch = 0 : i64, scratch_operands = 0 : i64, tpu.core_type = #tpu.core_type<tc>, window_params = [{transform_indices = @transform_0, window_bounds = array<i64: 1, 512, 128>}, {transform_indices = @transform_1, window_bounds = array<i64: 2, 512, 16>}, {transform_indices = @transform_2, window_bounds = array<i64: 1, 512, 128>}, {transform_indices = @transform_3, window_bounds = array<i64: 512>}]} {
    %get3A = arith.constant 0 : index
    %get3A_0 = arith.constant 0 : index
    %get3A_1 = arith.constant 0 : index
    %get3A_2 = vector.load %arg3[%get3A, %get3A_0, %get3A_1] : memref<2x512x16xf32, #tpu.memory_space<vmem>>, vector<1x512x16xf32>
    %get3A_3 = vector.shape_cast %get3A_2 : vector<1x512x16xf32> to vector<512x16xf32>
    %reduce_sum3A = arith.constant dense<0.000000e+00> : vector<512xf32>
    %reduce_sum3A_4 = vector.multi_reduction <add>, %get3A_3, %reduce_sum3A [1] : vector<512x16xf32> to vector<512xf32>
    %get3A_5 = arith.constant 1 : index
    %get3A_6 = arith.constant 0 : index
    %get3A_7 = arith.constant 0 : index
    %get3A_8 = vector.load %arg3[%get3A_5, %get3A_6, %get3A_7] : memref<2x512x16xf32, #tpu.memory_space<vmem>>, vector<1x512x16xf32>
    %get3A_9 = vector.shape_cast %get3A_8 : vector<1x512x16xf32> to vector<512x16xf32>
    %reduce_sum3A_10 = arith.constant dense<0.000000e+00> : vector<512xf32>
    %reduce_sum3A_11 = vector.multi_reduction <add>, %get3A_9, %reduce_sum3A_10 [1] : vector<512x16xf32> to vector<512xf32>
    %add3A = arith.addf %reduce_sum3A_4, %reduce_sum3A_11 : vector<512xf32>
    %add3A_12 = arith.constant 1.000000e+00 : f32
    %add3A_13 = vector.broadcast %add3A_12 : f32 to vector<512xf32>
    %add3A_14 = arith.addf %add3A, %add3A_13 : vector<512xf32>
    %rsqrt3A = math.rsqrt %add3A_14 : vector<512xf32>
    %get3A_15 = arith.constant 0 : index
    %get3A_16 = arith.constant 0 : index
    %get3A_17 = arith.constant 0 : index
    %get3A_18 = vector.load %arg2[%get3A_15, %get3A_16, %get3A_17] : memref<1x512x128xf32, #tpu.memory_space<vmem>>, vector<1x512x128xf32>
    %get3A_19 = vector.shape_cast %get3A_18 : vector<1x512x128xf32> to vector<512x128xf32>
    %broadcast_in_dim3A = vector.shape_cast %rsqrt3A : vector<512xf32> to vector<512x1xf32>
    %mul3A = vector.broadcast %broadcast_in_dim3A : vector<512x1xf32> to vector<512x128xf32>
    %mul3A_20 = arith.mulf %get3A_19, %mul3A : vector<512x128xf32>
    %swap3A = arith.constant 0 : index
    %swap3A_21 = arith.constant 0 : index
    %swap3A_22 = arith.constant 0 : index
    %swap3A_23 = vector.load %arg4[%swap3A, %swap3A_21, %swap3A_22] : memref<1x512x128xf32, #tpu.memory_space<vmem>>, vector<1x512x128xf32>
    %swap3A_24 = vector.shape_cast %swap3A_23 : vector<1x512x128xf32> to vector<512x128xf32>
    %swap3A_25 = vector.shape_cast %mul3A_20 : vector<512x128xf32> to vector<1x512x128xf32>
    tpu.vector_store %arg4[%swap3A, %swap3A_21, %swap3A_22], %swap3A_25 {strides = array<i32>} : memref<1x512x128xf32, #tpu.memory_space<vmem>>, vector<1x512x128xf32>,
    %swap3A_26 = arith.constant 0 : index
    %swap3A_27 = vector.load %arg5[%swap3A_26] : memref<512xf32, #tpu.memory_space<vmem>>, vector<512xf32>
    tpu.vector_store %arg5[%swap3A_26], %rsqrt3A {strides = array<i32>} : memref<512xf32, #tpu.memory_space<vmem>>, vector<512xf32>,
    return
  }
  func.func @transform_0(%arg0: i32, %arg1: i32) -> (i32, i32, i32) {
    %c0_i32 = arith.constant 0 : i32
    %c0_i32_0 = arith.constant 0 : i32
    return %arg1, %arg0, %c0_i32 : i32, i32, i32
  }
  func.func @transform_1(%arg0: i32, %arg1: i32) -> (i32, i32, i32) {
    %c0_i32 = arith.constant 0 : i32
    %c0_i32_0 = arith.constant 0 : i32
    %c0_i32_1 = arith.constant 0 : i32
    return %c0_i32, %arg0, %c0_i32_0 : i32, i32, i32
  }
  func.func @transform_2(%arg0: i32, %arg1: i32) -> (i32, i32, i32) {
    %c0_i32 = arith.constant 0 : i32
    %c0_i32_0 = arith.constant 0 : i32
    return %arg1, %arg0, %c0_i32 : i32, i32, i32
  }
  func.func @transform_3(%arg0: i32, %arg1: i32) -> i32 {
    %c0_i32 = arith.constant 0 : i32
    return %arg0 : i32
  }
}

module attributes {stable_mosaic.version = 14 : i64} {
  func.func @_mm2_body(%arg0: i32, %arg1: i32, %arg2: memref<2x512x128xf32, #tpu.memory_space<vmem>>, %arg3: memref<512xf32, #tpu.memory_space<vmem>>, %arg4: memref<2x128xf32, #tpu.memory_space<vmem>>, %arg5: memref<256x128xf32, #tpu.memory_space<vmem>>, %arg6: memref<1x512x128xf32, #tpu.memory_space<vmem>>) attributes {dimension_semantics = [#tpu.dimension_semantics<arbitrary>, #tpu.dimension_semantics<arbitrary>], iteration_bounds = array<i64: 20, 2>, scalar_prefetch = 0 : i64, scratch_operands = 0 : i64, tpu.core_type = #tpu.core_type<tc>, window_params = [{transform_indices = @transform_0, window_bounds = array<i64: 2, 512, 128>}, {transform_indices = @transform_1, window_bounds = array<i64: 512>}, {pipeline_mode = #tpu.pipeline_mode<synchronous>, transform_indices = @transform_2, window_bounds = array<i64: 2, 128>}, {transform_indices = @transform_3, window_bounds = array<i64: 256, 128>}, {transform_indices = @transform_4, window_bounds = array<i64: 1, 512, 128>}]} {
    %get3A = arith.constant 0 : index
    %get3A_0 = vector.load %arg3[%get3A] : memref<512xf32, #tpu.memory_space<vmem>>, vector<512xf32>
    %broadcast_in_dim3A = vector.shape_cast %get3A_0 : vector<512xf32> to vector<512x1xf32>
    %get3A_1 = arith.constant 0 : index
    %get3A_2 = arith.constant 0 : index
    %get3A_3 = arith.constant 0 : index
    %get3A_4 = vector.load %arg2[%get3A_1, %get3A_2, %get3A_3] : memref<2x512x128xf32, #tpu.memory_space<vmem>>, vector<1x512x128xf32>
    %get3A_5 = vector.shape_cast %get3A_4 : vector<1x512x128xf32> to vector<512x128xf32>
    %mul3A = vector.broadcast %broadcast_in_dim3A : vector<512x1xf32> to vector<512x128xf32>
    %mul3A_6 = arith.mulf %get3A_5, %mul3A : vector<512x128xf32>
    %get3A_7 = arith.constant 0 : index
    %get3A_8 = arith.constant 0 : index
    %get3A_9 = vector.load %arg4[%get3A_7, %get3A_8] : memref<2x128xf32, #tpu.memory_space<vmem>>, vector<1x128xf32>
    %get3A_10 = vector.shape_cast %get3A_9 : vector<1x128xf32> to vector<128xf32>
    %broadcast_in_dim3A_11 = vector.shape_cast %get3A_10 : vector<128xf32> to vector<1x128xf32>
    %add3A = vector.broadcast %broadcast_in_dim3A_11 : vector<1x128xf32> to vector<512x128xf32>
    %add3A_12 = arith.addf %mul3A_6, %add3A : vector<512x128xf32>
    %max3A = arith.constant 0.000000e+00 : f32
    %max3A_13 = vector.broadcast %max3A : f32 to vector<512x128xf32>
    %max3A_14 = arith.maximumf %add3A_12, %max3A_13 : vector<512x128xf32>
    %get3A_15 = arith.constant 1 : index
    %get3A_16 = arith.constant 0 : index
    %get3A_17 = arith.constant 0 : index
    %get3A_18 = vector.load %arg2[%get3A_15, %get3A_16, %get3A_17] : memref<2x512x128xf32, #tpu.memory_space<vmem>>, vector<1x512x128xf32>
    %get3A_19 = vector.shape_cast %get3A_18 : vector<1x512x128xf32> to vector<512x128xf32>
    %mul3A_20 = vector.broadcast %broadcast_in_dim3A : vector<512x1xf32> to vector<512x128xf32>
    %mul3A_21 = arith.mulf %get3A_19, %mul3A_20 : vector<512x128xf32>
    %get3A_22 = arith.constant 1 : index
    %get3A_23 = arith.constant 0 : index
    %get3A_24 = vector.load %arg4[%get3A_22, %get3A_23] : memref<2x128xf32, #tpu.memory_space<vmem>>, vector<1x128xf32>
    %get3A_25 = vector.shape_cast %get3A_24 : vector<1x128xf32> to vector<128xf32>
    %broadcast_in_dim3A_26 = vector.shape_cast %get3A_25 : vector<128xf32> to vector<1x128xf32>
    %add3A_27 = vector.broadcast %broadcast_in_dim3A_26 : vector<1x128xf32> to vector<512x128xf32>
    %add3A_28 = arith.addf %mul3A_21, %add3A_27 : vector<512x128xf32>
    %max3A_29 = arith.constant 0.000000e+00 : f32
    %max3A_30 = vector.broadcast %max3A_29 : f32 to vector<512x128xf32>
    %max3A_31 = arith.maximumf %add3A_28, %max3A_30 : vector<512x128xf32>
    %get3A_32 = arith.constant 0 : index
    %get3A_33 = arith.constant 0 : index
    %get3A_34 = vector.load %arg5[%get3A_32, %get3A_33] : memref<256x128xf32, #tpu.memory_space<vmem>>, vector<256x128xf32>
    %slice3A = vector.extract_strided_slice %get3A_34 {offsets = [0, 0], sizes = [128, 128], strides = [1, 1]} : vector<256x128xf32> to vector<128x128xf32>
    %dot_general3A = arith.constant dense<0.000000e+00> : vector<512x128xf32>
    %dot_general3A_35 = tpu.matmul %max3A_14, %slice3A, %dot_general3A {dimension_numbers = #tpu.dot_dimension_numbers<[1], [0], [0], [1], [0, 0, 1, 1], [], []>, transpose_lhs_hint = false} : vector<512x128xf32>, vector<128x128xf32>, vector<512x128xf32> -> vector<512x128xf32>
    %slice3A_36 = vector.extract_strided_slice %get3A_34 {offsets = [128, 0], sizes = [128, 128], strides = [1, 1]} : vector<256x128xf32> to vector<128x128xf32>
    %dot_general3A_37 = arith.constant dense<0.000000e+00> : vector<512x128xf32>
    %dot_general3A_38 = tpu.matmul %max3A_31, %slice3A_36, %dot_general3A_37 {dimension_numbers = #tpu.dot_dimension_numbers<[1], [0], [0], [1], [0, 0, 1, 1], [], []>, transpose_lhs_hint = false} : vector<512x128xf32>, vector<128x128xf32>, vector<512x128xf32> -> vector<512x128xf32>
    %add3A_39 = arith.addf %dot_general3A_35, %dot_general3A_38 : vector<512x128xf32>
    %mul3A_40 = vector.broadcast %broadcast_in_dim3A : vector<512x1xf32> to vector<512x128xf32>
    %mul3A_41 = arith.mulf %add3A_39, %mul3A_40 : vector<512x128xf32>
    %swap3A = arith.constant 0 : index
    %swap3A_42 = arith.constant 0 : index
    %swap3A_43 = arith.constant 0 : index
    %swap3A_44 = vector.load %arg6[%swap3A, %swap3A_42, %swap3A_43] : memref<1x512x128xf32, #tpu.memory_space<vmem>>, vector<1x512x128xf32>
    %swap3A_45 = vector.shape_cast %swap3A_44 : vector<1x512x128xf32> to vector<512x128xf32>
    %swap3A_46 = vector.shape_cast %mul3A_41 : vector<512x128xf32> to vector<1x512x128xf32>
    tpu.vector_store %arg6[%swap3A, %swap3A_42, %swap3A_43], %swap3A_46 {strides = array<i32>} : memref<1x512x128xf32, #tpu.memory_space<vmem>>, vector<1x512x128xf32>,
    return
  }
  func.func @transform_0(%arg0: i32, %arg1: i32) -> (i32, i32, i32) {
    %c0_i32 = arith.constant 0 : i32
    %c0_i32_0 = arith.constant 0 : i32
    %c0_i32_1 = arith.constant 0 : i32
    return %c0_i32, %arg0, %c0_i32_0 : i32, i32, i32
  }
  func.func @transform_1(%arg0: i32, %arg1: i32) -> i32 {
    %c0_i32 = arith.constant 0 : i32
    return %arg0 : i32
  }
  func.func @transform_2(%arg0: i32, %arg1: i32) -> (i32, i32) {
    %c0_i32 = arith.constant 0 : i32
    %c0_i32_0 = arith.constant 0 : i32
    %c0_i32_1 = arith.constant 0 : i32
    return %c0_i32, %c0_i32_0 : i32, i32
  }
  func.func @transform_3(%arg0: i32, %arg1: i32) -> (i32, i32) {
    %c0_i32 = arith.constant 0 : i32
    %c0_i32_0 = arith.constant 0 : i32
    return %c0_i32, %arg1 : i32, i32
  }
  func.func @transform_4(%arg0: i32, %arg1: i32) -> (i32, i32, i32) {
    %c0_i32 = arith.constant 0 : i32
    %c0_i32_0 = arith.constant 0 : i32
    return %arg1, %arg0, %c0_i32 : i32, i32, i32
  }
}

module attributes {stable_mosaic.version = 14 : i64} {
  func.func @_head_body(%arg0: i32, %arg1: memref<2x512x128xf32, #tpu.memory_space<vmem>>, %arg2: memref<512xf32, #tpu.memory_space<vmem>>, %arg3: memref<2x128xf32, #tpu.memory_space<vmem>>, %arg4: memref<1x1x512xi32, #tpu.memory_space<vmem>>, %arg5: memref<256x128xf32, #tpu.memory_space<vmem>>, %arg6: memref<128xf32, #tpu.memory_space<vmem>>, %arg7: memref<64x128xf32, #tpu.memory_space<vmem>>, %arg8: memref<64x128xf32, #tpu.memory_space<vmem>>, %arg9: memref<64x128xf32, #tpu.memory_space<vmem>>) attributes {dimension_semantics = [#tpu.dimension_semantics<arbitrary>], iteration_bounds = array<i64: 20>, scalar_prefetch = 0 : i64, scratch_operands = 2 : i64, tpu.core_type = #tpu.core_type<tc>, window_params = [{transform_indices = @transform_0, window_bounds = array<i64: 2, 512, 128>}, {transform_indices = @transform_1, window_bounds = array<i64: 512>}, {pipeline_mode = #tpu.pipeline_mode<synchronous>, transform_indices = @transform_2, window_bounds = array<i64: 2, 128>}, {transform_indices = @transform_3, window_bounds = array<i64: 1, 1, 512>}, {pipeline_mode = #tpu.pipeline_mode<synchronous>, transform_indices = @transform_4, window_bounds = array<i64: 256, 128>}, {pipeline_mode = #tpu.pipeline_mode<synchronous>, transform_indices = @transform_5, window_bounds = array<i64: 128>}, {pipeline_mode = #tpu.pipeline_mode<synchronous>, transform_indices = @transform_6, window_bounds = array<i64: 64, 128>}]} {
    %get3A = arith.constant 0 : index
    %get3A_0 = vector.load %arg2[%get3A] : memref<512xf32, #tpu.memory_space<vmem>>, vector<512xf32>
    %broadcast_in_dim3A = vector.shape_cast %get3A_0 : vector<512xf32> to vector<512x1xf32>
    %get3A_1 = arith.constant 0 : index
    %get3A_2 = arith.constant 0 : index
    %get3A_3 = arith.constant 0 : index
    %get3A_4 = vector.load %arg1[%get3A_1, %get3A_2, %get3A_3] : memref<2x512x128xf32, #tpu.memory_space<vmem>>, vector<1x512x128xf32>
    %get3A_5 = vector.shape_cast %get3A_4 : vector<1x512x128xf32> to vector<512x128xf32>
    %mul3A = vector.broadcast %broadcast_in_dim3A : vector<512x1xf32> to vector<512x128xf32>
    %mul3A_6 = arith.mulf %get3A_5, %mul3A : vector<512x128xf32>
    %get3A_7 = arith.constant 0 : index
    %get3A_8 = arith.constant 0 : index
    %get3A_9 = vector.load %arg3[%get3A_7, %get3A_8] : memref<2x128xf32, #tpu.memory_space<vmem>>, vector<1x128xf32>
    %get3A_10 = vector.shape_cast %get3A_9 : vector<1x128xf32> to vector<128xf32>
    %broadcast_in_dim3A_11 = vector.shape_cast %get3A_10 : vector<128xf32> to vector<1x128xf32>
    %add3A = vector.broadcast %broadcast_in_dim3A_11 : vector<1x128xf32> to vector<512x128xf32>
    %add3A_12 = arith.addf %mul3A_6, %add3A : vector<512x128xf32>
    %max3A = arith.constant 0.000000e+00 : f32
    %max3A_13 = vector.broadcast %max3A : f32 to vector<512x128xf32>
    %max3A_14 = arith.maximumf %add3A_12, %max3A_13 : vector<512x128xf32>
    %get3A_15 = arith.constant 1 : index
    %get3A_16 = arith.constant 0 : index
    %get3A_17 = arith.constant 0 : index
    %get3A_18 = vector.load %arg1[%get3A_15, %get3A_16, %get3A_17] : memref<2x512x128xf32, #tpu.memory_space<vmem>>, vector<1x512x128xf32>
    %get3A_19 = vector.shape_cast %get3A_18 : vector<1x512x128xf32> to vector<512x128xf32>
    %mul3A_20 = vector.broadcast %broadcast_in_dim3A : vector<512x1xf32> to vector<512x128xf32>
    %mul3A_21 = arith.mulf %get3A_19, %mul3A_20 : vector<512x128xf32>
    %get3A_22 = arith.constant 1 : index
    %get3A_23 = arith.constant 0 : index
    %get3A_24 = vector.load %arg3[%get3A_22, %get3A_23] : memref<2x128xf32, #tpu.memory_space<vmem>>, vector<1x128xf32>
    %get3A_25 = vector.shape_cast %get3A_24 : vector<1x128xf32> to vector<128xf32>
    %broadcast_in_dim3A_26 = vector.shape_cast %get3A_25 : vector<128xf32> to vector<1x128xf32>
    %add3A_27 = vector.broadcast %broadcast_in_dim3A_26 : vector<1x128xf32> to vector<512x128xf32>
    %add3A_28 = arith.addf %mul3A_21, %add3A_27 : vector<512x128xf32>
    %max3A_29 = arith.constant 0.000000e+00 : f32
    %max3A_30 = vector.broadcast %max3A_29 : f32 to vector<512x128xf32>
    %max3A_31 = arith.maximumf %add3A_28, %max3A_30 : vector<512x128xf32>
    %get3A_32 = arith.constant 0 : index
    %get3A_33 = arith.constant 0 : index
    %get3A_34 = arith.constant 0 : index
    %get3A_35 = vector.load %arg4[%get3A_32, %get3A_33, %get3A_34] : memref<1x1x512xi32, #tpu.memory_space<vmem>>, vector<1x1x512xi32>
    %get3A_36 = vector.shape_cast %get3A_35 : vector<1x1x512xi32> to vector<512xi32>
    %broadcast_in_dim3A_37 = vector.shape_cast %get3A_36 : vector<512xi32> to vector<1x512xi32>
    %iota3A = tpu.iota {dimensions = array<i32: 0>} : vector<64x512xi32>
    %eq3A = vector.broadcast %broadcast_in_dim3A_37 : vector<1x512xi32> to vector<64x512xi32>
    %eq3A_38 = arith.cmpi eq, %eq3A, %iota3A : vector<64x512xi32>
    %convert_element_type3A = arith.extui %eq3A_38 : vector<64x512xi1> to vector<64x512xi32>
    %convert_element_type3A_39 = arith.sitofp %convert_element_type3A : vector<64x512xi32> to vector<64x512xf32>
    %dot_general3A = arith.constant dense<0.000000e+00> : vector<64x128xf32>
    %dot_general3A_40 = tpu.matmul %convert_element_type3A_39, %max3A_14, %dot_general3A {dimension_numbers = #tpu.dot_dimension_numbers<[1], [0], [0], [1], [0, 0, 1, 1], [], []>, transpose_lhs_hint = false} : vector<64x512xf32>, vector<512x128xf32>, vector<64x128xf32> -> vector<64x128xf32>
    %dot_general3A_41 = arith.constant dense<0.000000e+00> : vector<64x128xf32>
    %dot_general3A_42 = tpu.matmul %convert_element_type3A_39, %max3A_31, %dot_general3A_41 {dimension_numbers = #tpu.dot_dimension_numbers<[1], [0], [0], [1], [0, 0, 1, 1], [], []>, transpose_lhs_hint = false} : vector<64x512xf32>, vector<512x128xf32>, vector<64x128xf32> -> vector<64x128xf32>
    %eq3A_43 = arith.constant 0 : i32
    %eq3A_44 = arith.cmpi eq, %arg0, %eq3A_43 : i32
    %convert_element_type3A_45 = arith.extui %eq3A_44 : i1 to i32
    %cond3A = arith.constant 0 : i32
    %cond3A_46 = arith.cmpi ne, %convert_element_type3A_45, %cond3A : i32
    scf.if %cond3A_46 {
      %swap3A = arith.constant 0 : index
      %swap3A_56 = arith.constant 0 : index
      %swap3A_57 = vector.load %arg8[%swap3A, %swap3A_56] : memref<64x128xf32, #tpu.memory_space<vmem>>, vector<64x128xf32>
      tpu.vector_store %arg8[%swap3A, %swap3A_56], %dot_general3A_40 {strides = array<i32>} : memref<64x128xf32, #tpu.memory_space<vmem>>, vector<64x128xf32>,
      %swap3A_58 = arith.constant 0 : index
      %swap3A_59 = arith.constant 0 : index
      %swap3A_60 = vector.load %arg9[%swap3A_58, %swap3A_59] : memref<64x128xf32, #tpu.memory_space<vmem>>, vector<64x128xf32>
      tpu.vector_store %arg9[%swap3A_58, %swap3A_59], %dot_general3A_42 {strides = array<i32>} : memref<64x128xf32, #tpu.memory_space<vmem>>, vector<64x128xf32>,
    } else {
    }
    %gt3A = arith.constant 0 : i32
    %gt3A_47 = arith.cmpi sgt, %arg0, %gt3A : i32
    %convert_element_type3A_48 = arith.extui %gt3A_47 : i1 to i32
    %cond3A_49 = arith.constant 0 : i32
    %cond3A_50 = arith.cmpi ne, %convert_element_type3A_48, %cond3A_49 : i32
    scf.if %cond3A_50 {
      %get3A_56 = arith.constant 0 : index
      %get3A_57 = arith.constant 0 : index
      %get3A_58 = vector.load %arg8[%get3A_56, %get3A_57] : memref<64x128xf32, #tpu.memory_space<vmem>>, vector<64x128xf32>
      %add3A_59 = arith.addf %get3A_58, %dot_general3A_40 : vector<64x128xf32>
      %swap3A = arith.constant 0 : index
      %swap3A_60 = arith.constant 0 : index
      %swap3A_61 = vector.load %arg8[%swap3A, %swap3A_60] : memref<64x128xf32, #tpu.memory_space<vmem>>, vector<64x128xf32>
      tpu.vector_store %arg8[%swap3A, %swap3A_60], %add3A_59 {strides = array<i32>} : memref<64x128xf32, #tpu.memory_space<vmem>>, vector<64x128xf32>,
      %get3A_62 = arith.constant 0 : index
      %get3A_63 = arith.constant 0 : index
      %get3A_64 = vector.load %arg9[%get3A_62, %get3A_63] : memref<64x128xf32, #tpu.memory_space<vmem>>, vector<64x128xf32>
      %add3A_65 = arith.addf %get3A_64, %dot_general3A_42 : vector<64x128xf32>
      %swap3A_66 = arith.constant 0 : index
      %swap3A_67 = arith.constant 0 : index
      %swap3A_68 = vector.load %arg9[%swap3A_66, %swap3A_67] : memref<64x128xf32, #tpu.memory_space<vmem>>, vector<64x128xf32>
      tpu.vector_store %arg9[%swap3A_66, %swap3A_67], %add3A_65 {strides = array<i32>} : memref<64x128xf32, #tpu.memory_space<vmem>>, vector<64x128xf32>,
    } else {
    }
    %eq3A_51 = arith.constant 19 : i32
    %eq3A_52 = arith.cmpi eq, %arg0, %eq3A_51 : i32
    %convert_element_type3A_53 = arith.extui %eq3A_52 : i1 to i32
    %cond3A_54 = arith.constant 0 : i32
    %cond3A_55 = arith.cmpi ne, %convert_element_type3A_53, %cond3A_54 : i32
    scf.if %cond3A_55 {
      %get3A_56 = arith.constant 0 : index
      %get3A_57 = arith.constant 0 : index
      %get3A_58 = vector.load %arg5[%get3A_56, %get3A_57] : memref<256x128xf32, #tpu.memory_space<vmem>>, vector<256x128xf32>
      %get3A_59 = arith.constant 0 : index
      %get3A_60 = arith.constant 0 : index
      %get3A_61 = vector.load %arg8[%get3A_59, %get3A_60] : memref<64x128xf32, #tpu.memory_space<vmem>>, vector<64x128xf32>
      %slice3A = vector.extract_strided_slice %get3A_58 {offsets = [0, 0], sizes = [128, 128], strides = [1, 1]} : vector<256x128xf32> to vector<128x128xf32>
      %dot_general3A_62 = arith.constant dense<0.000000e+00> : vector<64x128xf32>
      %dot_general3A_63 = tpu.matmul %get3A_61, %slice3A, %dot_general3A_62 {dimension_numbers = #tpu.dot_dimension_numbers<[1], [0], [0], [1], [0, 0, 1, 1], [], []>, transpose_lhs_hint = false} : vector<64x128xf32>, vector<128x128xf32>, vector<64x128xf32> -> vector<64x128xf32>
      %get3A_64 = arith.constant 0 : index
      %get3A_65 = arith.constant 0 : index
      %get3A_66 = vector.load %arg9[%get3A_64, %get3A_65] : memref<64x128xf32, #tpu.memory_space<vmem>>, vector<64x128xf32>
      %slice3A_67 = vector.extract_strided_slice %get3A_58 {offsets = [128, 0], sizes = [128, 128], strides = [1, 1]} : vector<256x128xf32> to vector<128x128xf32>
      %dot_general3A_68 = arith.constant dense<0.000000e+00> : vector<64x128xf32>
      %dot_general3A_69 = tpu.matmul %get3A_66, %slice3A_67, %dot_general3A_68 {dimension_numbers = #tpu.dot_dimension_numbers<[1], [0], [0], [1], [0, 0, 1, 1], [], []>, transpose_lhs_hint = false} : vector<64x128xf32>, vector<128x128xf32>, vector<64x128xf32> -> vector<64x128xf32>
      %add3A_70 = arith.addf %dot_general3A_63, %dot_general3A_69 : vector<64x128xf32>
      %get3A_71 = arith.constant 0 : index
      %get3A_72 = vector.load %arg6[%get3A_71] : memref<128xf32, #tpu.memory_space<vmem>>, vector<128xf32>
      %broadcast_in_dim3A_73 = vector.shape_cast %get3A_72 : vector<128xf32> to vector<1x128xf32>
      %add3A_74 = vector.broadcast %broadcast_in_dim3A_73 : vector<1x128xf32> to vector<64x128xf32>
      %add3A_75 = arith.addf %add3A_70, %add3A_74 : vector<64x128xf32>
      %swap3A = arith.constant 0 : index
      %swap3A_76 = arith.constant 0 : index
      %swap3A_77 = vector.load %arg7[%swap3A, %swap3A_76] : memref<64x128xf32, #tpu.memory_space<vmem>>, vector<64x128xf32>
      tpu.vector_store %arg7[%swap3A, %swap3A_76], %add3A_75 {strides = array<i32>} : memref<64x128xf32, #tpu.memory_space<vmem>>, vector<64x128xf32>,
    } else {
    }
    return
  }
  func.func @transform_0(%arg0: i32) -> (i32, i32, i32) {
    %c0_i32 = arith.constant 0 : i32
    %c0_i32_0 = arith.constant 0 : i32
    %c0_i32_1 = arith.constant 0 : i32
    return %c0_i32, %arg0, %c0_i32_0 : i32, i32, i32
  }
  func.func @transform_1(%arg0: i32) -> i32 {
    %c0_i32 = arith.constant 0 : i32
    return %arg0 : i32
  }
  func.func @transform_2(%arg0: i32) -> (i32, i32) {
    %c0_i32 = arith.constant 0 : i32
    %c0_i32_0 = arith.constant 0 : i32
    %c0_i32_1 = arith.constant 0 : i32
    return %c0_i32, %c0_i32_0 : i32, i32
  }
  func.func @transform_3(%arg0: i32) -> (i32, i32, i32) {
    %c0_i32 = arith.constant 0 : i32
    %c0_i32_0 = arith.constant 0 : i32
    %c0_i32_1 = arith.constant 0 : i32
    return %arg0, %c0_i32, %c0_i32_0 : i32, i32, i32
  }
  func.func @transform_4(%arg0: i32) -> (i32, i32) {
    %c0_i32 = arith.constant 0 : i32
    %c0_i32_0 = arith.constant 0 : i32
    %c0_i32_1 = arith.constant 0 : i32
    return %c0_i32, %c0_i32_0 : i32, i32
  }
  func.func @transform_5(%arg0: i32) -> i32 {
    %c0_i32 = arith.constant 0 : i32
    %c0_i32_0 = arith.constant 0 : i32
    return %c0_i32 : i32
  }
  func.func @transform_6(%arg0: i32) -> (i32, i32) {
    %c0_i32 = arith.constant 0 : i32
    %c0_i32_0 = arith.constant 0 : i32
    %c0_i32_1 = arith.constant 0 : i32
    return %c0_i32, %c0_i32_0 : i32, i32
  }
}

</mosaic_0001>

<sc_bundles>
// kernel: kernel.12.cloned.1.call-start
scs
__scs_entry_jumppad:
0x0: {  	(pc) =	sbr.rel $0x88, $3  }
0x1: {  	(tag) =	ssettag $0x0;
	lr =	simm.s32 $0x1  }
0x2: {  	[smem:$0x3F98] =	sst lr;
	_ =	strace $0xD0000000  }
0x3: {  	_ = 	snop  }
0x4: {  	_ = 	snop  }
0x5: {  	_ = 	snop  }
0x6: {  	_ = 	snop  }
0x7: {  	_ = 	snop  }
__scs_overlays_trampoline_lowered:
0x8: {  	[smem:$0x3FA7] =	sst s0  }
0x9: {  	[smem:$0x3FA8] =	sst s1  }
0xa: {  	[smem:$0x3FA9] =	sst s2  }
0xb: {  	[smem:$0x3FAA] =	sst s3  }
0xc: {  	[smem:$0x3FAB] =	sst s4  }
0xd: {  	[smem:$0x3FAC] =	sst s5  }
0xe: {  	[smem:$0x3FAD] =	sst s6  }
0xf: {  	[smem:$0x3FAE] =	sst s7  }
0x10: {  	[smem:$0x3FAF] =	sst s8  }
0x11: {  	[smem:$0x3FB0] =	sst s9;
	s0 =	simm.s32 @!p0 $0x0  }
0x12: {  	s1 =	sld [smem:$0x3F96];
	s0 =	simm.s32 @p0 $0x1  }
0x13: {  	[smem:$0x3FB1] =	sst s0;
	s0 =	simm.s32 @!p1 $0x0  }
0x14: {  	s2 =	sld [smem:$0x3F95];
	s0 =	simm.s32 @p1 $0x1  }
0x15: {  	[smem:$0x3FB2] =	sst s0;
	s0 =	simm.s32 @!p2 $0x0  }
0x16: {  	s3 =	sld [smem:$0x3FDB];
	s0 =	simm.s32 @p2 $0x1  }
0x17: {  	s4 =	simm.s32 $0x1BF5;
	[smem:$0x3FB4] =	sst s0  }
0x18: {  	s0 =	sld [smem:$0x3F97];
	_ =	swait.ge [sflag:s4], $0x0  }
0x19: {  	s7 =	sld [smem:$0x3F98]  }
0x1a: {  	s8 =	sadd.s32 $0xFFFFE003, lr  }
0x1b: {  	s9 =	sadd.s32 $0xFFFFFEF7, lr;
	s5 =	simm.s32 $0xFFFFFFFF;
	p2 =	slt.u32 s8, $0xFFFFF086  }
0x1c: {  	p1 =	slt.u32 s9, $0xF7A;
	s5 =	simm.s32 @!p2 $0x0  }
0x1d: {  	s5 =	simm.s32 @p1 $0x1;
	p0 =	seq.s32 s7, s2  }
0x1e: {  	s7 =	smul.u32 @!p0 $0xF7A, s2;
	p2 =	seq.s32 @!p0 s5, $0x0  }
0x1f: {  	s9 =	smul.u32 $0xF7A, s1;
	s8 =	simm.s32 @!p0 $0x1BF5;
	p2 =	por !p2, p0  }
0x20: {  	[sflag:s8] =	ssyncset.s32 @!p0 $0xFFFFF086;
	s6 =	sadd.s32 @!p0 s3, s7;
	s7 =	simm.s32 @!p0 $0x108  }
0x21: {  	s3 =	sadd.s32 s3, s9;
	s6 =	sadd.s32 @!p0 $0x88, s6;
	s7 =	simm.s32 @p2 $0x1082  }
0x22: {  	[simem:s7], [sflag:s8] =	dma.local @!p0 [hbm:s6], $0xF7A  }
0x23: {  	s9 =	sor.u32 $0xD0000000, s2;
	s6 =	simm.s32 $0x108;
	_ =	swait.ge @!p0 [sflag:s8], $0x0  }
0x24: {  	s3 =	sadd.s32 $0x88, s3;
	s6 =	simm.s32 @!p1 $0x1082;
	[sflag:s4] =	ssyncset.s32 $0xFFFFF086  }
0x25: {  	[simem:s6], [sflag:s4] =	dma.local [hbm:s3], $0xF7A  }
0x26: {  	[smem:$0x3F98] =	sst s1;
	(tag) =	ssettag s2;
	_ =	strace s9  }
0x27: {  	s1 =	sld [smem:$0x3FA8]  }
0x28: {  	s2 =	sld [smem:$0x3FA9]  }
0x29: {  	s4 =	sld [smem:$0x3FAB]  }
0x2a: {  	p0 =	seq.s32 s5, $0x0;
	s5 =	sld [smem:$0x3FAC]  }
0x2b: {  	s6 =	sld [smem:$0x3FAD]  }
0x2c: {  	s7 =	sld [smem:$0x3FAE]  }
0x2d: {  	s3 =	simm.s32 $0x108;
	s8 =	sld [smem:$0x3FAF]  }
0x2e: {  	s3 =	simm.s32 @!p0 $0x1082;
	s9 =	sld [smem:$0x3FB0]  }
0x2f: {  	lr =	sadd.s32 s0, s3;
	s0 =	sld [smem:$0x3FA7]  }
0x30: {  	s3 =	sld [smem:$0x3FAA]  }
0x31: {  	[smem:$0x3FB3] =	sst s10  }
0x32: {  	s10 =	sld [smem:$0x3FB1];
	_ =	sdelay $0x3  }
0x33: {  	p0 =	seq.s32 s10, $0x1;
	s10 =	sld [smem:$0x3FB3];
	_ =	sdelay $0x3  }
0x34: {  	[smem:$0x3FB3] =	sst s10  }
0x35: {  	s10 =	sld [smem:$0x3FB2];
	_ =	sdelay $0x3  }
0x36: {  	p1 =	seq.s32 s10, $0x1;
	s10 =	sld [smem:$0x3FB3];
	_ =	sdelay $0x3  }
0x37: {  	[smem:$0x3FB3] =	sst s10  }
0x38: {  	s10 =	sld [smem:$0x3FB4]  }
0x39: {  	_ = 	snop;
	(pc) =	sbr.ind lr, $3  }
0x3a: {  	_ = 	snop  }
0x3b: {  	_ = 	snop  }
0x3c: {  	p2 =	seq.s32 s10, $0x1;
	s10 =	sld [smem:$0x3FB3]  }
0x3d: {  	_ =	shalt  }
0x3e: {  	_ =	shalt  }
0x3f: {  	_ =	shalt  }
0x40: {  	_ =	shalt  }
0x41: {  	_ =	shalt  }
0x42: {  	_ =	shalt  }
0x43: {  	_ =	shalt  }
0x44: {  	_ =	shalt  }
0x45: {  	_ =	shalt  }
0x46: {  	_ =	shalt  }
0x47: {  	_ =	shalt  }
0x48: {  	_ =	shalt  }
0x49: {  	_ =	shalt  }
0x4a: {  	_ =	shalt  }
0x4b: {  	_ =	shalt  }
0x4c: {  	_ =	shalt  }
0x4d: {  	_ =	shalt  }
0x4e: {  	_ =	shalt  }
0x4f: {  	_ =	shalt  }
0x50: {  	_ =	shalt  }
0x51: {  	_ =	shalt  }
0x52: {  	_ =	shalt  }
0x53: {  	_ =	shalt  }
0x54: {  	_ =	shalt  }
0x55: {  	_ =	shalt  }
0x56: {  	_ =	shalt  }
0x57: {  	_ =	shalt  }
0x58: {  	_ =	shalt  }
0x59: {  	_ =	shalt  }
0x5a: {  	_ =	shalt  }
0x5b: {  	_ =	shalt  }
0x5c: {  	_ =	shalt  }
0x5d: {  	_ =	shalt  }
0x5e: {  	_ =	shalt  }
0x5f: {  	_ =	shalt  }
0x60: {  	_ =	shalt  }
0x61: {  	_ =	shalt  }
0x62: {  	_ =	shalt  }
0x63: {  	_ =	shalt  }
0x64: {  	_ =	shalt  }
0x65: {  	_ =	shalt  }
0x66: {  	_ =	shalt  }
0x67: {  	_ =	shalt  }
0x68: {  	_ =	shalt  }
0x69: {  	_ =	shalt  }
0x6a: {  	_ =	shalt  }
0x6b: {  	_ =	shalt  }
0x6c: {  	_ =	shalt  }
0x6d: {  	_ =	shalt  }
0x6e: {  	_ =	shalt  }
0x6f: {  	_ =	shalt  }
0x70: {  	_ =	shalt  }
0x71: {  	_ =	shalt  }
0x72: {  	_ =	shalt  }
0x73: {  	_ =	shalt  }
0x74: {  	_ =	shalt  }
0x75: {  	_ =	shalt  }
0x76: {  	_ =	shalt  }
0x77: {  	_ =	shalt  }
0x78: {  	_ =	shalt  }
0x79: {  	_ =	shalt  }
0x7a: {  	_ =	shalt  }
0x7b: {  	_ =	shalt  }
0x7c: {  	_ =	shalt  }
0x7d: {  	_ =	shalt  }
0x7e: {  	_ =	shalt  }
0x7f: {  	_ =	shalt  }
0x80: {  	_ =	shalt  }
0x81: {  	_ =	shalt  }
0x82: {  	_ =	shalt  }
0x83: {  	_ =	shalt  }
0x84: {  	_ =	shalt  }
0x85: {  	_ =	shalt  }
0x86: {  	_ =	shalt  }
0x87: {  	_ =	shalt  }
.Lfunc_end0:
.L_simem_size_0:
called_computation.1_lowered:
.L_overlay_start_0:
0x88: {  	s2 =	sld [smem:$0x3FD9]  }
0x89: {  	s3 =	sld [smem:$0x3FFE];
	_ =	sdelay $0x1  }
0x8a: {  	s1 =	srdreg.scid  }
0x8b: {  	s0 =	sand.u32 $0x1, s1  }
0x8c: {  	s16 =	sshll.u32 s0, $0xA;
	s2 =	sadd.s32 s3, s2  }
0x8d: {  	s2 =	sadd.s32 s2, s16  }
0x8e: {  	[smem:$0x3FBF] =	sst s2  }
0x8f: {  	_ = 	snop  }
0x90: {  	(tm) =	ssettm $0x1  }
0x91: {  	s17 =	sld [smem:$0x3FFB];
	_ =	sdelay $0x3  }
0x92: {  	_ =	strace s17  }
0x93: {  	s2 =	sld [smem:$0x3FFC];
	_ =	sdelay $0x3  }
0x94: {  	_ =	strace s2  }
0x95: {  	s2 =	sld [smem:$0x3FFD];
	_ =	sdelay $0x3  }
0x96: {  	_ =	strace s2  }
0x97: {  	_ =	strace $0x8FFFFFFF  }
0x98: {  	s18 =	sld [smem:$0x3FDB];
	_ =	sdelay $0x1  }
0x99: {  	s19 =	simm.s32 $_scs_section_size  }
0x9a: {  	s4 =	simm.s32 $_size__tile_overlayer_lowered;
	s5 =	simm.s32 $_tile_overlayer_lowered  }
0x9b: {  	s22 =	simm.s32 $0x1BFF;
	s21 =	sshll.u32 s5, $0x1;
	s2 =	sadd.s32 s19, s18  }
0x9c: {  	s6 =	simm.s32 $0x0;
	s20 =	sshll.u32 s4, $0x1;
	s4 =	sadd.s32 s21, s2  }
0x9d: {  	[timem:s6], [sflag:s22] =	dma.local [hbm:s4], s20  }
0x9e: {  	_ =	swait.ge [sflag:s22], s20  }
0x9f: {  	s3 =	ssub.s32 $0x0, s20;
	[sflag:s22] =	ssyncset.done $0x0  }
0xa0: {  	[sflag:s22] =	ssyncadd.s32 s3;
	_ =	sdelay $0x1  }
0xa1: {  	s23 =	simm.s32 $0x1B8B  }
0xa2: {  	_ =	swait.ge [sflag:s23], $0x1  }
0xa3: {  	[sflag:s23] =	ssyncset.done $0x0  }
0xa4: {  	s25 =	simm.s32 $0x1B8E;
	s24 =	sld [smem:$0x3FFE];
	[sflag:s23] =	ssyncadd.s32 $0xFFFFFFFF  }
0xa5: {  	s26 =	simm.s32 $execute0_lowered;
	[smem:$0x3FD2] =	sst s25  }
0xa6: {  	s4 =	sshll.u32 s26, $0x1;
	_ =	strace $0x80000049;
	[dreg:$0x1] =	wrdreg $0xFFFFFFFF  }
0xa7: {  	s28 =	simm.s32 $_size_execute0_lowered;
	s2 =	sadd.s32 s2, s4;
	[dreg:$0x0] =	wrdreg $0x0  }
0xa8: {  	s4 =	sshll.u32 s28, $0x1;
	[dreg:$0x2] =	wrdreg s2  }
0xa9: {  	[dreg:$0x3] =	wrdreg s4  }
0xaa: {  	[dreg:$0x4] =	wrdreg $0xC0  }
0xab: {  	_ =	task [dreg:s6], $0x5FFFF  }
0xac: {  	[dreg:$0x1] =	wrdreg $0xFFFFFFFF  }
0xad: {  	[dreg:$0x0] =	wrdreg $0x60  }
0xae: {  	[dreg:$0x2] =	wrdreg s24  }
0xaf: {  	[dreg:$0x3] =	wrdreg $0x80000  }
0xb0: {  	[dreg:$0x4] =	wrdreg $0x9  }
0xb1: {  	_ =	task.clear_ibuf [dreg:s6], $0x5FFFF;
	_ =	strace $0x90000049  }
0xb2: {  	s29 =	simm.s32 $0x9;
	_ =	strace $0x8000004B  }
0xb3: {  	_ =	swait.ge [sflag:s29], $0x1  }
0xb4: {  	[sflag:s29] =	ssyncadd.s32 $0xFFFFFFFF  }
0xb5: {  	_ =	strace $0x9000004B  }
0xb6: {  	_ =	sfence  }
0xb7: {  	s30 =	sld [smem:$0x0];
	_ =	sdelay $0x2  }
0xb8: {  	s31 =	sshll.u32 s1, $0xD;
	s1 =	sshrl.u32 s1, $0x2  }
0xb9: {  	s3 =	sand.u32 $0x4000, s31;
	s1 =	sadd.s32 s1, s30  }
0xba: {  	s0 =	sor.u32 s3, s0;
	s1 =	sshll.u32 s1, $0x11  }
0xbb: {  	s0 =	sor.u32 s1, s0  }
0xbc: {  	s0 =	sadd.s32 $0x8F2B, s0  }
0xbd: {  	[sflag:s0] =	ssyncadd.remote.s32 $0x1  }
0xbe: {  	_ =	sfence.sel $0xFFFF  }
0xbf: {  	[dreg:$0x0] =	wrdreg $0xFFFFFFFF;
	(pc) =	sbr.abs _section_cstart, $3  }
0xc0: {  	[dreg:$0x1] =	wrdreg $0xFFFFFFFF  }
0xc1: {  	_ =	task.clear_ibuf [dreg:s6], $0x2FFFF;
	_ =	strace $0x9FFFFFFF  }
0xc2: {  	(tm) =	ssettm $0x7FFFFFFF  }
0xc3: {  	_ =	shalt  }
tec
execute0_lowered:
.L_overlay_start_1:
0x0: {  	(tag) =	ssettag $0x1  }
0x1: {  	s0 =	rddreg [dreg:$0x0]  }
0x2: {  	s1 =	rddreg [dreg:$0x1];
	s2 =	srdreg.scid;
	s3 =	simm.s32 $0x0  }
0x3: {  	s10 =	stileid.u32;
	s11 =	simm.s32 $0x4;
	s12 =	simm.s32 $0x400  }
0x4: {  	s13 =	simm.s32 $0x50;
	s14 =	simm.s32 $0x800;
	s16 =	simm.s32 $0x3000  }
0x5: {  	s17 =	simm.s32 $0x100;
	s18 =	simm.s32 $0x5800;
	s19 =	simm.s32 $0x1  }
0x6: {  	s20 =	simm.s32 $0x180;
	s21 =	simm.s32 $0x2;
	s28 =	simm.s32 $0x580  }
0x7: {  	s29 =	simm.s32 $0x300;
	s30 =	simm.s32 $0x600;
	s31 =	simm.s32 $0x380  }
0x8: {  	s2 =	sand.u32 $0x1, s2;
	[smem:$0x7FF] =	sst s3;
	s6 =	smul.u32 $0x280, s10  }
0x9: {  	s4 =	sadd.s32 $0x2400, s0;
	s7 =	sshll.u32 s10, $0xB;
	s8 =	smul.u32 $0x50000, s10  }
0xa: {  	s23 =	sshll.u32 s10, $0x6;
	s5 =	smul.u32 $0x2800, s2;
	_ =	strace $0x8000004A  }
0xb: {  	s22 =	ssub.s32 $0x2, s2;
	s7 =	sadd.s32 s7, s0;
	s10 =	sor.u32 $0x1C04, s23  }
0xc: {  	s24 =	sshll.u32 s2, $0xF;
	s23 =	simm.s32 $0x200;
	s2 =	simm.s32 $0x700  }
0xd: {  	s9 =	sshrl.u32 s22, $0x1;
	s8 =	sshrl.u32 s8, $0x2;
	s26 =	sadd.s32 $0x6A400, s7  }
0xe: {  	[dreg:$0x5] =	wrdreg s10;
	s5 =	sadd.s32 s6, s5;
	s6 =	ssub.s32 s22, s9  }
0xf: {  	s8 =	sadd.s32 s8, s1;
	[dreg:$0x3] =	wrdreg s26;
	s22 =	simm.s32 $0x480  }
0x10: {  	s26 =	simm.s32 $0x280;
	s5 =	sshll.u32 s5, $0x4;
	s25 =	smax.u32 s6, $0x1  }
0x11: {  	s0 =	sadd.s32 s5, s0;
	s5 =	sadd.s32 s4, s5;
	[dreg:$0x7] =	wrdreg s25  }
0x12: {  	s25 =	simm.s32 $0x500;
	[dreg:$0x4] =	wrdreg s5;
	s0 =	sadd.s32 $0x72400, s0  }
0x13: {  	s5 =	simm.s32 $0x780;
	[dreg:$0x6] =	wrdreg s0;
	s0 =	sadd.s32 s24, s7  }
0x14: {  	s7 =	sshrl.u32 s8, $0x3;
	s24 =	simm.s32 $0x3;
	s8 =	simm.s32 $0x0  }
0x15: {  	s9 =	sadd.s32 $0x5A400, s0;
	s0 =	simm.s32 $0x680;
	[dreg:$0x8] =	wrdreg s7  }
.LBB2_1:
0x16: {  	[dreg:$0x9] =	wrdreg s8  }
0x17: {  	s6 =	rddreg [dreg:$0x4]  }
0x18: {  	[spmem:s7], [sflag:s10] =	dma.local [hbm:s6], $0x2800  }
0x19: {  	_ =	swait.ge [sflag:s11], $0x2800  }
0x1a: {  	[sflag:s11] =	ssyncset.done $0x0  }
0x1b: {  	[sflag:s11] =	ssyncadd.s32 $0xFFFFD800  }
0x1c: {  	s8 =	sadd.s32 $0x0, s9;
	[bflag:$0x0] =	sbarrier.arrive $0xFFFF  }
0x1d: {  	[tilespmem:s3], [sflag:$0x4] =	stream.linear.gather [hbm4b:s8+s3], $0x400, $0x38;
	[tilespmem:$0x1C080] =	vst v63  }
0x1e: {  	_ =	swait.ge [sflag:s11], $0x400  }
0x1f: {  	s10 =	rddreg [dreg:$0x3];
	[sflag:s11] =	ssyncset.done $0x0  }
0x20: {  	[sflag:s11] =	ssyncadd.s32 $0xFFFFFC00;
	s6 =	sadd.s32 $0x0, s10  }
0x21: {  	[tilespmem:s12], [sflag:$0x4] =	stream.linear.gather [hbm4b:s6+s3], $0x400, $0x38;
	[tilespmem:$0x1C080] =	vst v63  }
0x22: {  	_ =	swait.ge [sflag:s11], $0x400  }
0x23: {  	[sflag:s11] =	ssyncset.done $0x0  }
0x24: {  	[sflag:s11] =	ssyncadd.s32 $0xFFFFFC00  }
0x25: {  	[tilespmem:s14], [sflag:$0x1] =	stream.indirect.gather [hbm4b:s4+s13], $0x80, s3, s13, $0xb8;
	[tilespmem:$0x1C080] =	vst v63  }
0x26: {  	s15 =	simm.s32 $0x80  }
0x27: {  	[tilespmem:s16], [sflag:$0x2] =	stream.indirect.gather [hbm4b:s4+s13], $0x80, s15, s13, $0xb8;
	[tilespmem:$0x1C080] =	vst v63  }
0x28: {  	_ = 	snop  }
0x29: {  	[tilespmem:s18], [sflag:$0x3] =	stream.indirect.gather [hbm4b:s4+s13], $0x80, s17, s13, $0xb8;
	[tilespmem:$0x1C080] =	vst v63  }
0x2a: {  	_ =	swait.ge [sflag:s19], $0x2800  }
0x2b: {  	[sflag:s19] =	ssyncset.done $0x0  }
0x2c: {  	[sflag:s19] =	ssyncadd.s32 $0xFFFFD800  }
0x2d: {  	[spmem:s1] =	stream.indirect.scatter.add.f32 [tilespmem:s14], [sflag:$0x4], $0x80, s12, s13, $0xb8;
	[tilespmem:$0x1C080] =	vst v63  }
0x2e: {  	_ =	swait.ge [sflag:s11], $0x2800  }
0x2f: {  	[sflag:s11] =	ssyncset.done $0x0  }
0x30: {  	[sflag:s11] =	ssyncadd.s32 $0xFFFFD800  }
0x31: {  	[tilespmem:s14], [sflag:$0x1] =	stream.indirect.gather [hbm4b:s4+s13], $0x80, s20, s13, $0xb8;
	[tilespmem:$0x1C080] =	vst v63  }
0x32: {  	_ =	swait.ge [sflag:s21], $0x2800  }
0x33: {  	[sflag:s21] =	ssyncset.done $0x0  }
0x34: {  	[sflag:s21] =	ssyncadd.s32 $0xFFFFD800  }
0x35: {  	[spmem:s1] =	stream.indirect.scatter.add.f32 [tilespmem:s16], [sflag:$0x4], $0x80, s22, s13, $0xb8;
	[tilespmem:$0x1C080] =	vst v63  }
0x36: {  	_ =	swait.ge [sflag:s11], $0x2800  }
0x37: {  	[sflag:s11] =	ssyncset.done $0x0  }
0x38: {  	[sflag:s11] =	ssyncadd.s32 $0xFFFFD800  }
0x39: {  	[tilespmem:s16], [sflag:$0x2] =	stream.indirect.gather [hbm4b:s4+s13], $0x80, s23, s13, $0xb8;
	[tilespmem:$0x1C080] =	vst v63  }
0x3a: {  	_ =	swait.ge [sflag:s24], $0x2800  }
0x3b: {  	[sflag:s24] =	ssyncset.done $0x0  }
0x3c: {  	[sflag:s24] =	ssyncadd.s32 $0xFFFFD800  }
0x3d: {  	[spmem:s1] =	stream.indirect.scatter.add.f32 [tilespmem:s18], [sflag:$0x4], $0x80, s25, s13, $0xb8;
	[tilespmem:$0x1C080] =	vst v63  }
0x3e: {  	_ =	swait.ge [sflag:s11], $0x2800  }
0x3f: {  	[sflag:s11] =	ssyncset.done $0x0  }
0x40: {  	[sflag:s11] =	ssyncadd.s32 $0xFFFFD800  }
0x41: {  	[tilespmem:s18], [sflag:$0x3] =	stream.indirect.gather [hbm4b:s4+s13], $0x80, s26, s13, $0xb8;
	[tilespmem:$0x1C080] =	vst v63  }
0x42: {  	_ =	swait.ge [sflag:s19], $0x2800  }
0x43: {  	[sflag:s19] =	ssyncset.done $0x0  }
0x44: {  	[sflag:s19] =	ssyncadd.s32 $0xFFFFD800  }
0x45: {  	[spmem:s1] =	stream.indirect.scatter.add.f32 [tilespmem:s14], [sflag:$0x4], $0x80, s28, s13, $0xb8;
	[tilespmem:$0x1C080] =	vst v63  }
0x46: {  	_ =	swait.ge [sflag:s11], $0x2800  }
0x47: {  	[sflag:s11] =	ssyncset.done $0x0  }
0x48: {  	[sflag:s11] =	ssyncadd.s32 $0xFFFFD800  }
0x49: {  	[tilespmem:s14], [sflag:$0x1] =	stream.indirect.gather [hbm4b:s4+s13], $0x80, s29, s13, $0xb8;
	[tilespmem:$0x1C080] =	vst v63  }
0x4a: {  	_ =	swait.ge [sflag:s21], $0x2800  }
0x4b: {  	[sflag:s21] =	ssyncset.done $0x0  }
0x4c: {  	[sflag:s21] =	ssyncadd.s32 $0xFFFFD800  }
0x4d: {  	[spmem:s1] =	stream.indirect.scatter.add.f32 [tilespmem:s16], [sflag:$0x4], $0x80, s30, s13, $0xb8;
	[tilespmem:$0x1C080] =	vst v63  }
0x4e: {  	_ =	swait.ge [sflag:s11], $0x2800  }
0x4f: {  	[sflag:s11] =	ssyncset.done $0x0  }
0x50: {  	[sflag:s11] =	ssyncadd.s32 $0xFFFFD800  }
0x51: {  	[tilespmem:s16], [sflag:$0x2] =	stream.indirect.gather [hbm4b:s4+s13], $0x80, s31, s13, $0xb8;
	[tilespmem:$0x1C080] =	vst v63  }
0x52: {  	_ =	swait.ge [sflag:s24], $0x2800  }
0x53: {  	[sflag:s24] =	ssyncset.done $0x0  }
0x54: {  	[sflag:s24] =	ssyncadd.s32 $0xFFFFD800  }
0x55: {  	[spmem:s1] =	stream.indirect.scatter.add.f32 [tilespmem:s18], [sflag:$0x4], $0x80, s0, s13, $0xb8;
	[tilespmem:$0x1C080] =	vst v63  }
0x56: {  	_ =	swait.ge [sflag:s11], $0x2800  }
0x57: {  	[sflag:s11] =	ssyncset.done $0x0  }
0x58: {  	[sflag:s11] =	ssyncadd.s32 $0xFFFFD800  }
0x59: {  	_ =	swait.ge [sflag:s19], $0x2800  }
0x5a: {  	[sflag:s19] =	ssyncset.done $0x0  }
0x5b: {  	[sflag:s19] =	ssyncadd.s32 $0xFFFFD800  }
0x5c: {  	[spmem:s1] =	stream.indirect.scatter.add.f32 [tilespmem:s14], [sflag:$0x4], $0x80, s2, s13, $0xb8;
	[tilespmem:$0x1C080] =	vst v63  }
0x5d: {  	_ =	swait.ge [sflag:s11], $0x2800  }
0x5e: {  	[sflag:s11] =	ssyncset.done $0x0  }
0x5f: {  	[sflag:s11] =	ssyncadd.s32 $0xFFFFD800  }
0x60: {  	_ =	swait.ge [sflag:s21], $0x2800  }
0x61: {  	[sflag:s21] =	ssyncset.done $0x0  }
0x62: {  	[sflag:s21] =	ssyncadd.s32 $0xFFFFD800  }
0x63: {  	[spmem:s1] =	stream.indirect.scatter.add.f32 [tilespmem:s16], [sflag:$0x4], $0x80, s5, s13, $0xb8;
	[tilespmem:$0x1C080] =	vst v63  }
0x64: {  	_ =	swait.ge [sflag:s11], $0x2800  }
0x65: {  	s8 =	simm.s32 $0x80;
	s6 =	simm.s32 $0x100;
	[sflag:s11] =	ssyncset.done $0x0  }
.LBB2_2:
0x66: {  	s7 =	sadd.s32 s8, s9;
	[sflag:s11] =	ssyncadd.s32 $0xFFFFD800  }
0x67: {  	[tilespmem:s3], [sflag:$0x4] =	stream.linear.gather [hbm4b:s7+s3], $0x400, $0x38;
	[tilespmem:$0x1C080] =	vst v63  }
0x68: {  	s15 =	smov.u32 s6;
	_ =	swait.ge [sflag:s11], $0x400  }
0x69: {  	s10 =	sadd.s32 $0x80, s6;
	s7 =	rddreg [dreg:$0x3];
	[sflag:s11] =	ssyncset.done $0x0  }
0x6a: {  	p0 =	sne.s32 s6, $0x780;
	[sflag:s11] =	ssyncadd.s32 $0xFFFFFC00;
	s6 =	sadd.s32 s8, s7  }
0x6b: {  	[tilespmem:s12], [sflag:$0x4] =	stream.linear.gather [hbm4b:s6+s3], $0x400, $0x38;
	[tilespmem:$0x1C080] =	vst v63  }
0x6c: {  	_ =	swait.ge [sflag:s11], $0x400  }
0x6d: {  	[sflag:s11] =	ssyncset.done $0x0  }
0x6e: {  	[sflag:s11] =	ssyncadd.s32 $0xFFFFFC00  }
0x6f: {  	[tilespmem:s14], [sflag:$0x1] =	stream.indirect.gather [hbm4b:s4+s13], $0x80, s3, s13, $0xb8;
	[tilespmem:$0x1C080] =	vst v63  }
0x70: {  	s8 =	smov.u32 s15;
	s15 =	simm.s32 $0x80  }
0x71: {  	[tilespmem:s16], [sflag:$0x2] =	stream.indirect.gather [hbm4b:s4+s13], $0x80, s15, s13, $0xb8;
	[tilespmem:$0x1C080] =	vst v63  }
0x72: {  	_ = 	snop  }
0x73: {  	[tilespmem:s18], [sflag:$0x3] =	stream.indirect.gather [hbm4b:s4+s13], $0x80, s17, s13, $0xb8;
	[tilespmem:$0x1C080] =	vst v63  }
0x74: {  	_ =	swait.ge [sflag:s19], $0x2800  }
0x75: {  	[sflag:s19] =	ssyncset.done $0x0  }
0x76: {  	[sflag:s19] =	ssyncadd.s32 $0xFFFFD800  }
0x77: {  	[spmem:s1] =	stream.indirect.scatter.add.f32 [tilespmem:s14], [sflag:$0x4], $0x80, s12, s13, $0xb8;
	[tilespmem:$0x1C080] =	vst v63  }
0x78: {  	_ =	swait.ge [sflag:s11], $0x2800  }
0x79: {  	[sflag:s11] =	ssyncset.done $0x0  }
0x7a: {  	[sflag:s11] =	ssyncadd.s32 $0xFFFFD800  }
0x7b: {  	[tilespmem:s14], [sflag:$0x1] =	stream.indirect.gather [hbm4b:s4+s13], $0x80, s20, s13, $0xb8;
	[tilespmem:$0x1C080] =	vst v63  }
0x7c: {  	_ =	swait.ge [sflag:s21], $0x2800  }
0x7d: {  	[sflag:s21] =	ssyncset.done $0x0  }
0x7e: {  	[sflag:s21] =	ssyncadd.s32 $0xFFFFD800  }
0x7f: {  	[spmem:s1] =	stream.indirect.scatter.add.f32 [tilespmem:s16], [sflag:$0x4], $0x80, s22, s13, $0xb8;
	[tilespmem:$0x1C080] =	vst v63  }
0x80: {  	_ =	swait.ge [sflag:s11], $0x2800  }
0x81: {  	[sflag:s11] =	ssyncset.done $0x0  }
0x82: {  	[sflag:s11] =	ssyncadd.s32 $0xFFFFD800  }
0x83: {  	[tilespmem:s16], [sflag:$0x2] =	stream.indirect.gather [hbm4b:s4+s13], $0x80, s23, s13, $0xb8;
	[tilespmem:$0x1C080] =	vst v63  }
0x84: {  	_ =	swait.ge [sflag:s24], $0x2800  }
0x85: {  	[sflag:s24] =	ssyncset.done $0x0  }
0x86: {  	[sflag:s24] =	ssyncadd.s32 $0xFFFFD800  }
0x87: {  	[spmem:s1] =	stream.indirect.scatter.add.f32 [tilespmem:s18], [sflag:$0x4], $0x80, s25, s13, $0xb8;
	[tilespmem:$0x1C080] =	vst v63  }
0x88: {  	_ =	swait.ge [sflag:s11], $0x2800  }
0x89: {  	[sflag:s11] =	ssyncset.done $0x0  }
0x8a: {  	[sflag:s11] =	ssyncadd.s32 $0xFFFFD800  }
0x8b: {  	[tilespmem:s18], [sflag:$0x3] =	stream.indirect.gather [hbm4b:s4+s13], $0x80, s26, s13, $0xb8;
	[tilespmem:$0x1C080] =	vst v63  }
0x8c: {  	_ =	swait.ge [sflag:s19], $0x2800  }
0x8d: {  	[sflag:s19] =	ssyncset.done $0x0  }
0x8e: {  	[sflag:s19] =	ssyncadd.s32 $0xFFFFD800  }
0x8f: {  	[spmem:s1] =	stream.indirect.scatter.add.f32 [tilespmem:s14], [sflag:$0x4], $0x80, s28, s13, $0xb8;
	[tilespmem:$0x1C080] =	vst v63  }
0x90: {  	_ =	swait.ge [sflag:s11], $0x2800  }
0x91: {  	[sflag:s11] =	ssyncset.done $0x0  }
0x92: {  	[sflag:s11] =	ssyncadd.s32 $0xFFFFD800  }
0x93: {  	[tilespmem:s14], [sflag:$0x1] =	stream.indirect.gather [hbm4b:s4+s13], $0x80, s29, s13, $0xb8;
	[tilespmem:$0x1C080] =	vst v63  }
0x94: {  	_ =	swait.ge [sflag:s21], $0x2800  }
0x95: {  	[sflag:s21] =	ssyncset.done $0x0  }
0x96: {  	[sflag:s21] =	ssyncadd.s32 $0xFFFFD800  }
0x97: {  	[spmem:s1] =	stream.indirect.scatter.add.f32 [tilespmem:s16], [sflag:$0x4], $0x80, s30, s13, $0xb8;
	[tilespmem:$0x1C080] =	vst v63  }
0x98: {  	_ =	swait.ge [sflag:s11], $0x2800  }
0x99: {  	[sflag:s11] =	ssyncset.done $0x0  }
0x9a: {  	[sflag:s11] =	ssyncadd.s32 $0xFFFFD800  }
0x9b: {  	[tilespmem:s16], [sflag:$0x2] =	stream.indirect.gather [hbm4b:s4+s13], $0x80, s31, s13, $0xb8;
	[tilespmem:$0x1C080] =	vst v63  }
0x9c: {  	_ =	swait.ge [sflag:s24], $0x2800  }
0x9d: {  	[sflag:s24] =	ssyncset.done $0x0  }
0x9e: {  	[sflag:s24] =	ssyncadd.s32 $0xFFFFD800  }
0x9f: {  	[spmem:s1] =	stream.indirect.scatter.add.f32 [tilespmem:s18], [sflag:$0x4], $0x80, s0, s13, $0xb8;
	[tilespmem:$0x1C080] =	vst v63  }
0xa0: {  	_ =	swait.ge [sflag:s11], $0x2800  }
0xa1: {  	[sflag:s11] =	ssyncset.done $0x0  }
0xa2: {  	[sflag:s11] =	ssyncadd.s32 $0xFFFFD800  }
0xa3: {  	_ =	swait.ge [sflag:s19], $0x2800  }
0xa4: {  	[sflag:s19] =	ssyncset.done $0x0  }
0xa5: {  	[sflag:s19] =	ssyncadd.s32 $0xFFFFD800  }
0xa6: {  	[spmem:s1] =	stream.indirect.scatter.add.f32 [tilespmem:s14], [sflag:$0x4], $0x80, s2, s13, $0xb8;
	[tilespmem:$0x1C080] =	vst v63  }
0xa7: {  	_ =	swait.ge [sflag:s11], $0x2800  }
0xa8: {  	[sflag:s11] =	ssyncset.done $0x0  }
0xa9: {  	[sflag:s11] =	ssyncadd.s32 $0xFFFFD800  }
0xaa: {  	_ =	swait.ge [sflag:s21], $0x2800  }
.Ltmp0:
0xab: {  	[sflag:s21] =	ssyncset.done $0x0;
	(pc) =	sbr.rel @p0 .LBB2_2-.Ltmp0, $4  }
0xac: {  	[sflag:s21] =	ssyncadd.s32 $0xFFFFD800  }
0xad: {  	[spmem:s1] =	stream.indirect.scatter.add.f32 [tilespmem:s16], [sflag:$0x4], $0x80, s5, s13, $0xb8;
	[tilespmem:$0x1C080] =	vst v63  }
0xae: {  	_ =	swait.ge [sflag:s11], $0x2800  }
0xaf: {  	s6 =	smov.u32 s10;
	[sflag:s11] =	ssyncset.done $0x0  }
0xb0: {  	s6 =	sadd.s32 s8, s9;
	[sflag:s11] =	ssyncadd.s32 $0xFFFFD800  }
0xb1: {  	[tilespmem:s3], [sflag:$0x4] =	stream.linear.gather [hbm4b:s6+s3], $0x400, $0x38;
	[tilespmem:$0x1C080] =	vst v63  }
0xb2: {  	_ =	swait.ge [sflag:s11], $0x400  }
0xb3: {  	s7 =	rddreg [dreg:$0x3];
	[sflag:s11] =	ssyncset.done $0x0  }
0xb4: {  	s6 =	sadd.s32 s8, s7;
	[sflag:s11] =	ssyncadd.s32 $0xFFFFFC00  }
0xb5: {  	[tilespmem:s12], [sflag:$0x4] =	stream.linear.gather [hbm4b:s6+s3], $0x400, $0x38;
	[tilespmem:$0x1C080] =	vst v63  }
0xb6: {  	_ =	swait.ge [sflag:s11], $0x400  }
0xb7: {  	[sflag:s11] =	ssyncset.done $0x0  }
0xb8: {  	[sflag:s11] =	ssyncadd.s32 $0xFFFFFC00  }
0xb9: {  	[tilespmem:s14], [sflag:$0x1] =	stream.indirect.gather [hbm4b:s4+s13], $0x80, s3, s13, $0xb8;
	[tilespmem:$0x1C080] =	vst v63  }
0xba: {  	s10 =	simm.s32 $0x80  }
0xbb: {  	[tilespmem:s16], [sflag:$0x2] =	stream.indirect.gather [hbm4b:s4+s13], $0x80, s10, s13, $0xb8;
	[tilespmem:$0x1C080] =	vst v63  }
0xbc: {  	_ = 	snop  }
0xbd: {  	[tilespmem:s18], [sflag:$0x3] =	stream.indirect.gather [hbm4b:s4+s13], $0x80, s17, s13, $0xb8;
	[tilespmem:$0x1C080] =	vst v63  }
0xbe: {  	_ =	swait.ge [sflag:s19], $0x2800  }
0xbf: {  	[sflag:s19] =	ssyncset.done $0x0  }
0xc0: {  	[sflag:s19] =	ssyncadd.s32 $0xFFFFD800  }
0xc1: {  	[spmem:s1] =	stream.indirect.scatter.add.f32 [tilespmem:s14], [sflag:$0x4], $0x80, s12, s13, $0xb8;
	[tilespmem:$0x1C080] =	vst v63  }
0xc2: {  	_ =	swait.ge [sflag:s11], $0x2800  }
0xc3: {  	[sflag:s11] =	ssyncset.done $0x0  }
0xc4: {  	[sflag:s11] =	ssyncadd.s32 $0xFFFFD800  }
0xc5: {  	[tilespmem:s14], [sflag:$0x1] =	stream.indirect.gather [hbm4b:s4+s13], $0x80, s20, s13, $0xb8;
	[tilespmem:$0x1C080] =	vst v63  }
0xc6: {  	_ =	swait.ge [sflag:s21], $0x2800  }
0xc7: {  	[sflag:s21] =	ssyncset.done $0x0  }
0xc8: {  	[sflag:s21] =	ssyncadd.s32 $0xFFFFD800  }
0xc9: {  	[spmem:s1] =	stream.indirect.scatter.add.f32 [tilespmem:s16], [sflag:$0x4], $0x80, s22, s13, $0xb8;
	[tilespmem:$0x1C080] =	vst v63  }
0xca: {  	_ =	swait.ge [sflag:s11], $0x2800  }
0xcb: {  	[sflag:s11] =	ssyncset.done $0x0  }
0xcc: {  	[sflag:s11] =	ssyncadd.s32 $0xFFFFD800  }
0xcd: {  	[tilespmem:s16], [sflag:$0x2] =	stream.indirect.gather [hbm4b:s4+s13], $0x80, s23, s13, $0xb8;
	[tilespmem:$0x1C080] =	vst v63  }
0xce: {  	_ =	swait.ge [sflag:s24], $0x2800  }
0xcf: {  	[sflag:s24] =	ssyncset.done $0x0  }
0xd0: {  	[sflag:s24] =	ssyncadd.s32 $0xFFFFD800  }
0xd1: {  	[spmem:s1] =	stream.indirect.scatter.add.f32 [tilespmem:s18], [sflag:$0x4], $0x80, s25, s13, $0xb8;
	[tilespmem:$0x1C080] =	vst v63  }
0xd2: {  	_ =	swait.ge [sflag:s11], $0x2800  }
0xd3: {  	[sflag:s11] =	ssyncset.done $0x0  }
0xd4: {  	[sflag:s11] =	ssyncadd.s32 $0xFFFFD800  }
0xd5: {  	[tilespmem:s18], [sflag:$0x3] =	stream.indirect.gather [hbm4b:s4+s13], $0x80, s26, s13, $0xb8;
	[tilespmem:$0x1C080] =	vst v63  }
0xd6: {  	_ =	swait.ge [sflag:s19], $0x2800  }
0xd7: {  	[sflag:s19] =	ssyncset.done $0x0  }
0xd8: {  	[sflag:s19] =	ssyncadd.s32 $0xFFFFD800  }
0xd9: {  	[spmem:s1] =	stream.indirect.scatter.add.f32 [tilespmem:s14], [sflag:$0x4], $0x80, s28, s13, $0xb8;
	[tilespmem:$0x1C080] =	vst v63  }
0xda: {  	_ =	swait.ge [sflag:s11], $0x2800  }
0xdb: {  	[sflag:s11] =	ssyncset.done $0x0  }
0xdc: {  	[sflag:s11] =	ssyncadd.s32 $0xFFFFD800  }
0xdd: {  	[tilespmem:s14], [sflag:$0x1] =	stream.indirect.gather [hbm4b:s4+s13], $0x80, s29, s13, $0xb8;
	[tilespmem:$0x1C080] =	vst v63  }
0xde: {  	_ =	swait.ge [sflag:s21], $0x2800  }
0xdf: {  	[sflag:s21] =	ssyncset.done $0x0  }
0xe0: {  	[sflag:s21] =	ssyncadd.s32 $0xFFFFD800  }
0xe1: {  	[spmem:s1] =	stream.indirect.scatter.add.f32 [tilespmem:s16], [sflag:$0x4], $0x80, s30, s13, $0xb8;
	[tilespmem:$0x1C080] =	vst v63  }
0xe2: {  	_ =	swait.ge [sflag:s11], $0x2800  }
0xe3: {  	[sflag:s11] =	ssyncset.done $0x0  }
0xe4: {  	[sflag:s11] =	ssyncadd.s32 $0xFFFFD800  }
0xe5: {  	[tilespmem:s16], [sflag:$0x2] =	stream.indirect.gather [hbm4b:s4+s13], $0x80, s31, s13, $0xb8;
	[tilespmem:$0x1C080] =	vst v63  }
0xe6: {  	_ =	swait.ge [sflag:s24], $0x2800  }
0xe7: {  	[sflag:s24] =	ssyncset.done $0x0  }
0xe8: {  	[sflag:s24] =	ssyncadd.s32 $0xFFFFD800  }
0xe9: {  	[spmem:s1] =	stream.indirect.scatter.add.f32 [tilespmem:s18], [sflag:$0x4], $0x80, s0, s13, $0xb8;
	[tilespmem:$0x1C080] =	vst v63  }
0xea: {  	_ =	swait.ge [sflag:s11], $0x2800  }
0xeb: {  	[sflag:s11] =	ssyncset.done $0x0  }
0xec: {  	[sflag:s11] =	ssyncadd.s32 $0xFFFFD800  }
0xed: {  	_ =	swait.ge [sflag:s19], $0x2800  }
0xee: {  	[sflag:s19] =	ssyncset.done $0x0  }
0xef: {  	[sflag:s19] =	ssyncadd.s32 $0xFFFFD800  }
0xf0: {  	[spmem:s1] =	stream.indirect.scatter.add.f32 [tilespmem:s14], [sflag:$0x4], $0x80, s2, s13, $0xb8;
	[tilespmem:$0x1C080] =	vst v63  }
0xf1: {  	_ =	swait.ge [sflag:s11], $0x2800  }
0xf2: {  	[sflag:s11] =	ssyncset.done $0x0  }
0xf3: {  	[sflag:s11] =	ssyncadd.s32 $0xFFFFD800  }
0xf4: {  	_ =	swait.ge [sflag:s21], $0x2800  }
0xf5: {  	[sflag:s21] =	ssyncset.done $0x0  }
0xf6: {  	[sflag:s21] =	ssyncadd.s32 $0xFFFFD800  }
0xf7: {  	[spmem:s1] =	stream.indirect.scatter.add.f32 [tilespmem:s16], [sflag:$0x4], $0x80, s5, s13, $0xb8;
	[tilespmem:$0x1C080] =	vst v63  }
0xf8: {  	_ =	swait.ge [sflag:s11], $0x2800  }
0xf9: {  	[sflag:s11] =	ssyncset.done $0x0  }
0xfa: {  	[sflag:s11] =	ssyncadd.s32 $0xFFFFD800  }
0xfb: {  	[bflag:$0x0] =	sbarrier.arrive $0xFFFF  }
0xfc: {  	s10 =	rddreg [dreg:$0x5]  }
0xfd: {  	s15 =	rddreg [dreg:$0x6]  }
0xfe: {  	s7 =	rddreg [dreg:$0x8]  }
0xff: {  	[hbm:s15], [sflag:s10] =	dma.local [spmem:s7], $0x2800  }
0x100: {  	_ =	swait.ge [sflag:s11], $0x2800  }
0x101: {  	s6 =	rddreg [dreg:$0x9]  }
0x102: {  	s15 =	rddreg [dreg:$0x7];
	s8 =	sadd.s32 $0x1, s6  }
0x103: {  	p0 =	sne.s32 s8, s15  }
.Ltmp1:
0x104: {  	_ = 	snop;
	(pc) =	sbr.rel @p0 .LBB2_1-.Ltmp1, $3  }
0x105: {  	_ =	sdelay $0x1  }
0x106: {  	[sflag:s11] =	ssyncset.done $0x0  }
0x107: {  	[sflag:s11] =	ssyncadd.s32 $0xFFFFD800  }
0x108: {  	_ =	sfence.sel $0x180000  }
0x109: {  	[bflag:$0x0] =	sbarrier.arrive $0xFFFF  }
0x10a: {  	_ =	strace $0x9000004A  }
0x10b: {  	s0 =	stileid.u32;
	[bflag:$0x2] =	sbarrier.arrive $0xFFFF  }
0x10c: {  	p0 =	sne.s32 s0, $0x0;
	s0 =	rddreg [dreg:$0x2]  }
0x10d: {  	s0 =	sadd.s32 @!p0 $0x100000, s0  }
0x10e: {  	[sflag:s0] =	ssyncadd.tile.s32 @!p0 $0x1;
	_ =	shalt  }
.Lfunc_end2:
_tile_overlayer_lowered:
.L_overlay_start_2:
0x10f: {  	(tag) =	ssettag $0x2  }
0x110: {  	s0 =	rddreg [dreg:$0x0];
	s2 =	stileid.u32  }
0x111: {  	s1 =	rddreg [dreg:$0x1];
	p0 =	sne.s32 s2, $0x0  }
0x112: {  	s3 =	rddreg [dreg:$0x2];
	[bflag:$0x3] =	sbarrier.arrive $0xFFFF;
	s2 =	simm.s32 @!p0 $0x1C04  }
0x113: {  	[timem:s3], [sflag:s2] =	dma.local @!p0 [hbm:s0], s1  }
0x114: {  	s0 =	simm.s32 @!p0 $0x4  }
0x115: {  	_ =	swait.ge @!p0 [sflag:s0], s1  }
0x116: {  	s1 =	ssub.s32 @!p0 $0x0, s1;
	[sflag:s0] =	ssyncset.done @!p0 $0x0  }
0x117: {  	[sflag:s0] =	ssyncadd.s32 @!p0 s1  }
0x118: {  	[bflag:$0x3] =	sbarrier.arrive $0xFFFF  }
0x119: {  	_ =	shalt  }

// kernel: kernel.15.cloned.1.call-start
scs
__scs_entry_jumppad:
0x0: {  	(pc) =	sbr.rel $0x88, $3  }
0x1: {  	(tag) =	ssettag $0x0;
	lr =	simm.s32 $0x1  }
0x2: {  	[smem:$0x3F98] =	sst lr;
	_ =	strace $0xD0000000  }
0x3: {  	_ = 	snop  }
0x4: {  	_ = 	snop  }
0x5: {  	_ = 	snop  }
0x6: {  	_ = 	snop  }
0x7: {  	_ = 	snop  }
__scs_overlays_trampoline_lowered:
0x8: {  	[smem:$0x3FA7] =	sst s0  }
0x9: {  	[smem:$0x3FA8] =	sst s1  }
0xa: {  	[smem:$0x3FA9] =	sst s2  }
0xb: {  	[smem:$0x3FAA] =	sst s3  }
0xc: {  	[smem:$0x3FAB] =	sst s4  }
0xd: {  	[smem:$0x3FAC] =	sst s5  }
0xe: {  	[smem:$0x3FAD] =	sst s6  }
0xf: {  	[smem:$0x3FAE] =	sst s7  }
0x10: {  	[smem:$0x3FAF] =	sst s8  }
0x11: {  	[smem:$0x3FB0] =	sst s9;
	s0 =	simm.s32 @!p0 $0x0  }
0x12: {  	s1 =	sld [smem:$0x3F96];
	s0 =	simm.s32 @p0 $0x1  }
0x13: {  	[smem:$0x3FB1] =	sst s0;
	s0 =	simm.s32 @!p1 $0x0  }
0x14: {  	s2 =	sld [smem:$0x3F95];
	s0 =	simm.s32 @p1 $0x1  }
0x15: {  	[smem:$0x3FB2] =	sst s0;
	s0 =	simm.s32 @!p2 $0x0  }
0x16: {  	s3 =	sld [smem:$0x3FDB];
	s0 =	simm.s32 @p2 $0x1  }
0x17: {  	s4 =	simm.s32 $0x1BF5;
	[smem:$0x3FB4] =	sst s0  }
0x18: {  	s0 =	sld [smem:$0x3F97];
	_ =	swait.ge [sflag:s4], $0x0  }
0x19: {  	s7 =	sld [smem:$0x3F98]  }
0x1a: {  	s8 =	sadd.s32 $0xFFFFE003, lr  }
0x1b: {  	s9 =	sadd.s32 $0xFFFFFEF7, lr;
	s5 =	simm.s32 $0xFFFFFFFF;
	p2 =	slt.u32 s8, $0xFFFFF086  }
0x1c: {  	p1 =	slt.u32 s9, $0xF7A;
	s5 =	simm.s32 @!p2 $0x0  }
0x1d: {  	s5 =	simm.s32 @p1 $0x1;
	p0 =	seq.s32 s7, s2  }
0x1e: {  	s7 =	smul.u32 @!p0 $0xF7A, s2;
	p2 =	seq.s32 @!p0 s5, $0x0  }
0x1f: {  	s9 =	smul.u32 $0xF7A, s1;
	s8 =	simm.s32 @!p0 $0x1BF5;
	p2 =	por !p2, p0  }
0x20: {  	[sflag:s8] =	ssyncset.s32 @!p0 $0xFFFFF086;
	s6 =	sadd.s32 @!p0 s3, s7;
	s7 =	simm.s32 @!p0 $0x108  }
0x21: {  	s3 =	sadd.s32 s3, s9;
	s6 =	sadd.s32 @!p0 $0x88, s6;
	s7 =	simm.s32 @p2 $0x1082  }
0x22: {  	[simem:s7], [sflag:s8] =	dma.local @!p0 [hbm:s6], $0xF7A  }
0x23: {  	s9 =	sor.u32 $0xD0000000, s2;
	s6 =	simm.s32 $0x108;
	_ =	swait.ge @!p0 [sflag:s8], $0x0  }
0x24: {  	s3 =	sadd.s32 $0x88, s3;
	s6 =	simm.s32 @!p1 $0x1082;
	[sflag:s4] =	ssyncset.s32 $0xFFFFF086  }
0x25: {  	[simem:s6], [sflag:s4] =	dma.local [hbm:s3], $0xF7A  }
0x26: {  	[smem:$0x3F98] =	sst s1;
	(tag) =	ssettag s2;
	_ =	strace s9  }
0x27: {  	s1 =	sld [smem:$0x3FA8]  }
0x28: {  	s2 =	sld [smem:$0x3FA9]  }
0x29: {  	s4 =	sld [smem:$0x3FAB]  }
0x2a: {  	p0 =	seq.s32 s5, $0x0;
	s5 =	sld [smem:$0x3FAC]  }
0x2b: {  	s6 =	sld [smem:$0x3FAD]  }
0x2c: {  	s7 =	sld [smem:$0x3FAE]  }
0x2d: {  	s3 =	simm.s32 $0x108;
	s8 =	sld [smem:$0x3FAF]  }
0x2e: {  	s3 =	simm.s32 @!p0 $0x1082;
	s9 =	sld [smem:$0x3FB0]  }
0x2f: {  	lr =	sadd.s32 s0, s3;
	s0 =	sld [smem:$0x3FA7]  }
0x30: {  	s3 =	sld [smem:$0x3FAA]  }
0x31: {  	[smem:$0x3FB3] =	sst s10  }
0x32: {  	s10 =	sld [smem:$0x3FB1];
	_ =	sdelay $0x3  }
0x33: {  	p0 =	seq.s32 s10, $0x1;
	s10 =	sld [smem:$0x3FB3];
	_ =	sdelay $0x3  }
0x34: {  	[smem:$0x3FB3] =	sst s10  }
0x35: {  	s10 =	sld [smem:$0x3FB2];
	_ =	sdelay $0x3  }
0x36: {  	p1 =	seq.s32 s10, $0x1;
	s10 =	sld [smem:$0x3FB3];
	_ =	sdelay $0x3  }
0x37: {  	[smem:$0x3FB3] =	sst s10  }
0x38: {  	s10 =	sld [smem:$0x3FB4]  }
0x39: {  	_ = 	snop;
	(pc) =	sbr.ind lr, $3  }
0x3a: {  	_ = 	snop  }
0x3b: {  	_ = 	snop  }
0x3c: {  	p2 =	seq.s32 s10, $0x1;
	s10 =	sld [smem:$0x3FB3]  }
0x3d: {  	_ =	shalt  }
0x3e: {  	_ =	shalt  }
0x3f: {  	_ =	shalt  }
0x40: {  	_ =	shalt  }
0x41: {  	_ =	shalt  }
0x42: {  	_ =	shalt  }
0x43: {  	_ =	shalt  }
0x44: {  	_ =	shalt  }
0x45: {  	_ =	shalt  }
0x46: {  	_ =	shalt  }
0x47: {  	_ =	shalt  }
0x48: {  	_ =	shalt  }
0x49: {  	_ =	shalt  }
0x4a: {  	_ =	shalt  }
0x4b: {  	_ =	shalt  }
0x4c: {  	_ =	shalt  }
0x4d: {  	_ =	shalt  }
0x4e: {  	_ =	shalt  }
0x4f: {  	_ =	shalt  }
0x50: {  	_ =	shalt  }
0x51: {  	_ =	shalt  }
0x52: {  	_ =	shalt  }
0x53: {  	_ =	shalt  }
0x54: {  	_ =	shalt  }
0x55: {  	_ =	shalt  }
0x56: {  	_ =	shalt  }
0x57: {  	_ =	shalt  }
0x58: {  	_ =	shalt  }
0x59: {  	_ =	shalt  }
0x5a: {  	_ =	shalt  }
0x5b: {  	_ =	shalt  }
0x5c: {  	_ =	shalt  }
0x5d: {  	_ =	shalt  }
0x5e: {  	_ =	shalt  }
0x5f: {  	_ =	shalt  }
0x60: {  	_ =	shalt  }
0x61: {  	_ =	shalt  }
0x62: {  	_ =	shalt  }
0x63: {  	_ =	shalt  }
0x64: {  	_ =	shalt  }
0x65: {  	_ =	shalt  }
0x66: {  	_ =	shalt  }
0x67: {  	_ =	shalt  }
0x68: {  	_ =	shalt  }
0x69: {  	_ =	shalt  }
0x6a: {  	_ =	shalt  }
0x6b: {  	_ =	shalt  }
0x6c: {  	_ =	shalt  }
0x6d: {  	_ =	shalt  }
0x6e: {  	_ =	shalt  }
0x6f: {  	_ =	shalt  }
0x70: {  	_ =	shalt  }
0x71: {  	_ =	shalt  }
0x72: {  	_ =	shalt  }
0x73: {  	_ =	shalt  }
0x74: {  	_ =	shalt  }
0x75: {  	_ =	shalt  }
0x76: {  	_ =	shalt  }
0x77: {  	_ =	shalt  }
0x78: {  	_ =	shalt  }
0x79: {  	_ =	shalt  }
0x7a: {  	_ =	shalt  }
0x7b: {  	_ =	shalt  }
0x7c: {  	_ =	shalt  }
0x7d: {  	_ =	shalt  }
0x7e: {  	_ =	shalt  }
0x7f: {  	_ =	shalt  }
0x80: {  	_ =	shalt  }
0x81: {  	_ =	shalt  }
0x82: {  	_ =	shalt  }
0x83: {  	_ =	shalt  }
0x84: {  	_ =	shalt  }
0x85: {  	_ =	shalt  }
0x86: {  	_ =	shalt  }
0x87: {  	_ =	shalt  }
.Lfunc_end0:
.L_simem_size_0:
called_computation.2_lowered:
.L_overlay_start_0:
0x88: {  	s2 =	sld [smem:$0x3FD9]  }
0x89: {  	s3 =	sld [smem:$0x3FFE];
	_ =	sdelay $0x1  }
0x8a: {  	s1 =	srdreg.scid  }
0x8b: {  	s0 =	sand.u32 $0x1, s1  }
0x8c: {  	s16 =	sshll.u32 s0, $0xA;
	s2 =	sadd.s32 s3, s2  }
0x8d: {  	s2 =	sadd.s32 s2, s16  }
0x8e: {  	[smem:$0x3FBF] =	sst s2  }
0x8f: {  	_ = 	snop  }
0x90: {  	(tm) =	ssettm $0x1  }
0x91: {  	s17 =	sld [smem:$0x3FFB];
	_ =	sdelay $0x3  }
0x92: {  	_ =	strace s17  }
0x93: {  	s2 =	sld [smem:$0x3FFC];
	_ =	sdelay $0x3  }
0x94: {  	_ =	strace s2  }
0x95: {  	s2 =	sld [smem:$0x3FFD];
	_ =	sdelay $0x3  }
0x96: {  	_ =	strace s2  }
0x97: {  	_ =	strace $0x8FFFFFFF  }
0x98: {  	s18 =	sld [smem:$0x3FDB];
	_ =	sdelay $0x1  }
0x99: {  	s19 =	simm.s32 $_scs_section_size  }
0x9a: {  	s4 =	simm.s32 $_size__tile_overlayer_lowered;
	s5 =	simm.s32 $_tile_overlayer_lowered  }
0x9b: {  	s22 =	simm.s32 $0x1BFF;
	s21 =	sshll.u32 s5, $0x1;
	s2 =	sadd.s32 s19, s18  }
0x9c: {  	s6 =	simm.s32 $0x0;
	s20 =	sshll.u32 s4, $0x1;
	s4 =	sadd.s32 s21, s2  }
0x9d: {  	[timem:s6], [sflag:s22] =	dma.local [hbm:s4], s20  }
0x9e: {  	_ =	swait.ge [sflag:s22], s20  }
0x9f: {  	s3 =	ssub.s32 $0x0, s20;
	[sflag:s22] =	ssyncset.done $0x0  }
0xa0: {  	[sflag:s22] =	ssyncadd.s32 s3;
	_ =	sdelay $0x1  }
0xa1: {  	s23 =	simm.s32 $0x1B8B  }
0xa2: {  	_ =	swait.ge [sflag:s23], $0x1  }
0xa3: {  	[sflag:s23] =	ssyncset.done $0x0  }
0xa4: {  	s25 =	simm.s32 $0x1B8E;
	s24 =	sld [smem:$0x3FFE];
	[sflag:s23] =	ssyncadd.s32 $0xFFFFFFFF  }
0xa5: {  	s26 =	simm.s32 $execute0_lowered;
	[smem:$0x3FD2] =	sst s25  }
0xa6: {  	s4 =	sshll.u32 s26, $0x1;
	_ =	strace $0x8000004C;
	[dreg:$0x1] =	wrdreg $0xFFFFFFFF  }
0xa7: {  	s28 =	simm.s32 $_size_execute0_lowered;
	s2 =	sadd.s32 s2, s4;
	[dreg:$0x0] =	wrdreg $0x0  }
0xa8: {  	s4 =	sshll.u32 s28, $0x1;
	[dreg:$0x2] =	wrdreg s2  }
0xa9: {  	[dreg:$0x3] =	wrdreg s4  }
0xaa: {  	[dreg:$0x4] =	wrdreg $0xC0  }
0xab: {  	_ =	task [dreg:s6], $0x5FFFF  }
0xac: {  	[dreg:$0x1] =	wrdreg $0xFFFFFFFF  }
0xad: {  	[dreg:$0x0] =	wrdreg $0x60  }
0xae: {  	[dreg:$0x2] =	wrdreg s24  }
0xaf: {  	[dreg:$0x3] =	wrdreg $0x80000  }
0xb0: {  	[dreg:$0x4] =	wrdreg $0x9  }
0xb1: {  	_ =	task.clear_ibuf [dreg:s6], $0x5FFFF;
	_ =	strace $0x9000004C  }
0xb2: {  	s29 =	simm.s32 $0x9;
	_ =	strace $0x8000004E  }
0xb3: {  	_ =	swait.ge [sflag:s29], $0x1  }
0xb4: {  	[sflag:s29] =	ssyncadd.s32 $0xFFFFFFFF  }
0xb5: {  	_ =	strace $0x9000004E  }
0xb6: {  	_ =	sfence  }
0xb7: {  	s30 =	sld [smem:$0x0];
	_ =	sdelay $0x2  }
0xb8: {  	s31 =	sshll.u32 s1, $0xD;
	s1 =	sshrl.u32 s1, $0x2  }
0xb9: {  	s3 =	sand.u32 $0x4000, s31;
	s1 =	sadd.s32 s1, s30  }
0xba: {  	s0 =	sor.u32 s3, s0;
	s1 =	sshll.u32 s1, $0x11  }
0xbb: {  	s0 =	sor.u32 s1, s0  }
0xbc: {  	s0 =	sadd.s32 $0x8F2B, s0  }
0xbd: {  	[sflag:s0] =	ssyncadd.remote.s32 $0x1  }
0xbe: {  	_ =	sfence.sel $0xFFFF  }
0xbf: {  	[dreg:$0x0] =	wrdreg $0xFFFFFFFF;
	(pc) =	sbr.abs _section_cstart, $3  }
0xc0: {  	[dreg:$0x1] =	wrdreg $0xFFFFFFFF  }
0xc1: {  	_ =	task.clear_ibuf [dreg:s6], $0x2FFFF;
	_ =	strace $0x9FFFFFFF  }
0xc2: {  	(tm) =	ssettm $0x7FFFFFFF  }
0xc3: {  	_ =	shalt  }
tec
execute0_lowered:
.L_overlay_start_1:
0x0: {  	(tag) =	ssettag $0x1  }
0x1: {  	s0 =	rddreg [dreg:$0x0]  }
0x2: {  	s1 =	rddreg [dreg:$0x1];
	s2 =	srdreg.scid;
	s3 =	simm.s32 $0x0  }
0x3: {  	s10 =	stileid.u32;
	s11 =	simm.s32 $0x4;
	s12 =	simm.s32 $0x400  }
0x4: {  	s13 =	simm.s32 $0x50;
	s14 =	simm.s32 $0x800;
	s16 =	simm.s32 $0x3000  }
0x5: {  	s17 =	simm.s32 $0x100;
	s18 =	simm.s32 $0x5800;
	s19 =	simm.s32 $0x1  }
0x6: {  	s20 =	simm.s32 $0x180;
	s21 =	simm.s32 $0x2;
	s28 =	simm.s32 $0x580  }
0x7: {  	s29 =	simm.s32 $0x300;
	s30 =	simm.s32 $0x600;
	s31 =	simm.s32 $0x380  }
0x8: {  	s2 =	sand.u32 $0x1, s2;
	[smem:$0x7FF] =	sst s3;
	s6 =	smul.u32 $0x280, s10  }
0x9: {  	s4 =	sadd.s32 $0x2400, s0;
	s7 =	sshll.u32 s10, $0xB;
	s8 =	smul.u32 $0x50000, s10  }
0xa: {  	s23 =	sshll.u32 s10, $0x6;
	s5 =	smul.u32 $0x2800, s2;
	_ =	strace $0x8000004D  }
0xb: {  	s22 =	ssub.s32 $0x2, s2;
	s7 =	sadd.s32 s7, s0;
	s10 =	sor.u32 $0x1C04, s23  }
0xc: {  	s24 =	sshll.u32 s2, $0xF;
	s23 =	simm.s32 $0x200;
	s2 =	simm.s32 $0x700  }
0xd: {  	s9 =	sshrl.u32 s22, $0x1;
	s8 =	sshrl.u32 s8, $0x2;
	s26 =	sadd.s32 $0x6A400, s7  }
0xe: {  	[dreg:$0x5] =	wrdreg s10;
	s5 =	sadd.s32 s6, s5;
	s6 =	ssub.s32 s22, s9  }
0xf: {  	s8 =	sadd.s32 s8, s1;
	[dreg:$0x3] =	wrdreg s26;
	s22 =	simm.s32 $0x480  }
0x10: {  	s26 =	simm.s32 $0x280;
	s5 =	sshll.u32 s5, $0x4;
	s25 =	smax.u32 s6, $0x1  }
0x11: {  	s0 =	sadd.s32 s5, s0;
	s5 =	sadd.s32 s4, s5;
	[dreg:$0x7] =	wrdreg s25  }
0x12: {  	s25 =	simm.s32 $0x500;
	[dreg:$0x4] =	wrdreg s5;
	s0 =	sadd.s32 $0x72400, s0  }
0x13: {  	s5 =	simm.s32 $0x780;
	[dreg:$0x6] =	wrdreg s0;
	s0 =	sadd.s32 s24, s7  }
0x14: {  	s7 =	sshrl.u32 s8, $0x3;
	s24 =	simm.s32 $0x3;
	s8 =	simm.s32 $0x0  }
0x15: {  	s9 =	sadd.s32 $0x5A400, s0;
	s0 =	simm.s32 $0x680;
	[dreg:$0x8] =	wrdreg s7  }
.LBB2_1:
0x16: {  	[dreg:$0x9] =	wrdreg s8  }
0x17: {  	s6 =	rddreg [dreg:$0x4]  }
0x18: {  	[spmem:s7], [sflag:s10] =	dma.local [hbm:s6], $0x2800  }
0x19: {  	_ =	swait.ge [sflag:s11], $0x2800  }
0x1a: {  	[sflag:s11] =	ssyncset.done $0x0  }
0x1b: {  	[sflag:s11] =	ssyncadd.s32 $0xFFFFD800  }
0x1c: {  	s8 =	sadd.s32 $0x0, s9;
	[bflag:$0x0] =	sbarrier.arrive $0xFFFF  }
0x1d: {  	[tilespmem:s3], [sflag:$0x4] =	stream.linear.gather [hbm4b:s8+s3], $0x400, $0x38;
	[tilespmem:$0x1C080] =	vst v63  }
0x1e: {  	_ =	swait.ge [sflag:s11], $0x400  }
0x1f: {  	s10 =	rddreg [dreg:$0x3];
	[sflag:s11] =	ssyncset.done $0x0  }
0x20: {  	[sflag:s11] =	ssyncadd.s32 $0xFFFFFC00;
	s6 =	sadd.s32 $0x0, s10  }
0x21: {  	[tilespmem:s12], [sflag:$0x4] =	stream.linear.gather [hbm4b:s6+s3], $0x400, $0x38;
	[tilespmem:$0x1C080] =	vst v63  }
0x22: {  	_ =	swait.ge [sflag:s11], $0x400  }
0x23: {  	[sflag:s11] =	ssyncset.done $0x0  }
0x24: {  	[sflag:s11] =	ssyncadd.s32 $0xFFFFFC00  }
0x25: {  	[tilespmem:s14], [sflag:$0x1] =	stream.indirect.gather [hbm4b:s4+s13], $0x80, s3, s13, $0xb8;
	[tilespmem:$0x1C080] =	vst v63  }
0x26: {  	s15 =	simm.s32 $0x80  }
0x27: {  	[tilespmem:s16], [sflag:$0x2] =	stream.indirect.gather [hbm4b:s4+s13], $0x80, s15, s13, $0xb8;
	[tilespmem:$0x1C080] =	vst v63  }
0x28: {  	_ = 	snop  }
0x29: {  	[tilespmem:s18], [sflag:$0x3] =	stream.indirect.gather [hbm4b:s4+s13], $0x80, s17, s13, $0xb8;
	[tilespmem:$0x1C080] =	vst v63  }
0x2a: {  	_ =	swait.ge [sflag:s19], $0x2800  }
0x2b: {  	[sflag:s19] =	ssyncset.done $0x0  }
0x2c: {  	[sflag:s19] =	ssyncadd.s32 $0xFFFFD800  }
0x2d: {  	[spmem:s1] =	stream.indirect.scatter.add.f32 [tilespmem:s14], [sflag:$0x4], $0x80, s12, s13, $0xb8;
	[tilespmem:$0x1C080] =	vst v63  }
0x2e: {  	_ =	swait.ge [sflag:s11], $0x2800  }
0x2f: {  	[sflag:s11] =	ssyncset.done $0x0  }
0x30: {  	[sflag:s11] =	ssyncadd.s32 $0xFFFFD800  }
0x31: {  	[tilespmem:s14], [sflag:$0x1] =	stream.indirect.gather [hbm4b:s4+s13], $0x80, s20, s13, $0xb8;
	[tilespmem:$0x1C080] =	vst v63  }
0x32: {  	_ =	swait.ge [sflag:s21], $0x2800  }
0x33: {  	[sflag:s21] =	ssyncset.done $0x0  }
0x34: {  	[sflag:s21] =	ssyncadd.s32 $0xFFFFD800  }
0x35: {  	[spmem:s1] =	stream.indirect.scatter.add.f32 [tilespmem:s16], [sflag:$0x4], $0x80, s22, s13, $0xb8;
	[tilespmem:$0x1C080] =	vst v63  }
0x36: {  	_ =	swait.ge [sflag:s11], $0x2800  }
0x37: {  	[sflag:s11] =	ssyncset.done $0x0  }
0x38: {  	[sflag:s11] =	ssyncadd.s32 $0xFFFFD800  }
0x39: {  	[tilespmem:s16], [sflag:$0x2] =	stream.indirect.gather [hbm4b:s4+s13], $0x80, s23, s13, $0xb8;
	[tilespmem:$0x1C080] =	vst v63  }
0x3a: {  	_ =	swait.ge [sflag:s24], $0x2800  }
0x3b: {  	[sflag:s24] =	ssyncset.done $0x0  }
0x3c: {  	[sflag:s24] =	ssyncadd.s32 $0xFFFFD800  }
0x3d: {  	[spmem:s1] =	stream.indirect.scatter.add.f32 [tilespmem:s18], [sflag:$0x4], $0x80, s25, s13, $0xb8;
	[tilespmem:$0x1C080] =	vst v63  }
0x3e: {  	_ =	swait.ge [sflag:s11], $0x2800  }
0x3f: {  	[sflag:s11] =	ssyncset.done $0x0  }
0x40: {  	[sflag:s11] =	ssyncadd.s32 $0xFFFFD800  }
0x41: {  	[tilespmem:s18], [sflag:$0x3] =	stream.indirect.gather [hbm4b:s4+s13], $0x80, s26, s13, $0xb8;
	[tilespmem:$0x1C080] =	vst v63  }
0x42: {  	_ =	swait.ge [sflag:s19], $0x2800  }
0x43: {  	[sflag:s19] =	ssyncset.done $0x0  }
0x44: {  	[sflag:s19] =	ssyncadd.s32 $0xFFFFD800  }
0x45: {  	[spmem:s1] =	stream.indirect.scatter.add.f32 [tilespmem:s14], [sflag:$0x4], $0x80, s28, s13, $0xb8;
	[tilespmem:$0x1C080] =	vst v63  }
0x46: {  	_ =	swait.ge [sflag:s11], $0x2800  }
0x47: {  	[sflag:s11] =	ssyncset.done $0x0  }
0x48: {  	[sflag:s11] =	ssyncadd.s32 $0xFFFFD800  }
0x49: {  	[tilespmem:s14], [sflag:$0x1] =	stream.indirect.gather [hbm4b:s4+s13], $0x80, s29, s13, $0xb8;
	[tilespmem:$0x1C080] =	vst v63  }
0x4a: {  	_ =	swait.ge [sflag:s21], $0x2800  }
0x4b: {  	[sflag:s21] =	ssyncset.done $0x0  }
0x4c: {  	[sflag:s21] =	ssyncadd.s32 $0xFFFFD800  }
0x4d: {  	[spmem:s1] =	stream.indirect.scatter.add.f32 [tilespmem:s16], [sflag:$0x4], $0x80, s30, s13, $0xb8;
	[tilespmem:$0x1C080] =	vst v63  }
0x4e: {  	_ =	swait.ge [sflag:s11], $0x2800  }
0x4f: {  	[sflag:s11] =	ssyncset.done $0x0  }
0x50: {  	[sflag:s11] =	ssyncadd.s32 $0xFFFFD800  }
0x51: {  	[tilespmem:s16], [sflag:$0x2] =	stream.indirect.gather [hbm4b:s4+s13], $0x80, s31, s13, $0xb8;
	[tilespmem:$0x1C080] =	vst v63  }
0x52: {  	_ =	swait.ge [sflag:s24], $0x2800  }
0x53: {  	[sflag:s24] =	ssyncset.done $0x0  }
0x54: {  	[sflag:s24] =	ssyncadd.s32 $0xFFFFD800  }
0x55: {  	[spmem:s1] =	stream.indirect.scatter.add.f32 [tilespmem:s18], [sflag:$0x4], $0x80, s0, s13, $0xb8;
	[tilespmem:$0x1C080] =	vst v63  }
0x56: {  	_ =	swait.ge [sflag:s11], $0x2800  }
0x57: {  	[sflag:s11] =	ssyncset.done $0x0  }
0x58: {  	[sflag:s11] =	ssyncadd.s32 $0xFFFFD800  }
0x59: {  	_ =	swait.ge [sflag:s19], $0x2800  }
0x5a: {  	[sflag:s19] =	ssyncset.done $0x0  }
0x5b: {  	[sflag:s19] =	ssyncadd.s32 $0xFFFFD800  }
0x5c: {  	[spmem:s1] =	stream.indirect.scatter.add.f32 [tilespmem:s14], [sflag:$0x4], $0x80, s2, s13, $0xb8;
	[tilespmem:$0x1C080] =	vst v63  }
0x5d: {  	_ =	swait.ge [sflag:s11], $0x2800  }
0x5e: {  	[sflag:s11] =	ssyncset.done $0x0  }
0x5f: {  	[sflag:s11] =	ssyncadd.s32 $0xFFFFD800  }
0x60: {  	_ =	swait.ge [sflag:s21], $0x2800  }
0x61: {  	[sflag:s21] =	ssyncset.done $0x0  }
0x62: {  	[sflag:s21] =	ssyncadd.s32 $0xFFFFD800  }
0x63: {  	[spmem:s1] =	stream.indirect.scatter.add.f32 [tilespmem:s16], [sflag:$0x4], $0x80, s5, s13, $0xb8;
	[tilespmem:$0x1C080] =	vst v63  }
0x64: {  	_ =	swait.ge [sflag:s11], $0x2800  }
0x65: {  	s8 =	simm.s32 $0x80;
	s6 =	simm.s32 $0x100;
	[sflag:s11] =	ssyncset.done $0x0  }
.LBB2_2:
0x66: {  	s7 =	sadd.s32 s8, s9;
	[sflag:s11] =	ssyncadd.s32 $0xFFFFD800  }
0x67: {  	[tilespmem:s3], [sflag:$0x4] =	stream.linear.gather [hbm4b:s7+s3], $0x400, $0x38;
	[tilespmem:$0x1C080] =	vst v63  }
0x68: {  	s15 =	smov.u32 s6;
	_ =	swait.ge [sflag:s11], $0x400  }
0x69: {  	s10 =	sadd.s32 $0x80, s6;
	s7 =	rddreg [dreg:$0x3];
	[sflag:s11] =	ssyncset.done $0x0  }
0x6a: {  	p0 =	sne.s32 s6, $0x780;
	[sflag:s11] =	ssyncadd.s32 $0xFFFFFC00;
	s6 =	sadd.s32 s8, s7  }
0x6b: {  	[tilespmem:s12], [sflag:$0x4] =	stream.linear.gather [hbm4b:s6+s3], $0x400, $0x38;
	[tilespmem:$0x1C080] =	vst v63  }
0x6c: {  	_ =	swait.ge [sflag:s11], $0x400  }
0x6d: {  	[sflag:s11] =	ssyncset.done $0x0  }
0x6e: {  	[sflag:s11] =	ssyncadd.s32 $0xFFFFFC00  }
0x6f: {  	[tilespmem:s14], [sflag:$0x1] =	stream.indirect.gather [hbm4b:s4+s13], $0x80, s3, s13, $0xb8;
	[tilespmem:$0x1C080] =	vst v63  }
0x70: {  	s8 =	smov.u32 s15;
	s15 =	simm.s32 $0x80  }
0x71: {  	[tilespmem:s16], [sflag:$0x2] =	stream.indirect.gather [hbm4b:s4+s13], $0x80, s15, s13, $0xb8;
	[tilespmem:$0x1C080] =	vst v63  }
0x72: {  	_ = 	snop  }
0x73: {  	[tilespmem:s18], [sflag:$0x3] =	stream.indirect.gather [hbm4b:s4+s13], $0x80, s17, s13, $0xb8;
	[tilespmem:$0x1C080] =	vst v63  }
0x74: {  	_ =	swait.ge [sflag:s19], $0x2800  }
0x75: {  	[sflag:s19] =	ssyncset.done $0x0  }
0x76: {  	[sflag:s19] =	ssyncadd.s32 $0xFFFFD800  }
0x77: {  	[spmem:s1] =	stream.indirect.scatter.add.f32 [tilespmem:s14], [sflag:$0x4], $0x80, s12, s13, $0xb8;
	[tilespmem:$0x1C080] =	vst v63  }
0x78: {  	_ =	swait.ge [sflag:s11], $0x2800  }
0x79: {  	[sflag:s11] =	ssyncset.done $0x0  }
0x7a: {  	[sflag:s11] =	ssyncadd.s32 $0xFFFFD800  }
0x7b: {  	[tilespmem:s14], [sflag:$0x1] =	stream.indirect.gather [hbm4b:s4+s13], $0x80, s20, s13, $0xb8;
	[tilespmem:$0x1C080] =	vst v63  }
0x7c: {  	_ =	swait.ge [sflag:s21], $0x2800  }
0x7d: {  	[sflag:s21] =	ssyncset.done $0x0  }
0x7e: {  	[sflag:s21] =	ssyncadd.s32 $0xFFFFD800  }
0x7f: {  	[spmem:s1] =	stream.indirect.scatter.add.f32 [tilespmem:s16], [sflag:$0x4], $0x80, s22, s13, $0xb8;
	[tilespmem:$0x1C080] =	vst v63  }
0x80: {  	_ =	swait.ge [sflag:s11], $0x2800  }
0x81: {  	[sflag:s11] =	ssyncset.done $0x0  }
0x82: {  	[sflag:s11] =	ssyncadd.s32 $0xFFFFD800  }
0x83: {  	[tilespmem:s16], [sflag:$0x2] =	stream.indirect.gather [hbm4b:s4+s13], $0x80, s23, s13, $0xb8;
	[tilespmem:$0x1C080] =	vst v63  }
0x84: {  	_ =	swait.ge [sflag:s24], $0x2800  }
0x85: {  	[sflag:s24] =	ssyncset.done $0x0  }
0x86: {  	[sflag:s24] =	ssyncadd.s32 $0xFFFFD800  }
0x87: {  	[spmem:s1] =	stream.indirect.scatter.add.f32 [tilespmem:s18], [sflag:$0x4], $0x80, s25, s13, $0xb8;
	[tilespmem:$0x1C080] =	vst v63  }
0x88: {  	_ =	swait.ge [sflag:s11], $0x2800  }
0x89: {  	[sflag:s11] =	ssyncset.done $0x0  }
0x8a: {  	[sflag:s11] =	ssyncadd.s32 $0xFFFFD800  }
0x8b: {  	[tilespmem:s18], [sflag:$0x3] =	stream.indirect.gather [hbm4b:s4+s13], $0x80, s26, s13, $0xb8;
	[tilespmem:$0x1C080] =	vst v63  }
0x8c: {  	_ =	swait.ge [sflag:s19], $0x2800  }
0x8d: {  	[sflag:s19] =	ssyncset.done $0x0  }
0x8e: {  	[sflag:s19] =	ssyncadd.s32 $0xFFFFD800  }
0x8f: {  	[spmem:s1] =	stream.indirect.scatter.add.f32 [tilespmem:s14], [sflag:$0x4], $0x80, s28, s13, $0xb8;
	[tilespmem:$0x1C080] =	vst v63  }
0x90: {  	_ =	swait.ge [sflag:s11], $0x2800  }
0x91: {  	[sflag:s11] =	ssyncset.done $0x0  }
0x92: {  	[sflag:s11] =	ssyncadd.s32 $0xFFFFD800  }
0x93: {  	[tilespmem:s14], [sflag:$0x1] =	stream.indirect.gather [hbm4b:s4+s13], $0x80, s29, s13, $0xb8;
	[tilespmem:$0x1C080] =	vst v63  }
0x94: {  	_ =	swait.ge [sflag:s21], $0x2800  }
0x95: {  	[sflag:s21] =	ssyncset.done $0x0  }
0x96: {  	[sflag:s21] =	ssyncadd.s32 $0xFFFFD800  }
0x97: {  	[spmem:s1] =	stream.indirect.scatter.add.f32 [tilespmem:s16], [sflag:$0x4], $0x80, s30, s13, $0xb8;
	[tilespmem:$0x1C080] =	vst v63  }
0x98: {  	_ =	swait.ge [sflag:s11], $0x2800  }
0x99: {  	[sflag:s11] =	ssyncset.done $0x0  }
0x9a: {  	[sflag:s11] =	ssyncadd.s32 $0xFFFFD800  }
0x9b: {  	[tilespmem:s16], [sflag:$0x2] =	stream.indirect.gather [hbm4b:s4+s13], $0x80, s31, s13, $0xb8;
	[tilespmem:$0x1C080] =	vst v63  }
0x9c: {  	_ =	swait.ge [sflag:s24], $0x2800  }
0x9d: {  	[sflag:s24] =	ssyncset.done $0x0  }
0x9e: {  	[sflag:s24] =	ssyncadd.s32 $0xFFFFD800  }
0x9f: {  	[spmem:s1] =	stream.indirect.scatter.add.f32 [tilespmem:s18], [sflag:$0x4], $0x80, s0, s13, $0xb8;
	[tilespmem:$0x1C080] =	vst v63  }
0xa0: {  	_ =	swait.ge [sflag:s11], $0x2800  }
0xa1: {  	[sflag:s11] =	ssyncset.done $0x0  }
0xa2: {  	[sflag:s11] =	ssyncadd.s32 $0xFFFFD800  }
0xa3: {  	_ =	swait.ge [sflag:s19], $0x2800  }
0xa4: {  	[sflag:s19] =	ssyncset.done $0x0  }
0xa5: {  	[sflag:s19] =	ssyncadd.s32 $0xFFFFD800  }
0xa6: {  	[spmem:s1] =	stream.indirect.scatter.add.f32 [tilespmem:s14], [sflag:$0x4], $0x80, s2, s13, $0xb8;
	[tilespmem:$0x1C080] =	vst v63  }
0xa7: {  	_ =	swait.ge [sflag:s11], $0x2800  }
0xa8: {  	[sflag:s11] =	ssyncset.done $0x0  }
0xa9: {  	[sflag:s11] =	ssyncadd.s32 $0xFFFFD800  }
0xaa: {  	_ =	swait.ge [sflag:s21], $0x2800  }
.Ltmp0:
0xab: {  	[sflag:s21] =	ssyncset.done $0x0;
	(pc) =	sbr.rel @p0 .LBB2_2-.Ltmp0, $4  }
0xac: {  	[sflag:s21] =	ssyncadd.s32 $0xFFFFD800  }
0xad: {  	[spmem:s1] =	stream.indirect.scatter.add.f32 [tilespmem:s16], [sflag:$0x4], $0x80, s5, s13, $0xb8;
	[tilespmem:$0x1C080] =	vst v63  }
0xae: {  	_ =	swait.ge [sflag:s11], $0x2800  }
0xaf: {  	s6 =	smov.u32 s10;
	[sflag:s11] =	ssyncset.done $0x0  }
0xb0: {  	s6 =	sadd.s32 s8, s9;
	[sflag:s11] =	ssyncadd.s32 $0xFFFFD800  }
0xb1: {  	[tilespmem:s3], [sflag:$0x4] =	stream.linear.gather [hbm4b:s6+s3], $0x400, $0x38;
	[tilespmem:$0x1C080] =	vst v63  }
0xb2: {  	_ =	swait.ge [sflag:s11], $0x400  }
0xb3: {  	s7 =	rddreg [dreg:$0x3];
	[sflag:s11] =	ssyncset.done $0x0  }
0xb4: {  	s6 =	sadd.s32 s8, s7;
	[sflag:s11] =	ssyncadd.s32 $0xFFFFFC00  }
0xb5: {  	[tilespmem:s12], [sflag:$0x4] =	stream.linear.gather [hbm4b:s6+s3], $0x400, $0x38;
	[tilespmem:$0x1C080] =	vst v63  }
0xb6: {  	_ =	swait.ge [sflag:s11], $0x400  }
0xb7: {  	[sflag:s11] =	ssyncset.done $0x0  }
0xb8: {  	[sflag:s11] =	ssyncadd.s32 $0xFFFFFC00  }
0xb9: {  	[tilespmem:s14], [sflag:$0x1] =	stream.indirect.gather [hbm4b:s4+s13], $0x80, s3, s13, $0xb8;
	[tilespmem:$0x1C080] =	vst v63  }
0xba: {  	s10 =	simm.s32 $0x80  }
0xbb: {  	[tilespmem:s16], [sflag:$0x2] =	stream.indirect.gather [hbm4b:s4+s13], $0x80, s10, s13, $0xb8;
	[tilespmem:$0x1C080] =	vst v63  }
0xbc: {  	_ = 	snop  }
0xbd: {  	[tilespmem:s18], [sflag:$0x3] =	stream.indirect.gather [hbm4b:s4+s13], $0x80, s17, s13, $0xb8;
	[tilespmem:$0x1C080] =	vst v63  }
0xbe: {  	_ =	swait.ge [sflag:s19], $0x2800  }
0xbf: {  	[sflag:s19] =	ssyncset.done $0x0  }
0xc0: {  	[sflag:s19] =	ssyncadd.s32 $0xFFFFD800  }
0xc1: {  	[spmem:s1] =	stream.indirect.scatter.add.f32 [tilespmem:s14], [sflag:$0x4], $0x80, s12, s13, $0xb8;
	[tilespmem:$0x1C080] =	vst v63  }
0xc2: {  	_ =	swait.ge [sflag:s11], $0x2800  }
0xc3: {  	[sflag:s11] =	ssyncset.done $0x0  }
0xc4: {  	[sflag:s11] =	ssyncadd.s32 $0xFFFFD800  }
0xc5: {  	[tilespmem:s14], [sflag:$0x1] =	stream.indirect.gather [hbm4b:s4+s13], $0x80, s20, s13, $0xb8;
	[tilespmem:$0x1C080] =	vst v63  }
0xc6: {  	_ =	swait.ge [sflag:s21], $0x2800  }
0xc7: {  	[sflag:s21] =	ssyncset.done $0x0  }
0xc8: {  	[sflag:s21] =	ssyncadd.s32 $0xFFFFD800  }
0xc9: {  	[spmem:s1] =	stream.indirect.scatter.add.f32 [tilespmem:s16], [sflag:$0x4], $0x80, s22, s13, $0xb8;
	[tilespmem:$0x1C080] =	vst v63  }
0xca: {  	_ =	swait.ge [sflag:s11], $0x2800  }
0xcb: {  	[sflag:s11] =	ssyncset.done $0x0  }
0xcc: {  	[sflag:s11] =	ssyncadd.s32 $0xFFFFD800  }
0xcd: {  	[tilespmem:s16], [sflag:$0x2] =	stream.indirect.gather [hbm4b:s4+s13], $0x80, s23, s13, $0xb8;
	[tilespmem:$0x1C080] =	vst v63  }
0xce: {  	_ =	swait.ge [sflag:s24], $0x2800  }
0xcf: {  	[sflag:s24] =	ssyncset.done $0x0  }
0xd0: {  	[sflag:s24] =	ssyncadd.s32 $0xFFFFD800  }
0xd1: {  	[spmem:s1] =	stream.indirect.scatter.add.f32 [tilespmem:s18], [sflag:$0x4], $0x80, s25, s13, $0xb8;
	[tilespmem:$0x1C080] =	vst v63  }
0xd2: {  	_ =	swait.ge [sflag:s11], $0x2800  }
0xd3: {  	[sflag:s11] =	ssyncset.done $0x0  }
0xd4: {  	[sflag:s11] =	ssyncadd.s32 $0xFFFFD800  }
0xd5: {  	[tilespmem:s18], [sflag:$0x3] =	stream.indirect.gather [hbm4b:s4+s13], $0x80, s26, s13, $0xb8;
	[tilespmem:$0x1C080] =	vst v63  }
0xd6: {  	_ =	swait.ge [sflag:s19], $0x2800  }
0xd7: {  	[sflag:s19] =	ssyncset.done $0x0  }
0xd8: {  	[sflag:s19] =	ssyncadd.s32 $0xFFFFD800  }
0xd9: {  	[spmem:s1] =	stream.indirect.scatter.add.f32 [tilespmem:s14], [sflag:$0x4], $0x80, s28, s13, $0xb8;
	[tilespmem:$0x1C080] =	vst v63  }
0xda: {  	_ =	swait.ge [sflag:s11], $0x2800  }
0xdb: {  	[sflag:s11] =	ssyncset.done $0x0  }
0xdc: {  	[sflag:s11] =	ssyncadd.s32 $0xFFFFD800  }
0xdd: {  	[tilespmem:s14], [sflag:$0x1] =	stream.indirect.gather [hbm4b:s4+s13], $0x80, s29, s13, $0xb8;
	[tilespmem:$0x1C080] =	vst v63  }
0xde: {  	_ =	swait.ge [sflag:s21], $0x2800  }
0xdf: {  	[sflag:s21] =	ssyncset.done $0x0  }
0xe0: {  	[sflag:s21] =	ssyncadd.s32 $0xFFFFD800  }
0xe1: {  	[spmem:s1] =	stream.indirect.scatter.add.f32 [tilespmem:s16], [sflag:$0x4], $0x80, s30, s13, $0xb8;
	[tilespmem:$0x1C080] =	vst v63  }
0xe2: {  	_ =	swait.ge [sflag:s11], $0x2800  }
0xe3: {  	[sflag:s11] =	ssyncset.done $0x0  }
0xe4: {  	[sflag:s11] =	ssyncadd.s32 $0xFFFFD800  }
0xe5: {  	[tilespmem:s16], [sflag:$0x2] =	stream.indirect.gather [hbm4b:s4+s13], $0x80, s31, s13, $0xb8;
	[tilespmem:$0x1C080] =	vst v63  }
0xe6: {  	_ =	swait.ge [sflag:s24], $0x2800  }
0xe7: {  	[sflag:s24] =	ssyncset.done $0x0  }
0xe8: {  	[sflag:s24] =	ssyncadd.s32 $0xFFFFD800  }
0xe9: {  	[spmem:s1] =	stream.indirect.scatter.add.f32 [tilespmem:s18], [sflag:$0x4], $0x80, s0, s13, $0xb8;
	[tilespmem:$0x1C080] =	vst v63  }
0xea: {  	_ =	swait.ge [sflag:s11], $0x2800  }
0xeb: {  	[sflag:s11] =	ssyncset.done $0x0  }
0xec: {  	[sflag:s11] =	ssyncadd.s32 $0xFFFFD800  }
0xed: {  	_ =	swait.ge [sflag:s19], $0x2800  }
0xee: {  	[sflag:s19] =	ssyncset.done $0x0  }
0xef: {  	[sflag:s19] =	ssyncadd.s32 $0xFFFFD800  }
0xf0: {  	[spmem:s1] =	stream.indirect.scatter.add.f32 [tilespmem:s14], [sflag:$0x4], $0x80, s2, s13, $0xb8;
	[tilespmem:$0x1C080] =	vst v63  }
0xf1: {  	_ =	swait.ge [sflag:s11], $0x2800  }
0xf2: {  	[sflag:s11] =	ssyncset.done $0x0  }
0xf3: {  	[sflag:s11] =	ssyncadd.s32 $0xFFFFD800  }
0xf4: {  	_ =	swait.ge [sflag:s21], $0x2800  }
0xf5: {  	[sflag:s21] =	ssyncset.done $0x0  }
0xf6: {  	[sflag:s21] =	ssyncadd.s32 $0xFFFFD800  }
0xf7: {  	[spmem:s1] =	stream.indirect.scatter.add.f32 [tilespmem:s16], [sflag:$0x4], $0x80, s5, s13, $0xb8;
	[tilespmem:$0x1C080] =	vst v63  }
0xf8: {  	_ =	swait.ge [sflag:s11], $0x2800  }
0xf9: {  	[sflag:s11] =	ssyncset.done $0x0  }
0xfa: {  	[sflag:s11] =	ssyncadd.s32 $0xFFFFD800  }
0xfb: {  	[bflag:$0x0] =	sbarrier.arrive $0xFFFF  }
0xfc: {  	s10 =	rddreg [dreg:$0x5]  }
0xfd: {  	s15 =	rddreg [dreg:$0x6]  }
0xfe: {  	s7 =	rddreg [dreg:$0x8]  }
0xff: {  	[hbm:s15], [sflag:s10] =	dma.local [spmem:s7], $0x2800  }
0x100: {  	_ =	swait.ge [sflag:s11], $0x2800  }
0x101: {  	s6 =	rddreg [dreg:$0x9]  }
0x102: {  	s15 =	rddreg [dreg:$0x7];
	s8 =	sadd.s32 $0x1, s6  }
0x103: {  	p0 =	sne.s32 s8, s15  }
.Ltmp1:
0x104: {  	_ = 	snop;
	(pc) =	sbr.rel @p0 .LBB2_1-.Ltmp1, $3  }
0x105: {  	_ =	sdelay $0x1  }
0x106: {  	[sflag:s11] =	ssyncset.done $0x0  }
0x107: {  	[sflag:s11] =	ssyncadd.s32 $0xFFFFD800  }
0x108: {  	_ =	sfence.sel $0x180000  }
0x109: {  	[bflag:$0x0] =	sbarrier.arrive $0xFFFF  }
0x10a: {  	_ =	strace $0x9000004D  }
0x10b: {  	s0 =	stileid.u32;
	[bflag:$0x2] =	sbarrier.arrive $0xFFFF  }
0x10c: {  	p0 =	sne.s32 s0, $0x0;
	s0 =	rddreg [dreg:$0x2]  }
0x10d: {  	s0 =	sadd.s32 @!p0 $0x100000, s0  }
0x10e: {  	[sflag:s0] =	ssyncadd.tile.s32 @!p0 $0x1;
	_ =	shalt  }
.Lfunc_end2:
_tile_overlayer_lowered:
.L_overlay_start_2:
0x10f: {  	(tag) =	ssettag $0x2  }
0x110: {  	s0 =	rddreg [dreg:$0x0];
	s2 =	stileid.u32  }
0x111: {  	s1 =	rddreg [dreg:$0x1];
	p0 =	sne.s32 s2, $0x0  }
0x112: {  	s3 =	rddreg [dreg:$0x2];
	[bflag:$0x3] =	sbarrier.arrive $0xFFFF;
	s2 =	simm.s32 @!p0 $0x1C04  }
0x113: {  	[timem:s3], [sflag:s2] =	dma.local @!p0 [hbm:s0], s1  }
0x114: {  	s0 =	simm.s32 @!p0 $0x4  }
0x115: {  	_ =	swait.ge @!p0 [sflag:s0], s1  }
0x116: {  	s1 =	ssub.s32 @!p0 $0x0, s1;
	[sflag:s0] =	ssyncset.done @!p0 $0x0  }
0x117: {  	[sflag:s0] =	ssyncadd.s32 @!p0 s1  }
0x118: {  	[bflag:$0x3] =	sbarrier.arrive $0xFFFF  }
0x119: {  	_ =	shalt  }

// kernel: kernel.9.cloned.1.call-start
scs
__scs_entry_jumppad:
0x0: {  	(pc) =	sbr.rel $0x88, $3  }
0x1: {  	(tag) =	ssettag $0x0;
	lr =	simm.s32 $0x1  }
0x2: {  	[smem:$0x3F98] =	sst lr;
	_ =	strace $0xD0000000  }
0x3: {  	_ = 	snop  }
0x4: {  	_ = 	snop  }
0x5: {  	_ = 	snop  }
0x6: {  	_ = 	snop  }
0x7: {  	_ = 	snop  }
__scs_overlays_trampoline_lowered:
0x8: {  	[smem:$0x3FA7] =	sst s0  }
0x9: {  	[smem:$0x3FA8] =	sst s1  }
0xa: {  	[smem:$0x3FA9] =	sst s2  }
0xb: {  	[smem:$0x3FAA] =	sst s3  }
0xc: {  	[smem:$0x3FAB] =	sst s4  }
0xd: {  	[smem:$0x3FAC] =	sst s5  }
0xe: {  	[smem:$0x3FAD] =	sst s6  }
0xf: {  	[smem:$0x3FAE] =	sst s7  }
0x10: {  	[smem:$0x3FAF] =	sst s8  }
0x11: {  	[smem:$0x3FB0] =	sst s9;
	s0 =	simm.s32 @!p0 $0x0  }
0x12: {  	s1 =	sld [smem:$0x3F96];
	s0 =	simm.s32 @p0 $0x1  }
0x13: {  	[smem:$0x3FB1] =	sst s0;
	s0 =	simm.s32 @!p1 $0x0  }
0x14: {  	s2 =	sld [smem:$0x3F95];
	s0 =	simm.s32 @p1 $0x1  }
0x15: {  	[smem:$0x3FB2] =	sst s0;
	s0 =	simm.s32 @!p2 $0x0  }
0x16: {  	s3 =	sld [smem:$0x3FDB];
	s0 =	simm.s32 @p2 $0x1  }
0x17: {  	s4 =	simm.s32 $0x1BF5;
	[smem:$0x3FB4] =	sst s0  }
0x18: {  	s0 =	sld [smem:$0x3F97];
	_ =	swait.ge [sflag:s4], $0x0  }
0x19: {  	s7 =	sld [smem:$0x3F98]  }
0x1a: {  	s8 =	sadd.s32 $0xFFFFE003, lr  }
0x1b: {  	s9 =	sadd.s32 $0xFFFFFEF7, lr;
	s5 =	simm.s32 $0xFFFFFFFF;
	p2 =	slt.u32 s8, $0xFFFFF086  }
0x1c: {  	p1 =	slt.u32 s9, $0xF7A;
	s5 =	simm.s32 @!p2 $0x0  }
0x1d: {  	s5 =	simm.s32 @p1 $0x1;
	p0 =	seq.s32 s7, s2  }
0x1e: {  	s7 =	smul.u32 @!p0 $0xF7A, s2;
	p2 =	seq.s32 @!p0 s5, $0x0  }
0x1f: {  	s9 =	smul.u32 $0xF7A, s1;
	s8 =	simm.s32 @!p0 $0x1BF5;
	p2 =	por !p2, p0  }
0x20: {  	[sflag:s8] =	ssyncset.s32 @!p0 $0xFFFFF086;
	s6 =	sadd.s32 @!p0 s3, s7;
	s7 =	simm.s32 @!p0 $0x108  }
0x21: {  	s3 =	sadd.s32 s3, s9;
	s6 =	sadd.s32 @!p0 $0x88, s6;
	s7 =	simm.s32 @p2 $0x1082  }
0x22: {  	[simem:s7], [sflag:s8] =	dma.local @!p0 [hbm:s6], $0xF7A  }
0x23: {  	s9 =	sor.u32 $0xD0000000, s2;
	s6 =	simm.s32 $0x108;
	_ =	swait.ge @!p0 [sflag:s8], $0x0  }
0x24: {  	s3 =	sadd.s32 $0x88, s3;
	s6 =	simm.s32 @!p1 $0x1082;
	[sflag:s4] =	ssyncset.s32 $0xFFFFF086  }
0x25: {  	[simem:s6], [sflag:s4] =	dma.local [hbm:s3], $0xF7A  }
0x26: {  	[smem:$0x3F98] =	sst s1;
	(tag) =	ssettag s2;
	_ =	strace s9  }
0x27: {  	s1 =	sld [smem:$0x3FA8]  }
0x28: {  	s2 =	sld [smem:$0x3FA9]  }
0x29: {  	s4 =	sld [smem:$0x3FAB]  }
0x2a: {  	p0 =	seq.s32 s5, $0x0;
	s5 =	sld [smem:$0x3FAC]  }
0x2b: {  	s6 =	sld [smem:$0x3FAD]  }
0x2c: {  	s7 =	sld [smem:$0x3FAE]  }
0x2d: {  	s3 =	simm.s32 $0x108;
	s8 =	sld [smem:$0x3FAF]  }
0x2e: {  	s3 =	simm.s32 @!p0 $0x1082;
	s9 =	sld [smem:$0x3FB0]  }
0x2f: {  	lr =	sadd.s32 s0, s3;
	s0 =	sld [smem:$0x3FA7]  }
0x30: {  	s3 =	sld [smem:$0x3FAA]  }
0x31: {  	[smem:$0x3FB3] =	sst s10  }
0x32: {  	s10 =	sld [smem:$0x3FB1];
	_ =	sdelay $0x3  }
0x33: {  	p0 =	seq.s32 s10, $0x1;
	s10 =	sld [smem:$0x3FB3];
	_ =	sdelay $0x3  }
0x34: {  	[smem:$0x3FB3] =	sst s10  }
0x35: {  	s10 =	sld [smem:$0x3FB2];
	_ =	sdelay $0x3  }
0x36: {  	p1 =	seq.s32 s10, $0x1;
	s10 =	sld [smem:$0x3FB3];
	_ =	sdelay $0x3  }
0x37: {  	[smem:$0x3FB3] =	sst s10  }
0x38: {  	s10 =	sld [smem:$0x3FB4]  }
0x39: {  	_ = 	snop;
	(pc) =	sbr.ind lr, $3  }
0x3a: {  	_ = 	snop  }
0x3b: {  	_ = 	snop  }
0x3c: {  	p2 =	seq.s32 s10, $0x1;
	s10 =	sld [smem:$0x3FB3]  }
0x3d: {  	_ =	shalt  }
0x3e: {  	_ =	shalt  }
0x3f: {  	_ =	shalt  }
0x40: {  	_ =	shalt  }
0x41: {  	_ =	shalt  }
0x42: {  	_ =	shalt  }
0x43: {  	_ =	shalt  }
0x44: {  	_ =	shalt  }
0x45: {  	_ =	shalt  }
0x46: {  	_ =	shalt  }
0x47: {  	_ =	shalt  }
0x48: {  	_ =	shalt  }
0x49: {  	_ =	shalt  }
0x4a: {  	_ =	shalt  }
0x4b: {  	_ =	shalt  }
0x4c: {  	_ =	shalt  }
0x4d: {  	_ =	shalt  }
0x4e: {  	_ =	shalt  }
0x4f: {  	_ =	shalt  }
0x50: {  	_ =	shalt  }
0x51: {  	_ =	shalt  }
0x52: {  	_ =	shalt  }
0x53: {  	_ =	shalt  }
0x54: {  	_ =	shalt  }
0x55: {  	_ =	shalt  }
0x56: {  	_ =	shalt  }
0x57: {  	_ =	shalt  }
0x58: {  	_ =	shalt  }
0x59: {  	_ =	shalt  }
0x5a: {  	_ =	shalt  }
0x5b: {  	_ =	shalt  }
0x5c: {  	_ =	shalt  }
0x5d: {  	_ =	shalt  }
0x5e: {  	_ =	shalt  }
0x5f: {  	_ =	shalt  }
0x60: {  	_ =	shalt  }
0x61: {  	_ =	shalt  }
0x62: {  	_ =	shalt  }
0x63: {  	_ =	shalt  }
0x64: {  	_ =	shalt  }
0x65: {  	_ =	shalt  }
0x66: {  	_ =	shalt  }
0x67: {  	_ =	shalt  }
0x68: {  	_ =	shalt  }
0x69: {  	_ =	shalt  }
0x6a: {  	_ =	shalt  }
0x6b: {  	_ =	shalt  }
0x6c: {  	_ =	shalt  }
0x6d: {  	_ =	shalt  }
0x6e: {  	_ =	shalt  }
0x6f: {  	_ =	shalt  }
0x70: {  	_ =	shalt  }
0x71: {  	_ =	shalt  }
0x72: {  	_ =	shalt  }
0x73: {  	_ =	shalt  }
0x74: {  	_ =	shalt  }
0x75: {  	_ =	shalt  }
0x76: {  	_ =	shalt  }
0x77: {  	_ =	shalt  }
0x78: {  	_ =	shalt  }
0x79: {  	_ =	shalt  }
0x7a: {  	_ =	shalt  }
0x7b: {  	_ =	shalt  }
0x7c: {  	_ =	shalt  }
0x7d: {  	_ =	shalt  }
0x7e: {  	_ =	shalt  }
0x7f: {  	_ =	shalt  }
0x80: {  	_ =	shalt  }
0x81: {  	_ =	shalt  }
0x82: {  	_ =	shalt  }
0x83: {  	_ =	shalt  }
0x84: {  	_ =	shalt  }
0x85: {  	_ =	shalt  }
0x86: {  	_ =	shalt  }
0x87: {  	_ =	shalt  }
.Lfunc_end0:
.L_simem_size_0:
called_computation_lowered:
.L_overlay_start_0:
0x88: {  	s2 =	sld [smem:$0x3FD9]  }
0x89: {  	s3 =	sld [smem:$0x3FFE];
	_ =	sdelay $0x1  }
0x8a: {  	s1 =	srdreg.scid  }
0x8b: {  	s0 =	sand.u32 $0x1, s1  }
0x8c: {  	s16 =	sshll.u32 s0, $0xA;
	s2 =	sadd.s32 s3, s2  }
0x8d: {  	s2 =	sadd.s32 s2, s16  }
0x8e: {  	[smem:$0x3FBF] =	sst s2  }
0x8f: {  	_ = 	snop  }
0x90: {  	(tm) =	ssettm $0x1  }
0x91: {  	s17 =	sld [smem:$0x3FFB];
	_ =	sdelay $0x3  }
0x92: {  	_ =	strace s17  }
0x93: {  	s2 =	sld [smem:$0x3FFC];
	_ =	sdelay $0x3  }
0x94: {  	_ =	strace s2  }
0x95: {  	s2 =	sld [smem:$0x3FFD];
	_ =	sdelay $0x3  }
0x96: {  	_ =	strace s2  }
0x97: {  	_ =	strace $0x8FFFFFFF  }
0x98: {  	s18 =	sld [smem:$0x3FDB];
	_ =	sdelay $0x1  }
0x99: {  	s19 =	simm.s32 $_scs_section_size  }
0x9a: {  	s4 =	simm.s32 $_size__tile_overlayer_lowered;
	s5 =	simm.s32 $_tile_overlayer_lowered  }
0x9b: {  	s22 =	simm.s32 $0x1BFF;
	s21 =	sshll.u32 s5, $0x1;
	s2 =	sadd.s32 s19, s18  }
0x9c: {  	s6 =	simm.s32 $0x0;
	s20 =	sshll.u32 s4, $0x1;
	s4 =	sadd.s32 s21, s2  }
0x9d: {  	[timem:s6], [sflag:s22] =	dma.local [hbm:s4], s20  }
0x9e: {  	_ =	swait.ge [sflag:s22], s20  }
0x9f: {  	s3 =	ssub.s32 $0x0, s20;
	[sflag:s22] =	ssyncset.done $0x0  }
0xa0: {  	[sflag:s22] =	ssyncadd.s32 s3;
	_ =	sdelay $0x1  }
0xa1: {  	s23 =	simm.s32 $0x1B8B  }
0xa2: {  	_ =	swait.ge [sflag:s23], $0x1  }
0xa3: {  	[sflag:s23] =	ssyncset.done $0x0  }
0xa4: {  	s25 =	simm.s32 $0x1B8E;
	s24 =	sld [smem:$0x3FFE];
	[sflag:s23] =	ssyncadd.s32 $0xFFFFFFFF  }
0xa5: {  	s26 =	simm.s32 $execute0_lowered;
	[smem:$0x3FD2] =	sst s25  }
0xa6: {  	s4 =	sshll.u32 s26, $0x1;
	_ =	strace $0x80000046;
	[dreg:$0x1] =	wrdreg $0xFFFFFFFF  }
0xa7: {  	s28 =	simm.s32 $_size_execute0_lowered;
	s2 =	sadd.s32 s2, s4;
	[dreg:$0x0] =	wrdreg $0x0  }
0xa8: {  	s4 =	sshll.u32 s28, $0x1;
	[dreg:$0x2] =	wrdreg s2  }
0xa9: {  	[dreg:$0x3] =	wrdreg s4  }
0xaa: {  	[dreg:$0x4] =	wrdreg $0xC0  }
0xab: {  	_ =	task [dreg:s6], $0x5FFFF  }
0xac: {  	[dreg:$0x1] =	wrdreg $0xFFFFFFFF  }
0xad: {  	[dreg:$0x0] =	wrdreg $0x60  }
0xae: {  	[dreg:$0x2] =	wrdreg s24  }
0xaf: {  	[dreg:$0x3] =	wrdreg $0x54000  }
0xb0: {  	[dreg:$0x4] =	wrdreg $0x9  }
0xb1: {  	_ =	task.clear_ibuf [dreg:s6], $0x5FFFF;
	_ =	strace $0x90000046  }
0xb2: {  	s29 =	simm.s32 $0x9;
	_ =	strace $0x80000048  }
0xb3: {  	_ =	swait.ge [sflag:s29], $0x1  }
0xb4: {  	[sflag:s29] =	ssyncadd.s32 $0xFFFFFFFF  }
0xb5: {  	_ =	strace $0x90000048  }
0xb6: {  	_ =	sfence  }
0xb7: {  	s30 =	sld [smem:$0x0];
	_ =	sdelay $0x2  }
0xb8: {  	s31 =	sshll.u32 s1, $0xD;
	s1 =	sshrl.u32 s1, $0x2  }
0xb9: {  	s3 =	sand.u32 $0x4000, s31;
	s1 =	sadd.s32 s1, s30  }
0xba: {  	s0 =	sor.u32 s3, s0;
	s1 =	sshll.u32 s1, $0x11  }
0xbb: {  	s0 =	sor.u32 s1, s0  }
0xbc: {  	s0 =	sadd.s32 $0x8F2B, s0  }
0xbd: {  	[sflag:s0] =	ssyncadd.remote.s32 $0x1  }
0xbe: {  	_ =	sfence.sel $0xFFFF  }
0xbf: {  	[dreg:$0x0] =	wrdreg $0xFFFFFFFF;
	(pc) =	sbr.abs _section_cstart, $3  }
0xc0: {  	[dreg:$0x1] =	wrdreg $0xFFFFFFFF  }
0xc1: {  	_ =	task.clear_ibuf [dreg:s6], $0x2FFFF;
	_ =	strace $0x9FFFFFFF  }
0xc2: {  	(tm) =	ssettm $0x7FFFFFFF  }
0xc3: {  	_ =	shalt  }
tec
execute0_lowered:
.L_overlay_start_1:
0x0: {  	(tag) =	ssettag $0x1  }
0x1: {  	s0 =	srdreg.scid;
	s7 =	rddreg [dreg:$0x0]  }
0x2: {  	s2 =	rddreg [dreg:$0x1];
	s6 =	sand.u32 $0x1, s0;
	s0 =	stileid.u32  }
0x3: {  	s3 =	simm.s32 $0x0;
	s13 =	simm.s32 $0x80;
	s8 =	smul.u32 $0x2800, s0  }
0x4: {  	s14 =	simm.s32 $0x0;
	[smem:$0x7FF] =	sst s3;
	s9 =	smul.u32 $0x28000, s6  }
0x5: {  	s5 =	sadd.s32 $0x7C00, s7;
	s1 =	sshll.u32 s6, $0x4;
	s11 =	smul.u32 $0x50000, s0  }
0x6: {  	s6 =	ssub.s32 $0x2, s6;
	s31 =	sshll.u32 s0, $0x6;
	s4 =	sor.u32 s0, s1  }
0x7: {  	s1 =	rddreg [dreg:$0x2];
	_ =	strace $0x80000047;
	s29 =	sshrl.u32 s6, $0x1  }
0x8: {  	s4 =	smul.u32 $0x280, s4;
	s8 =	sadd.s32 s8, s9;
	s30 =	sshrl.u32 s11, $0x2  }
0x9: {  	s9 =	simm.s32 $0x1;
	s11 =	sor.u32 $0x1C01, s31;
	s12 =	sadd.s32 s30, s2  }
0xa: {  	s10 =	sadd.s32 s4, s7;
	s4 =	sadd.s32 $0x7400, s7;
	s7 =	sadd.s32 s8, s7  }
0xb: {  	s8 =	ssub.s32 s6, s29;
	s12 =	sshrl.u32 s12, $0x3;
	s6 =	sadd.s32 $0x2400, s10  }
0xc: {  	s7 =	sadd.s32 $0xA400, s7;
	s8 =	smax.u32 s8, $0x1;
	s10 =	simm.s32 $0x1400  }
.LBB2_1:
0xd: {  	[tilespmem:s3], [sflag:$0x1] =	stream.linear.gather [hbm4b:s6+s3], $0x1400, $0x38;
	[tilespmem:$0x7C10] =	vst v63  }
0xe: {  	_ =	swait.ge [sflag:s9], $0x1400  }
0xf: {  	[sflag:s9] =	ssyncset.done $0x0  }
0x10: {  	[sflag:s9] =	ssyncadd.s32 $0xFFFFEC00  }
0x11: {  	[tilespmem:s10], [sflag:$0x1] =	stream.linear.gather [hbm4b:s4+s3], $0x4000, $0x38;
	[tilespmem:$0x7C10] =	vst v63  }
0x12: {  	_ =	swait.ge [sflag:s9], $0x4000  }
0x13: {  	[sflag:s9] =	ssyncset.done $0x0  }
0x14: {  	[sflag:s9] =	ssyncadd.s32 $0xFFFFC000  }
0x15: {  	[spmem:s12], [sflag:s11] =	dma.local [hbm:s5], $0x2800  }
0x16: {  	_ =	swait.ge [sflag:s9], $0x2800  }
0x17: {  	[sflag:s9] =	ssyncset.done $0x0  }
0x18: {  	[sflag:s9] =	ssyncadd.s32 $0xFFFFD800  }
0x19: {  	s15 =	simm.s32 $0x0;
	[bflag:$0x0] =	sbarrier.arrive $0xFFFF  }
0x1a: {  	[spmem:s2] =	stream.indirect.scatter.add.f32 [tilespmem:s10], [sflag:$0x1], $0x10, s15, s13, $0xb8;
	[tilespmem:$0x7C10] =	vst v63  }
0x1b: {  	_ =	swait.ge [sflag:s9], $0x800  }
0x1c: {  	s15 =	simm.s32 $0x200;
	[sflag:s9] =	ssyncset.done $0x0  }
.LBB2_2:
0x1d: {  	s16 =	sshra.s32 s15, $0x2;
	[sflag:s9] =	ssyncadd.s32 $0xFFFFF800;
	p0 =	sne.s32 s15, $0x4E00  }
0x1e: {  	[spmem:s2] =	stream.indirect.scatter.add.f32 [tilespmem:s10], [sflag:$0x1], $0x10, s16, s13, $0xb8;
	[tilespmem:$0x7C10] =	vst v63  }
.Ltmp0:
0x1f: {  	_ = 	snop;
	(pc) =	sbr.rel @p0 .LBB2_2-.Ltmp0, $4  }
0x20: {  	_ = 	snop  }
0x21: {  	s15 =	sadd.s32 $0x200, s15  }
0x22: {  	_ =	swait.ge [sflag:s9], $0x800  }
0x23: {  	[sflag:s9] =	ssyncset.done $0x0  }
0x24: {  	s14 =	sadd.s32 $0x1, s14  }
0x25: {  	[sflag:s9] =	ssyncadd.s32 $0xFFFFF800;
	p0 =	sne.s32 s14, s8  }
.Ltmp1:
0x26: {  	[bflag:$0x0] =	sbarrier.arrive $0xFFFF;
	(pc) =	sbr.rel @p0 .LBB2_1-.Ltmp1, $4  }
0x27: {  	[hbm:s7], [sflag:s11] =	dma.local [spmem:s12], $0x2800  }
0x28: {  	_ =	swait.ge [sflag:s9], $0x2800  }
0x29: {  	[sflag:s9] =	ssyncset.done $0x0  }
0x2a: {  	[sflag:s9] =	ssyncadd.s32 $0xFFFFD800  }
0x2b: {  	_ =	sfence.sel $0x180000  }
0x2c: {  	[bflag:$0x0] =	sbarrier.arrive $0xFFFF  }
0x2d: {  	p0 =	sne.s32 s0, $0x0;
	_ =	strace $0x90000047  }
0x2e: {  	s0 =	sadd.s32 @!p0 $0x100000, s1;
	[bflag:$0x2] =	sbarrier.arrive $0xFFFF  }
0x2f: {  	[sflag:s0] =	ssyncadd.tile.s32 @!p0 $0x1;
	_ =	shalt  }
.Lfunc_end2:
_tile_overlayer_lowered:
.L_overlay_start_2:
0x30: {  	(tag) =	ssettag $0x2  }
0x31: {  	s0 =	rddreg [dreg:$0x0];
	s2 =	stileid.u32  }
0x32: {  	s1 =	rddreg [dreg:$0x1];
	p0 =	sne.s32 s2, $0x0  }
0x33: {  	s3 =	rddreg [dreg:$0x2];
	[bflag:$0x3] =	sbarrier.arrive $0xFFFF;
	s2 =	simm.s32 @!p0 $0x1C01  }
0x34: {  	[timem:s3], [sflag:s2] =	dma.local @!p0 [hbm:s0], s1  }
0x35: {  	s0 =	simm.s32 @!p0 $0x1  }
0x36: {  	_ =	swait.ge @!p0 [sflag:s0], s1  }
0x37: {  	s1 =	ssub.s32 @!p0 $0x0, s1;
	[sflag:s0] =	ssyncset.done @!p0 $0x0  }
0x38: {  	[sflag:s0] =	ssyncadd.s32 @!p0 s1  }
0x39: {  	[bflag:$0x3] =	sbarrier.arrive $0xFFFF  }
0x3a: {  	_ =	shalt  }

</sc_bundles>
